<compile_context>
chip_gen: v7x
topology: tpu7x:2x2x1
jax: 0.10.2.dev20260603
libtpu: 0.0.44.dev20260713+nightly
codegen_flags: <defaults>
</compile_context>

<pallas_src>
import jax
import jax.numpy as jnp
from jax import lax
from jax.experimental import pallas as pl
from jax.experimental.pallas import tpu as pltpu
from jax.experimental.pallas import tpu_sc as plsc

N_NODES = 10000
N_EDGES = 320000
D = 128

NC = 2
NS = 16
NW = NC * NS

CHUNK = 128
N_PAD = 10240
N_ACC = 10496
DUMMY = N_PAD

LN_EPS = 1e-5


def _fill(ref, rows, width, value):
  nvec = width // 16
  val = jnp.full((16,), value, jnp.float32)

  def body(t, _):
    i = t // nvec
    j = t % nvec
    ref[i, pl.ds(j * 16, 16)] = val
    return _

  lax.fori_loop(0, rows * nvec, body, None)


def _zero_shared(acc, zbuf, s, rows_per_w, width):
  base = s * rows_per_w
  nfull = rows_per_w // 128
  rem = rows_per_w - nfull * 128
  for k in range(nfull):
    pltpu.sync_copy(zbuf, acc.at[pl.ds(base + k * 128, 128)])
  if rem:
    pltpu.sync_copy(zbuf.at[pl.ds(0, rem)], acc.at[pl.ds(base + nfull * 128, rem)])


def _make_segsum(e_pad, with_deg=False):
  e_per_w = e_pad // NW
  n_chunks = e_per_w // CHUNK
  mesh = plsc.VectorSubcoreMesh(core_axis_name="c", subcore_axis_name="s")

  out_s_t = jax.ShapeDtypeStruct((NC, N_PAD, D), jnp.float32)
  out_type = (out_s_t, out_s_t) if with_deg else out_s_t
  scratch = [
      pltpu.VMEM((CHUNK,), jnp.int32),
      pltpu.VMEM((CHUNK,), jnp.int32),
      pltpu.VMEM((CHUNK, D), jnp.float32),
      pltpu.VMEM((CHUNK, D), jnp.float32),
      pltpu.VMEM_SHARED((N_ACC, D), jnp.float32),
      pltpu.SemaphoreType.DMA,
  ]

  def body(h, src, dst, *rest):
    if with_deg:
      out_s, out_d, sidx, didx, rows, ones, acc, sem = rest
    else:
      out_s, sidx, didx, rows, ones, acc, sem = rest
    c = lax.axis_index("c")
    s = lax.axis_index("s")
    wid = c * NS + s
    ob = s * (N_PAD // NS)
    base0 = wid * e_per_w

    _fill(rows, CHUNK, D, 0.0)
    _zero_shared(acc, rows, s, N_ACC // NS, D)
    plsc.subcore_barrier()

    if with_deg:
      _fill(ones, CHUNK, D, 1.0)

      def dstep(i, _):
        b = base0 + i * CHUNK
        pltpu.sync_copy(dst.at[pl.ds(b, CHUNK)], didx)
        pltpu.sync_copy(ones, acc.at[didx], add=True)
        return _

      lax.fori_loop(0, n_chunks, dstep, None)
      plsc.subcore_barrier()
      pltpu.sync_copy(acc.at[pl.ds(ob, N_PAD // NS)],
                      out_d.at[c, pl.ds(ob, N_PAD // NS)])
      plsc.subcore_barrier()
      _zero_shared(acc, rows, s, N_ACC // NS, D)
      plsc.subcore_barrier()

    def step(i, _):
      b = base0 + i * CHUNK
      pltpu.sync_copy(src.at[pl.ds(b, CHUNK)], sidx)
      pltpu.sync_copy(dst.at[pl.ds(b, CHUNK)], didx)
      pltpu.async_copy(h.at[sidx], rows, sem).wait()
      pltpu.sync_copy(rows, acc.at[didx], add=True)
      return _

    lax.fori_loop(0, n_chunks, step, None)
    plsc.subcore_barrier()

    pltpu.sync_copy(acc.at[pl.ds(ob, N_PAD // NS)],
                    out_s.at[c, pl.ds(ob, N_PAD // NS)])

  return pl.kernel(body, out_type=out_type, mesh=mesh, scratch_types=scratch)


def _make_deg(e_pad):
  e_per_w = e_pad // NW
  n_chunks = e_per_w // CHUNK
  mesh = plsc.VectorSubcoreMesh(core_axis_name="c", subcore_axis_name="s")

  out_type = jax.ShapeDtypeStruct((NC, N_PAD, D), jnp.float32)
  scratch = [
      pltpu.VMEM((CHUNK,), jnp.int32),
      pltpu.VMEM((CHUNK, D), jnp.float32),
      pltpu.VMEM_SHARED((N_ACC, D), jnp.float32),
      pltpu.SemaphoreType.DMA,
  ]

  def body(dst, out_d, didx, rows, acc, sem):
    c = lax.axis_index("c")
    s = lax.axis_index("s")
    wid = c * NS + s
    base0 = wid * e_per_w

    _fill(rows, CHUNK, D, 0.0)
    _zero_shared(acc, rows, s, N_ACC // NS, D)
    _fill(rows, CHUNK, D, 1.0)
    plsc.subcore_barrier()

    def step(i, _):
      b = base0 + i * CHUNK
      pltpu.sync_copy(dst.at[pl.ds(b, CHUNK)], didx)
      pltpu.sync_copy(rows, acc.at[didx], add=True)
      return _

    lax.fori_loop(0, n_chunks, step, None)
    plsc.subcore_barrier()

    ob = s * (N_PAD // NS)
    pltpu.sync_copy(acc.at[pl.ds(ob, N_PAD // NS)],
                    out_d.at[c, pl.ds(ob, N_PAD // NS)])

  return pl.kernel(body, out_type=out_type, mesh=mesh, scratch_types=scratch)


def _make_egather(e_pad):
  e_per_w = e_pad // NW
  n_chunks = e_per_w // CHUNK
  mesh = plsc.VectorSubcoreMesh(core_axis_name="c", subcore_axis_name="s")

  out_type = (jax.ShapeDtypeStruct((e_pad, D), jnp.float32),
              jax.ShapeDtypeStruct((e_pad, D), jnp.float32))
  scratch = [
      pltpu.VMEM((CHUNK,), jnp.int32),
      pltpu.VMEM((CHUNK,), jnp.int32),
      pltpu.VMEM((CHUNK, D), jnp.float32),
      pltpu.VMEM((CHUNK, D), jnp.float32),
      pltpu.SemaphoreType.DMA,
      pltpu.SemaphoreType.DMA,
  ]

  def body(p, q, src, dst, out_p, out_q, sidx, didx, arow, brow, sem_a, sem_b):
    c = lax.axis_index("c")
    s = lax.axis_index("s")
    wid = c * NS + s
    base0 = wid * e_per_w

    def step(i, _):
      b = base0 + i * CHUNK
      pltpu.sync_copy(src.at[pl.ds(b, CHUNK)], sidx)
      pltpu.sync_copy(dst.at[pl.ds(b, CHUNK)], didx)
      cp_a = pltpu.async_copy(p.at[sidx], arow, sem_a)
      cp_b = pltpu.async_copy(q.at[didx], brow, sem_b)
      cp_a.wait()
      pltpu.sync_copy(arow, out_p.at[pl.ds(b, CHUNK)])
      cp_b.wait()
      pltpu.sync_copy(brow, out_q.at[pl.ds(b, CHUNK)])
      return _

    lax.fori_loop(0, n_chunks, step, None)

  return pl.kernel(body, out_type=out_type, mesh=mesh, scratch_types=scratch)


def _layer_norm_rows(z):
  mu = jnp.mean(z, axis=-1, keepdims=True)
  zc = z - mu
  var = jnp.mean(zc * zc, axis=-1, keepdims=True)
  return zc * lax.rsqrt(var + LN_EPS)


def _tc_layer(h, s0, s1, d0, d1, w_s, w_n, rflag):
  blk = 1024
  grid = (N_PAD // blk,)

  def body(h_r, s0_r, s1_r, d0_r, d1_r, wn_r, ws_r, rf_r, o_r):
    deg = jnp.maximum(d0_r[...][:, :1] + d1_r[...][:, :1], 1.0)
    ssum = s0_r[...] + s1_r[...]
    z = (jnp.dot(ssum, wn_r[...], preferred_element_type=jnp.float32) / deg
         + jnp.dot(h_r[...], ws_r[...], preferred_element_type=jnp.float32))
    z = _layer_norm_rows(z)
    z = jnp.where(rf_r[0, 0] > 0.0, jnp.maximum(z, 0.0), z)
    o_r[...] = z + h_r[...]

  node = pl.BlockSpec((blk, D), lambda i: (i, 0))
  node16 = pl.BlockSpec((blk, 16), lambda i: (i, 0))
  full = pl.BlockSpec((D, D), lambda i: (0, 0))
  one = pl.BlockSpec((1, 1), lambda i: (0, 0))
  return pl.pallas_call(
      body,
      grid=grid,
      in_specs=[node, node, node, node16, node16, full, full, one],
      out_specs=node,
      out_shape=jax.ShapeDtypeStruct((N_PAD, D), jnp.float32),
  )(h, s0, s1, d0, d1, w_n, w_s, rflag)


def _tc_dec(h, dec_w1, dec_b1, dec_w2, dec_b2, ed_w1a, ed_w1b, ed_b1):
  blk = 1024
  grid = (N_PAD // blk,)

  def body(h_r, dw1_r, db1_r, dw2_r, db2_r, ea_r, eb_r, eb1_r,
           rec_r, p_r, q_r):
    z = h_r[...]
    t = jnp.dot(z, dw1_r[...], preferred_element_type=jnp.float32) + db1_r[...]
    t = jnp.maximum(_layer_norm_rows(t), 0.0)
    rec_r[...] = jnp.dot(t, dw2_r[...], preferred_element_type=jnp.float32) + db2_r[...]
    p_r[...] = jnp.dot(z, ea_r[...], preferred_element_type=jnp.float32) + eb1_r[...]
    q_r[...] = jnp.dot(z, eb_r[...], preferred_element_type=jnp.float32)

  node = pl.BlockSpec((blk, D), lambda i: (i, 0))
  full = pl.BlockSpec((D, D), lambda i: (0, 0))
  brow = pl.BlockSpec((1, D), lambda i: (0, 0))
  out = jax.ShapeDtypeStruct((N_PAD, D), jnp.float32)
  return pl.pallas_call(
      body,
      grid=grid,
      in_specs=[node, full, brow, full, brow, full, full, brow],
      out_specs=(node, node, node),
      out_shape=(out, out, out),
  )(h, dec_w1, dec_b1, dec_w2, dec_b2, ed_w1a, ed_w1b, ed_b1)


def _tc_edge(e_pad, up, uq, ed_w2, ed_b2):
  blk = 2048
  grid = (e_pad // blk,)
  nrel = ed_w2.shape[1]

  def body(up_r, uq_r, w2_r, b2_r, o_r):
    u = up_r[...] + uq_r[...]
    u = jnp.maximum(_layer_norm_rows(u), 0.0)
    o_r[...] = jnp.dot(u, w2_r[...], preferred_element_type=jnp.float32) + b2_r[...]

  edge = pl.BlockSpec((blk, D), lambda i: (i, 0))
  return pl.pallas_call(
      body,
      grid=grid,
      in_specs=[edge, edge,
                pl.BlockSpec((D, nrel), lambda i: (0, 0)),
                pl.BlockSpec((1, nrel), lambda i: (0, 0))],
      out_specs=pl.BlockSpec((blk, nrel), lambda i: (i, 0)),
      out_shape=jax.ShapeDtypeStruct((e_pad, nrel), jnp.float32),
  )(up, uq, ed_w2, ed_b2)


def kernel(x, edge_index, W_self0, W_nbr0, W_self1, W_nbr1, W_self2, W_nbr2,
           dec_w1, dec_b1, dec_w2, dec_b2, ed_w1, ed_b1, ed_w2, ed_b2):
  n, d = x.shape
  e = edge_index.shape[1]
  quantum = NW * CHUNK
  e_pad = ((e + quantum - 1) // quantum) * quantum

  src = jnp.pad(edge_index[0], (0, e_pad - e))
  dst = jnp.pad(edge_index[1], (0, e_pad - e),
                constant_values=DUMMY)
  src2 = src.reshape(e_pad // CHUNK, CHUNK)
  dst2 = dst.reshape(e_pad // CHUNK, CHUNK)
  xp = jnp.pad(x, ((0, N_PAD - n), (0, 0)))

  segsum = _make_segsum(e_pad)
  deg_k = _make_deg(e_pad)
  egather = _make_egather(e_pad)

  d_full = deg_k(dst)
  d_parts = d_full[:, :, :16]
  s_parts = segsum(xp, src, dst)
  rflags = jnp.asarray([[[1.0]], [[1.0]], [[0.0]]], jnp.float32)
  h1 = _tc_layer(xp, s_parts[0], s_parts[1], d_parts[0], d_parts[1],
                 W_self0, W_nbr0, rflags[0])
  s_parts1 = segsum(h1, src, dst)
  h2 = _tc_layer(h1, s_parts1[0], s_parts1[1], d_parts[0], d_parts[1],
                 W_self1, W_nbr1, rflags[1])
  s_parts2 = segsum(h2, src, dst)
  h3 = _tc_layer(h2, s_parts2[0], s_parts2[1], d_parts[0], d_parts[1],
                 W_self2, W_nbr2, rflags[2])
  recon_p, p_nodes, q_nodes = _tc_dec(
      h3, dec_w1, dec_b1.reshape(1, -1), dec_w2, dec_b2.reshape(1, -1),
      ed_w1[:d], ed_w1[d:], ed_b1.reshape(1, -1))
  up, uq = egather(p_nodes, q_nodes, src, dst)
  logits_p = _tc_edge(e_pad, up, uq, ed_w2, ed_b2.reshape(1, -1))
  return (recon_p[:n], logits_p[:e])

# --- scband reference (transcript-rebuilt; emitter-appended) ---
"""Pipeline reference for scband-hgmae-9577777070228 (READ-ONLY COPY).

The authoritative reference and input builder live on the scoring server;
editing this copy changes nothing except your own understanding.
"""

import jax, jax.numpy as jnp
import numpy as np

N_NODES = 10000
N_EDGES = 320000
IN_DIM = 128
HIDDEN_DIM = 128
OUT_DIM = 128
NUM_LAYERS = 3
NUM_REL = 3


def _layer_norm(h):
    mu = jnp.mean(h, axis=-1, keepdims=True)
    var = jnp.var(h, axis=-1, keepdims=True)
    return (h - mu) * jax.lax.rsqrt(var + 1e-5)


def setup_inputs(seed: int = 0) -> dict:
    key = jax.random.key(seed)
    ks = jax.random.split(key, 20)
    inp = {}
    inp["x"] = jax.random.normal(ks[0], (N_NODES, IN_DIM), dtype=jnp.float32)
    inp["edge_index"] = jax.random.randint(ks[1], (2, N_EDGES), 0, N_NODES, dtype=jnp.int32)
    dims = [IN_DIM, HIDDEN_DIM, HIDDEN_DIM, OUT_DIM]
    for l in range(NUM_LAYERS):
        d_in, d_out = dims[l], dims[l + 1]
        s = 1.0 / np.sqrt(d_in)
        inp[f"W_self{l}"] = jax.random.normal(ks[2 + 2 * l], (d_in, d_out), dtype=jnp.float32) * s
        inp[f"W_nbr{l}"] = jax.random.normal(ks[3 + 2 * l], (d_in, d_out), dtype=jnp.float32) * s
    inp["dec_w1"] = jax.random.normal(ks[10], (OUT_DIM, HIDDEN_DIM), dtype=jnp.float32) / np.sqrt(OUT_DIM)
    inp["dec_b1"] = jnp.zeros((HIDDEN_DIM,), jnp.float32)
    inp["dec_w2"] = jax.random.normal(ks[11], (HIDDEN_DIM, IN_DIM), dtype=jnp.float32) / np.sqrt(HIDDEN_DIM)
    inp["dec_b2"] = jnp.zeros((IN_DIM,), jnp.float32)
    inp["ed_w1"] = jax.random.normal(ks[12], (2 * OUT_DIM, HIDDEN_DIM), dtype=jnp.float32) / np.sqrt(2 * OUT_DIM)
    inp["ed_b1"] = jnp.zeros((HIDDEN_DIM,), jnp.float32)
    inp["ed_w2"] = jax.random.normal(ks[13], (HIDDEN_DIM, NUM_REL), dtype=jnp.float32) / np.sqrt(HIDDEN_DIM)
    inp["ed_b2"] = jnp.zeros((NUM_REL,), jnp.float32)
    return inp


def reference(x, edge_index, W_self0, W_nbr0, W_self1, W_nbr1, W_self2, W_nbr2,
              dec_w1, dec_b1, dec_w2, dec_b2, ed_w1, ed_b1, ed_w2, ed_b2):
    # HGMAE: heterogeneous-GNN encoder (relation-weighted mean aggregation,
    # residual + LayerNorm per layer), feature decoder MLP, edge-type decoder MLP.
    src = edge_index[0]
    dst = edge_index[1]
    deg = jax.ops.segment_sum(jnp.ones((N_EDGES,), jnp.float32), dst, num_segments=N_NODES)
    deg = jnp.maximum(deg, 1.0)[:, None]
    h = x
    Ws = [(W_self0, W_nbr0), (W_self1, W_nbr1), (W_self2, W_nbr2)]
    for l, (W_s, W_n) in enumerate(Ws):
        msgs = jnp.take(h, src, axis=0) @ W_n              # gather + transform
        agg = jax.ops.segment_sum(msgs, dst, num_segments=N_NODES) / deg  # scatter-add mean
        h_new = agg + h @ W_s
        h_new = _layer_norm(h_new)
        if l < NUM_LAYERS - 1:
            h_new = jax.nn.relu(h_new)
        if h_new.shape == h.shape:
            h_new = h_new + h  # residual
        h = h_new
    # feature decoder (Linear -> LN -> ReLU -> Linear); dropout inert at eval
    d = jax.nn.relu(_layer_norm(h @ dec_w1 + dec_b1))
    recon = d @ dec_w2 + dec_b2
    # edge decoder: cat(src_emb, dst_emb) -> Linear -> LN -> ReLU -> Linear -> rel logits
    ef = jnp.concatenate([jnp.take(h, src, axis=0), jnp.take(h, dst, axis=0)], axis=1)
    e = jax.nn.relu(_layer_norm(ef @ ed_w1 + ed_b1))
    edge_logits = e @ ed_w2 + ed_b2
    return (recon, edge_logits)

if __name__ == "__main__":
    import jax
    _d = setup_inputs()
    print(jax.jit(kernel)(*tuple(_d.values())))

</pallas_src>

<mosaic_0001>
#map = affine_map<(d0, d1) -> (0, 0)>
#map1 = affine_map<(d0, d1) -> (0)>
#map2 = affine_map<(d0, d1) -> (0, 0, 0)>
module attributes {stable_mosaic.version = 14 : i64} {
  func.func @body(%arg0: i32, %arg1: i32, %arg2: memref<10240x128xf32, #tpu.memory_space<hbm>>, %arg3: memref<323584xi32, #tpu.memory_space<hbm>>, %arg4: memref<323584xi32, #tpu.memory_space<hbm>>, %arg5: memref<2x10240x128xf32, #tpu.memory_space<hbm>>, %arg6: memref<128xi32, #tpu.memory_space<vmem>>, %arg7: memref<128xi32, #tpu.memory_space<vmem>>, %arg8: memref<128x128xf32, #tpu.memory_space<vmem>>, %arg9: memref<128x128xf32, #tpu.memory_space<vmem>>, %arg10: memref<10496x128xf32, #tpu.memory_space<vmem_shared>>, %arg11: memref<!tpu.dma_semaphore, #tpu.memory_space<semaphore_mem>>) attributes {dimension_semantics = [#tpu.dimension_semantics<core_parallel>, #tpu.dimension_semantics<subcore_parallel>], iteration_bounds = array<i64: 2, 16>, scalar_prefetch = 0 : i64, scratch_operands = 6 : i64, tpu.core_type = #tpu.core_type<sc_vector_subcore>, window_params = [{transform_indices = #map}, {transform_indices = #map1}, {transform_indices = #map1}, {transform_indices = #map2}]} {
    %mul3A = arith.constant 16 : i32
    %mul3A_0 = arith.muli %arg0, %mul3A : i32
    %add3A = arith.addi %mul3A_0, %arg1 : i32
    %mul3A_1 = arith.constant 640 : i32
    %mul3A_2 = arith.muli %arg1, %mul3A_1 : i32
    %mul3A_3 = arith.constant 10112 : i32
    %mul3A_4 = arith.muli %add3A, %mul3A_3 : i32
    %broadcast_in_dim3A = arith.constant 0.000000e+00 : f32
    %broadcast_in_dim3A_5 = vector.broadcast %broadcast_in_dim3A : f32 to vector<16xf32>
    %scan3A = arith.constant 0 : i32
    %scan3A_6 = arith.constant 1024 : i32
    %scan3A_7 = arith.addi %scan3A, %scan3A_6 : i32
    %scan3A_8 = arith.constant 1 : i32
    scf.for %scan3A_30 = %scan3A to %scan3A_7 step %scan3A_8  : i32 {
      %jit3A = arith.constant 8 : i32
      %div3A = arith.divsi %scan3A_30, %jit3A : i32
      %sign3A = arith.constant 0 : i32
      %sign3A_31 = arith.cmpi sgt, %scan3A_30, %sign3A : i32
      %sign3A_32 = arith.extui %sign3A_31 : i1 to i32
      %sign3A_33 = arith.constant 0 : i32
      %sign3A_34 = arith.cmpi slt, %scan3A_30, %sign3A_33 : i32
      %sign3A_35 = arith.extui %sign3A_34 : i1 to i32
      %sign3A_36 = arith.subi %sign3A_32, %sign3A_35 : i32
      %sign3A_37 = arith.constant 0 : i32
      %sign3A_38 = arith.cmpi sgt, %jit3A, %sign3A_37 : i32
      %sign3A_39 = arith.extui %sign3A_38 : i1 to i32
      %sign3A_40 = arith.constant 0 : i32
      %sign3A_41 = arith.cmpi slt, %jit3A, %sign3A_40 : i32
      %sign3A_42 = arith.extui %sign3A_41 : i1 to i32
      %sign3A_43 = arith.subi %sign3A_39, %sign3A_42 : i32
      %ne3A = arith.cmpi ne, %sign3A_36, %sign3A_43 : i32
      %rem3A = arith.remsi %scan3A_30, %jit3A : i32
      %ne3A_44 = arith.constant 0 : i32
      %ne3A_45 = arith.cmpi ne, %rem3A, %ne3A_44 : i32
      %and3A = arith.andi %ne3A, %ne3A_45 : i1
      %sub3A = arith.constant 1 : i32
      %sub3A_46 = arith.subi %div3A, %sub3A : i32
      %select_n3A = arith.select %and3A, %sub3A_46, %div3A : i32
      %jit3A_47 = arith.constant 8 : i32
      %eq3A = arith.constant 0 : i32
      %eq3A_48 = arith.cmpi eq, %jit3A_47, %eq3A : i32
      %jit3A_49 = arith.constant 1 : i32
      %select_n3A_50 = arith.select %eq3A_48, %jit3A_49, %jit3A_47 : i32
      %rem3A_51 = arith.remsi %scan3A_30, %select_n3A_50 : i32
      %ne3A_52 = arith.constant 0 : i32
      %ne3A_53 = arith.cmpi ne, %rem3A_51, %ne3A_52 : i32
      %lt3A = arith.constant 0 : i32
      %lt3A_54 = arith.cmpi slt, %rem3A_51, %lt3A : i32
      %lt3A_55 = arith.constant 0 : i32
      %lt3A_56 = arith.cmpi slt, %select_n3A_50, %lt3A_55 : i32
      %ne3A_57 = arith.xori %lt3A_54, %lt3A_56 : i1
      %and3A_58 = arith.andi %ne3A_57, %ne3A_53 : i1
      %add3A_59 = arith.addi %rem3A_51, %select_n3A_50 : i32
      %select_n3A_60 = arith.select %and3A_58, %add3A_59, %rem3A_51 : i32
      %mul3A_61 = arith.constant 16 : i32
      %mul3A_62 = arith.muli %select_n3A_60, %mul3A_61 : i32
      %swap3A = arith.index_cast %select_n3A : i32 to index
      %swap3A_63 = arith.index_cast %mul3A_62 : i32 to index
      %swap3A_64 = tpu.vector_load %arg8[%swap3A, %swap3A_63] {strides = array<i32>} : memref<128x128xf32, #tpu.memory_space<vmem>>, vector<1x16xf32>,
      %swap3A_65 = vector.shape_cast %swap3A_64 : vector<1x16xf32> to vector<16xf32>
      %swap3A_66 = vector.shape_cast %broadcast_in_dim3A_5 : vector<16xf32> to vector<1x16xf32>
      tpu.vector_store %arg8[%swap3A, %swap3A_63], %swap3A_66 {strides = array<i32>} : memref<128x128xf32, #tpu.memory_space<vmem>>, vector<1x16xf32>,
    }
    %scan3A_9 = arith.constant 1024 : i32
    %mul3A_10 = arith.constant 656 : i32
    %mul3A_11 = arith.muli %arg1, %mul3A_10 : i32
    %add3A_12 = arith.constant 0 : i32
    %add3A_13 = arith.addi %mul3A_11, %add3A_12 : i32
    "tpu.region"() ({
      %run_scoped3A = tpu.sem_alloc : memref<!tpu.dma_semaphore, #tpu.memory_space<semaphore_mem>>
      %dma_start3A = arith.constant 0 : i32
      %dma_start3A_30 = tpu.memref_slice %arg10[%add3A_13, %dma_start3A] : memref<10496x128xf32, #tpu.memory_space<vmem_shared>> -> memref<128x128xf32, #tpu.memory_space<vmem_shared>>
      %dma_start3A_31 = arith.constant 0 : i32
      %dma_start3A_32 = tpu.memref_slice %arg10[%add3A_13, %dma_start3A_31] : memref<10496x128xf32, #tpu.memory_space<vmem_shared>> -> memref<128x128xf32, #tpu.memory_space<vmem_shared>>
      tpu.enqueue_dma source(%arg8 : memref<128x128xf32, #tpu.memory_space<vmem>>) target(%dma_start3A_32 : memref<128x128xf32, #tpu.memory_space<vmem_shared>>) target_semaphore(%run_scoped3A : memref<!tpu.dma_semaphore, #tpu.memory_space<semaphore_mem>>)
      %dma_wait3A = arith.constant 0 : i32
      %dma_wait3A_33 = tpu.memref_slice %arg10[%add3A_13, %dma_wait3A] : memref<10496x128xf32, #tpu.memory_space<vmem_shared>> -> memref<128x128xf32, #tpu.memory_space<vmem_shared>>
      %dma_wait3A_34 = arith.constant 0 : i32
      %dma_wait3A_35 = tpu.memref_slice %arg10[%add3A_13, %dma_wait3A_34] : memref<10496x128xf32, #tpu.memory_space<vmem_shared>> -> memref<128x128xf32, #tpu.memory_space<vmem_shared>>
      tpu.wait_dma2 semaphore(%run_scoped3A : memref<!tpu.dma_semaphore, #tpu.memory_space<semaphore_mem>>) src(%arg8 : memref<128x128xf32, #tpu.memory_space<vmem>>) dst(%dma_wait3A_35 : memref<128x128xf32, #tpu.memory_space<vmem_shared>>)
      tpu.yield
    }) : () -> ()
    %add3A_14 = arith.constant 128 : i32
    %add3A_15 = arith.addi %mul3A_11, %add3A_14 : i32
    "tpu.region"() ({
      %run_scoped3A = tpu.sem_alloc : memref<!tpu.dma_semaphore, #tpu.memory_space<semaphore_mem>>
      %dma_start3A = arith.constant 0 : i32
      %dma_start3A_30 = tpu.memref_slice %arg10[%add3A_15, %dma_start3A] : memref<10496x128xf32, #tpu.memory_space<vmem_shared>> -> memref<128x128xf32, #tpu.memory_space<vmem_shared>>
      %dma_start3A_31 = arith.constant 0 : i32
      %dma_start3A_32 = tpu.memref_slice %arg10[%add3A_15, %dma_start3A_31] : memref<10496x128xf32, #tpu.memory_space<vmem_shared>> -> memref<128x128xf32, #tpu.memory_space<vmem_shared>>
      tpu.enqueue_dma source(%arg8 : memref<128x128xf32, #tpu.memory_space<vmem>>) target(%dma_start3A_32 : memref<128x128xf32, #tpu.memory_space<vmem_shared>>) target_semaphore(%run_scoped3A : memref<!tpu.dma_semaphore, #tpu.memory_space<semaphore_mem>>)
      %dma_wait3A = arith.constant 0 : i32
      %dma_wait3A_33 = tpu.memref_slice %arg10[%add3A_15, %dma_wait3A] : memref<10496x128xf32, #tpu.memory_space<vmem_shared>> -> memref<128x128xf32, #tpu.memory_space<vmem_shared>>
      %dma_wait3A_34 = arith.constant 0 : i32
      %dma_wait3A_35 = tpu.memref_slice %arg10[%add3A_15, %dma_wait3A_34] : memref<10496x128xf32, #tpu.memory_space<vmem_shared>> -> memref<128x128xf32, #tpu.memory_space<vmem_shared>>
      tpu.wait_dma2 semaphore(%run_scoped3A : memref<!tpu.dma_semaphore, #tpu.memory_space<semaphore_mem>>) src(%arg8 : memref<128x128xf32, #tpu.memory_space<vmem>>) dst(%dma_wait3A_35 : memref<128x128xf32, #tpu.memory_space<vmem_shared>>)
      tpu.yield
    }) : () -> ()
    %add3A_16 = arith.constant 256 : i32
    %add3A_17 = arith.addi %mul3A_11, %add3A_16 : i32
    "tpu.region"() ({
      %run_scoped3A = tpu.sem_alloc : memref<!tpu.dma_semaphore, #tpu.memory_space<semaphore_mem>>
      %dma_start3A = arith.constant 0 : i32
      %dma_start3A_30 = tpu.memref_slice %arg10[%add3A_17, %dma_start3A] : memref<10496x128xf32, #tpu.memory_space<vmem_shared>> -> memref<128x128xf32, #tpu.memory_space<vmem_shared>>
      %dma_start3A_31 = arith.constant 0 : i32
      %dma_start3A_32 = tpu.memref_slice %arg10[%add3A_17, %dma_start3A_31] : memref<10496x128xf32, #tpu.memory_space<vmem_shared>> -> memref<128x128xf32, #tpu.memory_space<vmem_shared>>
      tpu.enqueue_dma source(%arg8 : memref<128x128xf32, #tpu.memory_space<vmem>>) target(%dma_start3A_32 : memref<128x128xf32, #tpu.memory_space<vmem_shared>>) target_semaphore(%run_scoped3A : memref<!tpu.dma_semaphore, #tpu.memory_space<semaphore_mem>>)
      %dma_wait3A = arith.constant 0 : i32
      %dma_wait3A_33 = tpu.memref_slice %arg10[%add3A_17, %dma_wait3A] : memref<10496x128xf32, #tpu.memory_space<vmem_shared>> -> memref<128x128xf32, #tpu.memory_space<vmem_shared>>
      %dma_wait3A_34 = arith.constant 0 : i32
      %dma_wait3A_35 = tpu.memref_slice %arg10[%add3A_17, %dma_wait3A_34] : memref<10496x128xf32, #tpu.memory_space<vmem_shared>> -> memref<128x128xf32, #tpu.memory_space<vmem_shared>>
      tpu.wait_dma2 semaphore(%run_scoped3A : memref<!tpu.dma_semaphore, #tpu.memory_space<semaphore_mem>>) src(%arg8 : memref<128x128xf32, #tpu.memory_space<vmem>>) dst(%dma_wait3A_35 : memref<128x128xf32, #tpu.memory_space<vmem_shared>>)
      tpu.yield
    }) : () -> ()
    %add3A_18 = arith.constant 384 : i32
    %add3A_19 = arith.addi %mul3A_11, %add3A_18 : i32
    "tpu.region"() ({
      %run_scoped3A = tpu.sem_alloc : memref<!tpu.dma_semaphore, #tpu.memory_space<semaphore_mem>>
      %dma_start3A = arith.constant 0 : i32
      %dma_start3A_30 = tpu.memref_slice %arg10[%add3A_19, %dma_start3A] : memref<10496x128xf32, #tpu.memory_space<vmem_shared>> -> memref<128x128xf32, #tpu.memory_space<vmem_shared>>
      %dma_start3A_31 = arith.constant 0 : i32
      %dma_start3A_32 = tpu.memref_slice %arg10[%add3A_19, %dma_start3A_31] : memref<10496x128xf32, #tpu.memory_space<vmem_shared>> -> memref<128x128xf32, #tpu.memory_space<vmem_shared>>
      tpu.enqueue_dma source(%arg8 : memref<128x128xf32, #tpu.memory_space<vmem>>) target(%dma_start3A_32 : memref<128x128xf32, #tpu.memory_space<vmem_shared>>) target_semaphore(%run_scoped3A : memref<!tpu.dma_semaphore, #tpu.memory_space<semaphore_mem>>)
      %dma_wait3A = arith.constant 0 : i32
      %dma_wait3A_33 = tpu.memref_slice %arg10[%add3A_19, %dma_wait3A] : memref<10496x128xf32, #tpu.memory_space<vmem_shared>> -> memref<128x128xf32, #tpu.memory_space<vmem_shared>>
      %dma_wait3A_34 = arith.constant 0 : i32
      %dma_wait3A_35 = tpu.memref_slice %arg10[%add3A_19, %dma_wait3A_34] : memref<10496x128xf32, #tpu.memory_space<vmem_shared>> -> memref<128x128xf32, #tpu.memory_space<vmem_shared>>
      tpu.wait_dma2 semaphore(%run_scoped3A : memref<!tpu.dma_semaphore, #tpu.memory_space<semaphore_mem>>) src(%arg8 : memref<128x128xf32, #tpu.memory_space<vmem>>) dst(%dma_wait3A_35 : memref<128x128xf32, #tpu.memory_space<vmem_shared>>)
      tpu.yield
    }) : () -> ()
    %add3A_20 = arith.constant 512 : i32
    %add3A_21 = arith.addi %mul3A_11, %add3A_20 : i32
    "tpu.region"() ({
      %run_scoped3A = tpu.sem_alloc : memref<!tpu.dma_semaphore, #tpu.memory_space<semaphore_mem>>
      %dma_start3A = arith.constant 0 : i32
      %dma_start3A_30 = tpu.memref_slice %arg10[%add3A_21, %dma_start3A] : memref<10496x128xf32, #tpu.memory_space<vmem_shared>> -> memref<128x128xf32, #tpu.memory_space<vmem_shared>>
      %dma_start3A_31 = arith.constant 0 : i32
      %dma_start3A_32 = tpu.memref_slice %arg10[%add3A_21, %dma_start3A_31] : memref<10496x128xf32, #tpu.memory_space<vmem_shared>> -> memref<128x128xf32, #tpu.memory_space<vmem_shared>>
      tpu.enqueue_dma source(%arg8 : memref<128x128xf32, #tpu.memory_space<vmem>>) target(%dma_start3A_32 : memref<128x128xf32, #tpu.memory_space<vmem_shared>>) target_semaphore(%run_scoped3A : memref<!tpu.dma_semaphore, #tpu.memory_space<semaphore_mem>>)
      %dma_wait3A = arith.constant 0 : i32
      %dma_wait3A_33 = tpu.memref_slice %arg10[%add3A_21, %dma_wait3A] : memref<10496x128xf32, #tpu.memory_space<vmem_shared>> -> memref<128x128xf32, #tpu.memory_space<vmem_shared>>
      %dma_wait3A_34 = arith.constant 0 : i32
      %dma_wait3A_35 = tpu.memref_slice %arg10[%add3A_21, %dma_wait3A_34] : memref<10496x128xf32, #tpu.memory_space<vmem_shared>> -> memref<128x128xf32, #tpu.memory_space<vmem_shared>>
      tpu.wait_dma2 semaphore(%run_scoped3A : memref<!tpu.dma_semaphore, #tpu.memory_space<semaphore_mem>>) src(%arg8 : memref<128x128xf32, #tpu.memory_space<vmem>>) dst(%dma_wait3A_35 : memref<128x128xf32, #tpu.memory_space<vmem_shared>>)
      tpu.yield
    }) : () -> ()
    %add3A_22 = arith.constant 640 : i32
    %add3A_23 = arith.addi %mul3A_11, %add3A_22 : i32
    "tpu.region"() ({
      %run_scoped3A = tpu.sem_alloc : memref<!tpu.dma_semaphore, #tpu.memory_space<semaphore_mem>>
      %dma_start3A = arith.constant 0 : i32
      %dma_start3A_30 = arith.constant 0 : i32
      %dma_start3A_31 = tpu.memref_slice %arg8[%dma_start3A, %dma_start3A_30] : memref<128x128xf32, #tpu.memory_space<vmem>> -> memref<16x128xf32, #tpu.memory_space<vmem>>
      %dma_start3A_32 = arith.constant 0 : i32
      %dma_start3A_33 = tpu.memref_slice %arg10[%add3A_23, %dma_start3A_32] : memref<10496x128xf32, #tpu.memory_space<vmem_shared>> -> memref<16x128xf32, #tpu.memory_space<vmem_shared>>
      %dma_start3A_34 = arith.constant 0 : i32
      %dma_start3A_35 = tpu.memref_slice %arg10[%add3A_23, %dma_start3A_34] : memref<10496x128xf32, #tpu.memory_space<vmem_shared>> -> memref<16x128xf32, #tpu.memory_space<vmem_shared>>
      %dma_start3A_36 = arith.constant 0 : i32
      %dma_start3A_37 = arith.constant 0 : i32
      %dma_start3A_38 = tpu.memref_slice %arg8[%dma_start3A_36, %dma_start3A_37] : memref<128x128xf32, #tpu.memory_space<vmem>> -> memref<16x128xf32, #tpu.memory_space<vmem>>
      tpu.enqueue_dma source(%dma_start3A_38 : memref<16x128xf32, #tpu.memory_space<vmem>>) target(%dma_start3A_35 : memref<16x128xf32, #tpu.memory_space<vmem_shared>>) target_semaphore(%run_scoped3A : memref<!tpu.dma_semaphore, #tpu.memory_space<semaphore_mem>>)
      %dma_wait3A = arith.constant 0 : i32
      %dma_wait3A_39 = arith.constant 0 : i32
      %dma_wait3A_40 = tpu.memref_slice %arg8[%dma_wait3A, %dma_wait3A_39] : memref<128x128xf32, #tpu.memory_space<vmem>> -> memref<16x128xf32, #tpu.memory_space<vmem>>
      %dma_wait3A_41 = arith.constant 0 : i32
      %dma_wait3A_42 = tpu.memref_slice %arg10[%add3A_23, %dma_wait3A_41] : memref<10496x128xf32, #tpu.memory_space<vmem_shared>> -> memref<16x128xf32, #tpu.memory_space<vmem_shared>>
      %dma_wait3A_43 = arith.constant 0 : i32
      %dma_wait3A_44 = tpu.memref_slice %arg10[%add3A_23, %dma_wait3A_43] : memref<10496x128xf32, #tpu.memory_space<vmem_shared>> -> memref<16x128xf32, #tpu.memory_space<vmem_shared>>
      %dma_wait3A_45 = arith.constant 0 : i32
      %dma_wait3A_46 = arith.constant 0 : i32
      %dma_wait3A_47 = tpu.memref_slice %arg8[%dma_wait3A_45, %dma_wait3A_46] : memref<128x128xf32, #tpu.memory_space<vmem>> -> memref<16x128xf32, #tpu.memory_space<vmem>>
      tpu.wait_dma2 semaphore(%run_scoped3A : memref<!tpu.dma_semaphore, #tpu.memory_space<semaphore_mem>>) src(%dma_wait3A_47 : memref<16x128xf32, #tpu.memory_space<vmem>>) dst(%dma_wait3A_44 : memref<16x128xf32, #tpu.memory_space<vmem_shared>>)
      tpu.yield
    }) : () -> ()
    %barrier3A = arith.constant 0 : index
    tpu.barrier barrier_id(%barrier3A)
    %scan3A_24 = arith.constant 0 : i32
    %scan3A_25 = arith.constant 79 : i32
    %scan3A_26 = arith.addi %scan3A_24, %scan3A_25 : i32
    %scan3A_27 = arith.constant 1 : i32
    scf.for %scan3A_30 = %scan3A_24 to %scan3A_26 step %scan3A_27  : i32 {
      %mul3A_31 = arith.constant 128 : i32
      %mul3A_32 = arith.muli %scan3A_30, %mul3A_31 : i32
      %add3A_33 = arith.addi %mul3A_4, %mul3A_32 : i32
      "tpu.region"() ({
        %run_scoped3A = tpu.sem_alloc : memref<!tpu.dma_semaphore, #tpu.memory_space<semaphore_mem>>
        %dma_start3A_38 = tpu.memref_slice %arg3[%add3A_33] : memref<323584xi32, #tpu.memory_space<hbm>> -> memref<128xi32, #tpu.memory_space<hbm>>
        %dma_start3A_39 = tpu.memref_slice %arg3[%add3A_33] : memref<323584xi32, #tpu.memory_space<hbm>> -> memref<128xi32, #tpu.memory_space<hbm>>
        tpu.enqueue_dma source(%dma_start3A_39 : memref<128xi32, #tpu.memory_space<hbm>>) target(%arg6 : memref<128xi32, #tpu.memory_space<vmem>>) target_semaphore(%run_scoped3A : memref<!tpu.dma_semaphore, #tpu.memory_space<semaphore_mem>>)
        %dma_wait3A_40 = tpu.memref_slice %arg3[%add3A_33] : memref<323584xi32, #tpu.memory_space<hbm>> -> memref<128xi32, #tpu.memory_space<hbm>>
        %dma_wait3A_41 = tpu.memref_slice %arg3[%add3A_33] : memref<323584xi32, #tpu.memory_space<hbm>> -> memref<128xi32, #tpu.memory_space<hbm>>
        tpu.wait_dma2 semaphore(%run_scoped3A : memref<!tpu.dma_semaphore, #tpu.memory_space<semaphore_mem>>) src(%dma_wait3A_41 : memref<128xi32, #tpu.memory_space<hbm>>) dst(%arg6 : memref<128xi32, #tpu.memory_space<vmem>>)
        tpu.yield
      }) : () -> ()
      "tpu.region"() ({
        %run_scoped3A = tpu.sem_alloc : memref<!tpu.dma_semaphore, #tpu.memory_space<semaphore_mem>>
        %dma_start3A_38 = tpu.memref_slice %arg4[%add3A_33] : memref<323584xi32, #tpu.memory_space<hbm>> -> memref<128xi32, #tpu.memory_space<hbm>>
        %dma_start3A_39 = tpu.memref_slice %arg4[%add3A_33] : memref<323584xi32, #tpu.memory_space<hbm>> -> memref<128xi32, #tpu.memory_space<hbm>>
        tpu.enqueue_dma source(%dma_start3A_39 : memref<128xi32, #tpu.memory_space<hbm>>) target(%arg7 : memref<128xi32, #tpu.memory_space<vmem>>) target_semaphore(%run_scoped3A : memref<!tpu.dma_semaphore, #tpu.memory_space<semaphore_mem>>)
        %dma_wait3A_40 = tpu.memref_slice %arg4[%add3A_33] : memref<323584xi32, #tpu.memory_space<hbm>> -> memref<128xi32, #tpu.memory_space<hbm>>
        %dma_wait3A_41 = tpu.memref_slice %arg4[%add3A_33] : memref<323584xi32, #tpu.memory_space<hbm>> -> memref<128xi32, #tpu.memory_space<hbm>>
        tpu.wait_dma2 semaphore(%run_scoped3A : memref<!tpu.dma_semaphore, #tpu.memory_space<semaphore_mem>>) src(%dma_wait3A_41 : memref<128xi32, #tpu.memory_space<hbm>>) dst(%arg7 : memref<128xi32, #tpu.memory_space<vmem>>)
        tpu.yield
      }) : () -> ()
      %dma_start3A = arith.constant 0 : i32
      %dma_start3A_34 = arith.constant 0 : i32
      %dma_start3A_35 = tpu.memref_slice %arg2[%dma_start3A, %dma_start3A_34] : memref<10240x128xf32, #tpu.memory_space<hbm>> -> memref<10240x128xf32, #tpu.memory_space<hbm>>
      tpu.enqueue_indirect_dma source(%dma_start3A_35 : memref<10240x128xf32, #tpu.memory_space<hbm>>) target(%arg8 : memref<128x128xf32, #tpu.memory_space<vmem>>) offsets(%arg6 : memref<128xi32, #tpu.memory_space<vmem>>) semaphore(%arg11 : memref<!tpu.dma_semaphore, #tpu.memory_space<semaphore_mem>>)
      %dma_wait3A = arith.constant 0 : i32
      %dma_wait3A_36 = arith.constant 0 : i32
      %dma_wait3A_37 = tpu.memref_slice %arg2[%dma_wait3A, %dma_wait3A_36] : memref<10240x128xf32, #tpu.memory_space<hbm>> -> memref<10240x128xf32, #tpu.memory_space<hbm>>
      tpu.wait_indirect_dma semaphore(%arg11 : memref<!tpu.dma_semaphore, #tpu.memory_space<semaphore_mem>>) src(%dma_wait3A_37 : memref<10240x128xf32, #tpu.memory_space<hbm>>) dst(%arg8 : memref<128x128xf32, #tpu.memory_space<vmem>>)
      "tpu.region"() ({
        %run_scoped3A = tpu.sem_alloc : memref<!tpu.dma_semaphore, #tpu.memory_space<semaphore_mem>>
        %dma_start3A_38 = arith.constant 0 : i32
        %dma_start3A_39 = arith.constant 0 : i32
        %dma_start3A_40 = tpu.memref_slice %arg10[%dma_start3A_38, %dma_start3A_39] : memref<10496x128xf32, #tpu.memory_space<vmem_shared>> -> memref<10496x128xf32, #tpu.memory_space<vmem_shared>>
        tpu.enqueue_indirect_dma source(%arg8 : memref<128x128xf32, #tpu.memory_space<vmem>>) target(%dma_start3A_40 : memref<10496x128xf32, #tpu.memory_space<vmem_shared>>) offsets(%arg7 : memref<128xi32, #tpu.memory_space<vmem>>) semaphore(%run_scoped3A : memref<!tpu.dma_semaphore, #tpu.memory_space<semaphore_mem>>) {add = true}
        %dma_wait3A_41 = arith.constant 0 : i32
        %dma_wait3A_42 = arith.constant 0 : i32
        %dma_wait3A_43 = tpu.memref_slice %arg10[%dma_wait3A_41, %dma_wait3A_42] : memref<10496x128xf32, #tpu.memory_space<vmem_shared>> -> memref<10496x128xf32, #tpu.memory_space<vmem_shared>>
        tpu.wait_indirect_dma semaphore(%run_scoped3A : memref<!tpu.dma_semaphore, #tpu.memory_space<semaphore_mem>>) src(%arg8 : memref<128x128xf32, #tpu.memory_space<vmem>>) dst(%dma_wait3A_43 : memref<10496x128xf32, #tpu.memory_space<vmem_shared>>)
        tpu.yield
      }) : () -> ()
    }
    %scan3A_28 = arith.constant 79 : i32
    %barrier3A_29 = arith.constant 0 : index
    tpu.barrier barrier_id(%barrier3A_29)
    "tpu.region"() ({
      %run_scoped3A = tpu.sem_alloc : memref<!tpu.dma_semaphore, #tpu.memory_space<semaphore_mem>>
      %dma_start3A = arith.constant 0 : i32
      %dma_start3A_30 = tpu.memref_slice %arg5[%arg0, %mul3A_2, %dma_start3A] : memref<2x10240x128xf32, #tpu.memory_space<hbm>> -> memref<1x640x128xf32, #tpu.memory_space<hbm>>
      %dma_start3A_31 = tpu.memref_squeeze %dma_start3A_30 : memref<1x640x128xf32, #tpu.memory_space<hbm>> -> memref<640x128xf32, #tpu.memory_space<hbm>>
      %dma_start3A_32 = arith.constant 0 : i32
      %dma_start3A_33 = tpu.memref_slice %arg10[%mul3A_2, %dma_start3A_32] : memref<10496x128xf32, #tpu.memory_space<vmem_shared>> -> memref<640x128xf32, #tpu.memory_space<vmem_shared>>
      tpu.enqueue_dma source(%dma_start3A_33 : memref<640x128xf32, #tpu.memory_space<vmem_shared>>) target(%dma_start3A_31 : memref<640x128xf32, #tpu.memory_space<hbm>>) target_semaphore(%run_scoped3A : memref<!tpu.dma_semaphore, #tpu.memory_space<semaphore_mem>>)
      %dma_wait3A = arith.constant 0 : i32
      %dma_wait3A_34 = tpu.memref_slice %arg5[%arg0, %mul3A_2, %dma_wait3A] : memref<2x10240x128xf32, #tpu.memory_space<hbm>> -> memref<1x640x128xf32, #tpu.memory_space<hbm>>
      %dma_wait3A_35 = tpu.memref_squeeze %dma_wait3A_34 : memref<1x640x128xf32, #tpu.memory_space<hbm>> -> memref<640x128xf32, #tpu.memory_space<hbm>>
      %dma_wait3A_36 = arith.constant 0 : i32
      %dma_wait3A_37 = tpu.memref_slice %arg10[%mul3A_2, %dma_wait3A_36] : memref<10496x128xf32, #tpu.memory_space<vmem_shared>> -> memref<640x128xf32, #tpu.memory_space<vmem_shared>>
      tpu.wait_dma2 semaphore(%run_scoped3A : memref<!tpu.dma_semaphore, #tpu.memory_space<semaphore_mem>>) src(%dma_wait3A_37 : memref<640x128xf32, #tpu.memory_space<vmem_shared>>) dst(%dma_wait3A_35 : memref<640x128xf32, #tpu.memory_space<hbm>>)
      tpu.yield
    }) : () -> ()
    return
  }
}

#map = affine_map<(d0, d1) -> (0, 0)>
#map1 = affine_map<(d0, d1) -> (0)>
#map2 = affine_map<(d0, d1) -> (0, 0, 0)>
module attributes {stable_mosaic.version = 14 : i64} {
  func.func @body(%arg0: i32, %arg1: i32, %arg2: memref<10240x128xf32, #tpu.memory_space<hbm>>, %arg3: memref<323584xi32, #tpu.memory_space<hbm>>, %arg4: memref<323584xi32, #tpu.memory_space<hbm>>, %arg5: memref<2x10240x128xf32, #tpu.memory_space<hbm>>, %arg6: memref<128xi32, #tpu.memory_space<vmem>>, %arg7: memref<128xi32, #tpu.memory_space<vmem>>, %arg8: memref<128x128xf32, #tpu.memory_space<vmem>>, %arg9: memref<128x128xf32, #tpu.memory_space<vmem>>, %arg10: memref<10496x128xf32, #tpu.memory_space<vmem_shared>>, %arg11: memref<!tpu.dma_semaphore, #tpu.memory_space<semaphore_mem>>) attributes {dimension_semantics = [#tpu.dimension_semantics<core_parallel>, #tpu.dimension_semantics<subcore_parallel>], iteration_bounds = array<i64: 2, 16>, scalar_prefetch = 0 : i64, scratch_operands = 6 : i64, tpu.core_type = #tpu.core_type<sc_vector_subcore>, window_params = [{transform_indices = #map}, {transform_indices = #map1}, {transform_indices = #map1}, {transform_indices = #map2}]} {
    %mul3A = arith.constant 16 : i32
    %mul3A_0 = arith.muli %arg0, %mul3A : i32
    %add3A = arith.addi %mul3A_0, %arg1 : i32
    %mul3A_1 = arith.constant 640 : i32
    %mul3A_2 = arith.muli %arg1, %mul3A_1 : i32
    %mul3A_3 = arith.constant 10112 : i32
    %mul3A_4 = arith.muli %add3A, %mul3A_3 : i32
    %broadcast_in_dim3A = arith.constant 0.000000e+00 : f32
    %broadcast_in_dim3A_5 = vector.broadcast %broadcast_in_dim3A : f32 to vector<16xf32>
    %scan3A = arith.constant 0 : i32
    %scan3A_6 = arith.constant 1024 : i32
    %scan3A_7 = arith.addi %scan3A, %scan3A_6 : i32
    %scan3A_8 = arith.constant 1 : i32
    scf.for %scan3A_30 = %scan3A to %scan3A_7 step %scan3A_8  : i32 {
      %jit3A = arith.constant 8 : i32
      %div3A = arith.divsi %scan3A_30, %jit3A : i32
      %sign3A = arith.constant 0 : i32
      %sign3A_31 = arith.cmpi sgt, %scan3A_30, %sign3A : i32
      %sign3A_32 = arith.extui %sign3A_31 : i1 to i32
      %sign3A_33 = arith.constant 0 : i32
      %sign3A_34 = arith.cmpi slt, %scan3A_30, %sign3A_33 : i32
      %sign3A_35 = arith.extui %sign3A_34 : i1 to i32
      %sign3A_36 = arith.subi %sign3A_32, %sign3A_35 : i32
      %sign3A_37 = arith.constant 0 : i32
      %sign3A_38 = arith.cmpi sgt, %jit3A, %sign3A_37 : i32
      %sign3A_39 = arith.extui %sign3A_38 : i1 to i32
      %sign3A_40 = arith.constant 0 : i32
      %sign3A_41 = arith.cmpi slt, %jit3A, %sign3A_40 : i32
      %sign3A_42 = arith.extui %sign3A_41 : i1 to i32
      %sign3A_43 = arith.subi %sign3A_39, %sign3A_42 : i32
      %ne3A = arith.cmpi ne, %sign3A_36, %sign3A_43 : i32
      %rem3A = arith.remsi %scan3A_30, %jit3A : i32
      %ne3A_44 = arith.constant 0 : i32
      %ne3A_45 = arith.cmpi ne, %rem3A, %ne3A_44 : i32
      %and3A = arith.andi %ne3A, %ne3A_45 : i1
      %sub3A = arith.constant 1 : i32
      %sub3A_46 = arith.subi %div3A, %sub3A : i32
      %select_n3A = arith.select %and3A, %sub3A_46, %div3A : i32
      %jit3A_47 = arith.constant 8 : i32
      %eq3A = arith.constant 0 : i32
      %eq3A_48 = arith.cmpi eq, %jit3A_47, %eq3A : i32
      %jit3A_49 = arith.constant 1 : i32
      %select_n3A_50 = arith.select %eq3A_48, %jit3A_49, %jit3A_47 : i32
      %rem3A_51 = arith.remsi %scan3A_30, %select_n3A_50 : i32
      %ne3A_52 = arith.constant 0 : i32
      %ne3A_53 = arith.cmpi ne, %rem3A_51, %ne3A_52 : i32
      %lt3A = arith.constant 0 : i32
      %lt3A_54 = arith.cmpi slt, %rem3A_51, %lt3A : i32
      %lt3A_55 = arith.constant 0 : i32
      %lt3A_56 = arith.cmpi slt, %select_n3A_50, %lt3A_55 : i32
      %ne3A_57 = arith.xori %lt3A_54, %lt3A_56 : i1
      %and3A_58 = arith.andi %ne3A_57, %ne3A_53 : i1
      %add3A_59 = arith.addi %rem3A_51, %select_n3A_50 : i32
      %select_n3A_60 = arith.select %and3A_58, %add3A_59, %rem3A_51 : i32
      %mul3A_61 = arith.constant 16 : i32
      %mul3A_62 = arith.muli %select_n3A_60, %mul3A_61 : i32
      %swap3A = arith.index_cast %select_n3A : i32 to index
      %swap3A_63 = arith.index_cast %mul3A_62 : i32 to index
      %swap3A_64 = tpu.vector_load %arg8[%swap3A, %swap3A_63] {strides = array<i32>} : memref<128x128xf32, #tpu.memory_space<vmem>>, vector<1x16xf32>,
      %swap3A_65 = vector.shape_cast %swap3A_64 : vector<1x16xf32> to vector<16xf32>
      %swap3A_66 = vector.shape_cast %broadcast_in_dim3A_5 : vector<16xf32> to vector<1x16xf32>
      tpu.vector_store %arg8[%swap3A, %swap3A_63], %swap3A_66 {strides = array<i32>} : memref<128x128xf32, #tpu.memory_space<vmem>>, vector<1x16xf32>,
    }
    %scan3A_9 = arith.constant 1024 : i32
    %mul3A_10 = arith.constant 656 : i32
    %mul3A_11 = arith.muli %arg1, %mul3A_10 : i32
    %add3A_12 = arith.constant 0 : i32
    %add3A_13 = arith.addi %mul3A_11, %add3A_12 : i32
    "tpu.region"() ({
      %run_scoped3A = tpu.sem_alloc : memref<!tpu.dma_semaphore, #tpu.memory_space<semaphore_mem>>
      %dma_start3A = arith.constant 0 : i32
      %dma_start3A_30 = tpu.memref_slice %arg10[%add3A_13, %dma_start3A] : memref<10496x128xf32, #tpu.memory_space<vmem_shared>> -> memref<128x128xf32, #tpu.memory_space<vmem_shared>>
      %dma_start3A_31 = arith.constant 0 : i32
      %dma_start3A_32 = tpu.memref_slice %arg10[%add3A_13, %dma_start3A_31] : memref<10496x128xf32, #tpu.memory_space<vmem_shared>> -> memref<128x128xf32, #tpu.memory_space<vmem_shared>>
      tpu.enqueue_dma source(%arg8 : memref<128x128xf32, #tpu.memory_space<vmem>>) target(%dma_start3A_32 : memref<128x128xf32, #tpu.memory_space<vmem_shared>>) target_semaphore(%run_scoped3A : memref<!tpu.dma_semaphore, #tpu.memory_space<semaphore_mem>>)
      %dma_wait3A = arith.constant 0 : i32
      %dma_wait3A_33 = tpu.memref_slice %arg10[%add3A_13, %dma_wait3A] : memref<10496x128xf32, #tpu.memory_space<vmem_shared>> -> memref<128x128xf32, #tpu.memory_space<vmem_shared>>
      %dma_wait3A_34 = arith.constant 0 : i32
      %dma_wait3A_35 = tpu.memref_slice %arg10[%add3A_13, %dma_wait3A_34] : memref<10496x128xf32, #tpu.memory_space<vmem_shared>> -> memref<128x128xf32, #tpu.memory_space<vmem_shared>>
      tpu.wait_dma2 semaphore(%run_scoped3A : memref<!tpu.dma_semaphore, #tpu.memory_space<semaphore_mem>>) src(%arg8 : memref<128x128xf32, #tpu.memory_space<vmem>>) dst(%dma_wait3A_35 : memref<128x128xf32, #tpu.memory_space<vmem_shared>>)
      tpu.yield
    }) : () -> ()
    %add3A_14 = arith.constant 128 : i32
    %add3A_15 = arith.addi %mul3A_11, %add3A_14 : i32
    "tpu.region"() ({
      %run_scoped3A = tpu.sem_alloc : memref<!tpu.dma_semaphore, #tpu.memory_space<semaphore_mem>>
      %dma_start3A = arith.constant 0 : i32
      %dma_start3A_30 = tpu.memref_slice %arg10[%add3A_15, %dma_start3A] : memref<10496x128xf32, #tpu.memory_space<vmem_shared>> -> memref<128x128xf32, #tpu.memory_space<vmem_shared>>
      %dma_start3A_31 = arith.constant 0 : i32
      %dma_start3A_32 = tpu.memref_slice %arg10[%add3A_15, %dma_start3A_31] : memref<10496x128xf32, #tpu.memory_space<vmem_shared>> -> memref<128x128xf32, #tpu.memory_space<vmem_shared>>
      tpu.enqueue_dma source(%arg8 : memref<128x128xf32, #tpu.memory_space<vmem>>) target(%dma_start3A_32 : memref<128x128xf32, #tpu.memory_space<vmem_shared>>) target_semaphore(%run_scoped3A : memref<!tpu.dma_semaphore, #tpu.memory_space<semaphore_mem>>)
      %dma_wait3A = arith.constant 0 : i32
      %dma_wait3A_33 = tpu.memref_slice %arg10[%add3A_15, %dma_wait3A] : memref<10496x128xf32, #tpu.memory_space<vmem_shared>> -> memref<128x128xf32, #tpu.memory_space<vmem_shared>>
      %dma_wait3A_34 = arith.constant 0 : i32
      %dma_wait3A_35 = tpu.memref_slice %arg10[%add3A_15, %dma_wait3A_34] : memref<10496x128xf32, #tpu.memory_space<vmem_shared>> -> memref<128x128xf32, #tpu.memory_space<vmem_shared>>
      tpu.wait_dma2 semaphore(%run_scoped3A : memref<!tpu.dma_semaphore, #tpu.memory_space<semaphore_mem>>) src(%arg8 : memref<128x128xf32, #tpu.memory_space<vmem>>) dst(%dma_wait3A_35 : memref<128x128xf32, #tpu.memory_space<vmem_shared>>)
      tpu.yield
    }) : () -> ()
    %add3A_16 = arith.constant 256 : i32
    %add3A_17 = arith.addi %mul3A_11, %add3A_16 : i32
    "tpu.region"() ({
      %run_scoped3A = tpu.sem_alloc : memref<!tpu.dma_semaphore, #tpu.memory_space<semaphore_mem>>
      %dma_start3A = arith.constant 0 : i32
      %dma_start3A_30 = tpu.memref_slice %arg10[%add3A_17, %dma_start3A] : memref<10496x128xf32, #tpu.memory_space<vmem_shared>> -> memref<128x128xf32, #tpu.memory_space<vmem_shared>>
      %dma_start3A_31 = arith.constant 0 : i32
      %dma_start3A_32 = tpu.memref_slice %arg10[%add3A_17, %dma_start3A_31] : memref<10496x128xf32, #tpu.memory_space<vmem_shared>> -> memref<128x128xf32, #tpu.memory_space<vmem_shared>>
      tpu.enqueue_dma source(%arg8 : memref<128x128xf32, #tpu.memory_space<vmem>>) target(%dma_start3A_32 : memref<128x128xf32, #tpu.memory_space<vmem_shared>>) target_semaphore(%run_scoped3A : memref<!tpu.dma_semaphore, #tpu.memory_space<semaphore_mem>>)
      %dma_wait3A = arith.constant 0 : i32
      %dma_wait3A_33 = tpu.memref_slice %arg10[%add3A_17, %dma_wait3A] : memref<10496x128xf32, #tpu.memory_space<vmem_shared>> -> memref<128x128xf32, #tpu.memory_space<vmem_shared>>
      %dma_wait3A_34 = arith.constant 0 : i32
      %dma_wait3A_35 = tpu.memref_slice %arg10[%add3A_17, %dma_wait3A_34] : memref<10496x128xf32, #tpu.memory_space<vmem_shared>> -> memref<128x128xf32, #tpu.memory_space<vmem_shared>>
      tpu.wait_dma2 semaphore(%run_scoped3A : memref<!tpu.dma_semaphore, #tpu.memory_space<semaphore_mem>>) src(%arg8 : memref<128x128xf32, #tpu.memory_space<vmem>>) dst(%dma_wait3A_35 : memref<128x128xf32, #tpu.memory_space<vmem_shared>>)
      tpu.yield
    }) : () -> ()
    %add3A_18 = arith.constant 384 : i32
    %add3A_19 = arith.addi %mul3A_11, %add3A_18 : i32
    "tpu.region"() ({
      %run_scoped3A = tpu.sem_alloc : memref<!tpu.dma_semaphore, #tpu.memory_space<semaphore_mem>>
      %dma_start3A = arith.constant 0 : i32
      %dma_start3A_30 = tpu.memref_slice %arg10[%add3A_19, %dma_start3A] : memref<10496x128xf32, #tpu.memory_space<vmem_shared>> -> memref<128x128xf32, #tpu.memory_space<vmem_shared>>
      %dma_start3A_31 = arith.constant 0 : i32
      %dma_start3A_32 = tpu.memref_slice %arg10[%add3A_19, %dma_start3A_31] : memref<10496x128xf32, #tpu.memory_space<vmem_shared>> -> memref<128x128xf32, #tpu.memory_space<vmem_shared>>
      tpu.enqueue_dma source(%arg8 : memref<128x128xf32, #tpu.memory_space<vmem>>) target(%dma_start3A_32 : memref<128x128xf32, #tpu.memory_space<vmem_shared>>) target_semaphore(%run_scoped3A : memref<!tpu.dma_semaphore, #tpu.memory_space<semaphore_mem>>)
      %dma_wait3A = arith.constant 0 : i32
      %dma_wait3A_33 = tpu.memref_slice %arg10[%add3A_19, %dma_wait3A] : memref<10496x128xf32, #tpu.memory_space<vmem_shared>> -> memref<128x128xf32, #tpu.memory_space<vmem_shared>>
      %dma_wait3A_34 = arith.constant 0 : i32
      %dma_wait3A_35 = tpu.memref_slice %arg10[%add3A_19, %dma_wait3A_34] : memref<10496x128xf32, #tpu.memory_space<vmem_shared>> -> memref<128x128xf32, #tpu.memory_space<vmem_shared>>
      tpu.wait_dma2 semaphore(%run_scoped3A : memref<!tpu.dma_semaphore, #tpu.memory_space<semaphore_mem>>) src(%arg8 : memref<128x128xf32, #tpu.memory_space<vmem>>) dst(%dma_wait3A_35 : memref<128x128xf32, #tpu.memory_space<vmem_shared>>)
      tpu.yield
    }) : () -> ()
    %add3A_20 = arith.constant 512 : i32
    %add3A_21 = arith.addi %mul3A_11, %add3A_20 : i32
    "tpu.region"() ({
      %run_scoped3A = tpu.sem_alloc : memref<!tpu.dma_semaphore, #tpu.memory_space<semaphore_mem>>
      %dma_start3A = arith.constant 0 : i32
      %dma_start3A_30 = tpu.memref_slice %arg10[%add3A_21, %dma_start3A] : memref<10496x128xf32, #tpu.memory_space<vmem_shared>> -> memref<128x128xf32, #tpu.memory_space<vmem_shared>>
      %dma_start3A_31 = arith.constant 0 : i32
      %dma_start3A_32 = tpu.memref_slice %arg10[%add3A_21, %dma_start3A_31] : memref<10496x128xf32, #tpu.memory_space<vmem_shared>> -> memref<128x128xf32, #tpu.memory_space<vmem_shared>>
      tpu.enqueue_dma source(%arg8 : memref<128x128xf32, #tpu.memory_space<vmem>>) target(%dma_start3A_32 : memref<128x128xf32, #tpu.memory_space<vmem_shared>>) target_semaphore(%run_scoped3A : memref<!tpu.dma_semaphore, #tpu.memory_space<semaphore_mem>>)
      %dma_wait3A = arith.constant 0 : i32
      %dma_wait3A_33 = tpu.memref_slice %arg10[%add3A_21, %dma_wait3A] : memref<10496x128xf32, #tpu.memory_space<vmem_shared>> -> memref<128x128xf32, #tpu.memory_space<vmem_shared>>
      %dma_wait3A_34 = arith.constant 0 : i32
      %dma_wait3A_35 = tpu.memref_slice %arg10[%add3A_21, %dma_wait3A_34] : memref<10496x128xf32, #tpu.memory_space<vmem_shared>> -> memref<128x128xf32, #tpu.memory_space<vmem_shared>>
      tpu.wait_dma2 semaphore(%run_scoped3A : memref<!tpu.dma_semaphore, #tpu.memory_space<semaphore_mem>>) src(%arg8 : memref<128x128xf32, #tpu.memory_space<vmem>>) dst(%dma_wait3A_35 : memref<128x128xf32, #tpu.memory_space<vmem_shared>>)
      tpu.yield
    }) : () -> ()
    %add3A_22 = arith.constant 640 : i32
    %add3A_23 = arith.addi %mul3A_11, %add3A_22 : i32
    "tpu.region"() ({
      %run_scoped3A = tpu.sem_alloc : memref<!tpu.dma_semaphore, #tpu.memory_space<semaphore_mem>>
      %dma_start3A = arith.constant 0 : i32
      %dma_start3A_30 = arith.constant 0 : i32
      %dma_start3A_31 = tpu.memref_slice %arg8[%dma_start3A, %dma_start3A_30] : memref<128x128xf32, #tpu.memory_space<vmem>> -> memref<16x128xf32, #tpu.memory_space<vmem>>
      %dma_start3A_32 = arith.constant 0 : i32
      %dma_start3A_33 = tpu.memref_slice %arg10[%add3A_23, %dma_start3A_32] : memref<10496x128xf32, #tpu.memory_space<vmem_shared>> -> memref<16x128xf32, #tpu.memory_space<vmem_shared>>
      %dma_start3A_34 = arith.constant 0 : i32
      %dma_start3A_35 = tpu.memref_slice %arg10[%add3A_23, %dma_start3A_34] : memref<10496x128xf32, #tpu.memory_space<vmem_shared>> -> memref<16x128xf32, #tpu.memory_space<vmem_shared>>
      %dma_start3A_36 = arith.constant 0 : i32
      %dma_start3A_37 = arith.constant 0 : i32
      %dma_start3A_38 = tpu.memref_slice %arg8[%dma_start3A_36, %dma_start3A_37] : memref<128x128xf32, #tpu.memory_space<vmem>> -> memref<16x128xf32, #tpu.memory_space<vmem>>
      tpu.enqueue_dma source(%dma_start3A_38 : memref<16x128xf32, #tpu.memory_space<vmem>>) target(%dma_start3A_35 : memref<16x128xf32, #tpu.memory_space<vmem_shared>>) target_semaphore(%run_scoped3A : memref<!tpu.dma_semaphore, #tpu.memory_space<semaphore_mem>>)
      %dma_wait3A = arith.constant 0 : i32
      %dma_wait3A_39 = arith.constant 0 : i32
      %dma_wait3A_40 = tpu.memref_slice %arg8[%dma_wait3A, %dma_wait3A_39] : memref<128x128xf32, #tpu.memory_space<vmem>> -> memref<16x128xf32, #tpu.memory_space<vmem>>
      %dma_wait3A_41 = arith.constant 0 : i32
      %dma_wait3A_42 = tpu.memref_slice %arg10[%add3A_23, %dma_wait3A_41] : memref<10496x128xf32, #tpu.memory_space<vmem_shared>> -> memref<16x128xf32, #tpu.memory_space<vmem_shared>>
      %dma_wait3A_43 = arith.constant 0 : i32
      %dma_wait3A_44 = tpu.memref_slice %arg10[%add3A_23, %dma_wait3A_43] : memref<10496x128xf32, #tpu.memory_space<vmem_shared>> -> memref<16x128xf32, #tpu.memory_space<vmem_shared>>
      %dma_wait3A_45 = arith.constant 0 : i32
      %dma_wait3A_46 = arith.constant 0 : i32
      %dma_wait3A_47 = tpu.memref_slice %arg8[%dma_wait3A_45, %dma_wait3A_46] : memref<128x128xf32, #tpu.memory_space<vmem>> -> memref<16x128xf32, #tpu.memory_space<vmem>>
      tpu.wait_dma2 semaphore(%run_scoped3A : memref<!tpu.dma_semaphore, #tpu.memory_space<semaphore_mem>>) src(%dma_wait3A_47 : memref<16x128xf32, #tpu.memory_space<vmem>>) dst(%dma_wait3A_44 : memref<16x128xf32, #tpu.memory_space<vmem_shared>>)
      tpu.yield
    }) : () -> ()
    %barrier3A = arith.constant 0 : index
    tpu.barrier barrier_id(%barrier3A)
    %scan3A_24 = arith.constant 0 : i32
    %scan3A_25 = arith.constant 79 : i32
    %scan3A_26 = arith.addi %scan3A_24, %scan3A_25 : i32
    %scan3A_27 = arith.constant 1 : i32
    scf.for %scan3A_30 = %scan3A_24 to %scan3A_26 step %scan3A_27  : i32 {
      %mul3A_31 = arith.constant 128 : i32
      %mul3A_32 = arith.muli %scan3A_30, %mul3A_31 : i32
      %add3A_33 = arith.addi %mul3A_4, %mul3A_32 : i32
      "tpu.region"() ({
        %run_scoped3A = tpu.sem_alloc : memref<!tpu.dma_semaphore, #tpu.memory_space<semaphore_mem>>
        %dma_start3A_38 = tpu.memref_slice %arg3[%add3A_33] : memref<323584xi32, #tpu.memory_space<hbm>> -> memref<128xi32, #tpu.memory_space<hbm>>
        %dma_start3A_39 = tpu.memref_slice %arg3[%add3A_33] : memref<323584xi32, #tpu.memory_space<hbm>> -> memref<128xi32, #tpu.memory_space<hbm>>
        tpu.enqueue_dma source(%dma_start3A_39 : memref<128xi32, #tpu.memory_space<hbm>>) target(%arg6 : memref<128xi32, #tpu.memory_space<vmem>>) target_semaphore(%run_scoped3A : memref<!tpu.dma_semaphore, #tpu.memory_space<semaphore_mem>>)
        %dma_wait3A_40 = tpu.memref_slice %arg3[%add3A_33] : memref<323584xi32, #tpu.memory_space<hbm>> -> memref<128xi32, #tpu.memory_space<hbm>>
        %dma_wait3A_41 = tpu.memref_slice %arg3[%add3A_33] : memref<323584xi32, #tpu.memory_space<hbm>> -> memref<128xi32, #tpu.memory_space<hbm>>
        tpu.wait_dma2 semaphore(%run_scoped3A : memref<!tpu.dma_semaphore, #tpu.memory_space<semaphore_mem>>) src(%dma_wait3A_41 : memref<128xi32, #tpu.memory_space<hbm>>) dst(%arg6 : memref<128xi32, #tpu.memory_space<vmem>>)
        tpu.yield
      }) : () -> ()
      "tpu.region"() ({
        %run_scoped3A = tpu.sem_alloc : memref<!tpu.dma_semaphore, #tpu.memory_space<semaphore_mem>>
        %dma_start3A_38 = tpu.memref_slice %arg4[%add3A_33] : memref<323584xi32, #tpu.memory_space<hbm>> -> memref<128xi32, #tpu.memory_space<hbm>>
        %dma_start3A_39 = tpu.memref_slice %arg4[%add3A_33] : memref<323584xi32, #tpu.memory_space<hbm>> -> memref<128xi32, #tpu.memory_space<hbm>>
        tpu.enqueue_dma source(%dma_start3A_39 : memref<128xi32, #tpu.memory_space<hbm>>) target(%arg7 : memref<128xi32, #tpu.memory_space<vmem>>) target_semaphore(%run_scoped3A : memref<!tpu.dma_semaphore, #tpu.memory_space<semaphore_mem>>)
        %dma_wait3A_40 = tpu.memref_slice %arg4[%add3A_33] : memref<323584xi32, #tpu.memory_space<hbm>> -> memref<128xi32, #tpu.memory_space<hbm>>
        %dma_wait3A_41 = tpu.memref_slice %arg4[%add3A_33] : memref<323584xi32, #tpu.memory_space<hbm>> -> memref<128xi32, #tpu.memory_space<hbm>>
        tpu.wait_dma2 semaphore(%run_scoped3A : memref<!tpu.dma_semaphore, #tpu.memory_space<semaphore_mem>>) src(%dma_wait3A_41 : memref<128xi32, #tpu.memory_space<hbm>>) dst(%arg7 : memref<128xi32, #tpu.memory_space<vmem>>)
        tpu.yield
      }) : () -> ()
      %dma_start3A = arith.constant 0 : i32
      %dma_start3A_34 = arith.constant 0 : i32
      %dma_start3A_35 = tpu.memref_slice %arg2[%dma_start3A, %dma_start3A_34] : memref<10240x128xf32, #tpu.memory_space<hbm>> -> memref<10240x128xf32, #tpu.memory_space<hbm>>
      tpu.enqueue_indirect_dma source(%dma_start3A_35 : memref<10240x128xf32, #tpu.memory_space<hbm>>) target(%arg8 : memref<128x128xf32, #tpu.memory_space<vmem>>) offsets(%arg6 : memref<128xi32, #tpu.memory_space<vmem>>) semaphore(%arg11 : memref<!tpu.dma_semaphore, #tpu.memory_space<semaphore_mem>>)
      %dma_wait3A = arith.constant 0 : i32
      %dma_wait3A_36 = arith.constant 0 : i32
      %dma_wait3A_37 = tpu.memref_slice %arg2[%dma_wait3A, %dma_wait3A_36] : memref<10240x128xf32, #tpu.memory_space<hbm>> -> memref<10240x128xf32, #tpu.memory_space<hbm>>
      tpu.wait_indirect_dma semaphore(%arg11 : memref<!tpu.dma_semaphore, #tpu.memory_space<semaphore_mem>>) src(%dma_wait3A_37 : memref<10240x128xf32, #tpu.memory_space<hbm>>) dst(%arg8 : memref<128x128xf32, #tpu.memory_space<vmem>>)
      "tpu.region"() ({
        %run_scoped3A = tpu.sem_alloc : memref<!tpu.dma_semaphore, #tpu.memory_space<semaphore_mem>>
        %dma_start3A_38 = arith.constant 0 : i32
        %dma_start3A_39 = arith.constant 0 : i32
        %dma_start3A_40 = tpu.memref_slice %arg10[%dma_start3A_38, %dma_start3A_39] : memref<10496x128xf32, #tpu.memory_space<vmem_shared>> -> memref<10496x128xf32, #tpu.memory_space<vmem_shared>>
        tpu.enqueue_indirect_dma source(%arg8 : memref<128x128xf32, #tpu.memory_space<vmem>>) target(%dma_start3A_40 : memref<10496x128xf32, #tpu.memory_space<vmem_shared>>) offsets(%arg7 : memref<128xi32, #tpu.memory_space<vmem>>) semaphore(%run_scoped3A : memref<!tpu.dma_semaphore, #tpu.memory_space<semaphore_mem>>) {add = true}
        %dma_wait3A_41 = arith.constant 0 : i32
        %dma_wait3A_42 = arith.constant 0 : i32
        %dma_wait3A_43 = tpu.memref_slice %arg10[%dma_wait3A_41, %dma_wait3A_42] : memref<10496x128xf32, #tpu.memory_space<vmem_shared>> -> memref<10496x128xf32, #tpu.memory_space<vmem_shared>>
        tpu.wait_indirect_dma semaphore(%run_scoped3A : memref<!tpu.dma_semaphore, #tpu.memory_space<semaphore_mem>>) src(%arg8 : memref<128x128xf32, #tpu.memory_space<vmem>>) dst(%dma_wait3A_43 : memref<10496x128xf32, #tpu.memory_space<vmem_shared>>)
        tpu.yield
      }) : () -> ()
    }
    %scan3A_28 = arith.constant 79 : i32
    %barrier3A_29 = arith.constant 0 : index
    tpu.barrier barrier_id(%barrier3A_29)
    "tpu.region"() ({
      %run_scoped3A = tpu.sem_alloc : memref<!tpu.dma_semaphore, #tpu.memory_space<semaphore_mem>>
      %dma_start3A = arith.constant 0 : i32
      %dma_start3A_30 = tpu.memref_slice %arg5[%arg0, %mul3A_2, %dma_start3A] : memref<2x10240x128xf32, #tpu.memory_space<hbm>> -> memref<1x640x128xf32, #tpu.memory_space<hbm>>
      %dma_start3A_31 = tpu.memref_squeeze %dma_start3A_30 : memref<1x640x128xf32, #tpu.memory_space<hbm>> -> memref<640x128xf32, #tpu.memory_space<hbm>>
      %dma_start3A_32 = arith.constant 0 : i32
      %dma_start3A_33 = tpu.memref_slice %arg10[%mul3A_2, %dma_start3A_32] : memref<10496x128xf32, #tpu.memory_space<vmem_shared>> -> memref<640x128xf32, #tpu.memory_space<vmem_shared>>
      tpu.enqueue_dma source(%dma_start3A_33 : memref<640x128xf32, #tpu.memory_space<vmem_shared>>) target(%dma_start3A_31 : memref<640x128xf32, #tpu.memory_space<hbm>>) target_semaphore(%run_scoped3A : memref<!tpu.dma_semaphore, #tpu.memory_space<semaphore_mem>>)
      %dma_wait3A = arith.constant 0 : i32
      %dma_wait3A_34 = tpu.memref_slice %arg5[%arg0, %mul3A_2, %dma_wait3A] : memref<2x10240x128xf32, #tpu.memory_space<hbm>> -> memref<1x640x128xf32, #tpu.memory_space<hbm>>
      %dma_wait3A_35 = tpu.memref_squeeze %dma_wait3A_34 : memref<1x640x128xf32, #tpu.memory_space<hbm>> -> memref<640x128xf32, #tpu.memory_space<hbm>>
      %dma_wait3A_36 = arith.constant 0 : i32
      %dma_wait3A_37 = tpu.memref_slice %arg10[%mul3A_2, %dma_wait3A_36] : memref<10496x128xf32, #tpu.memory_space<vmem_shared>> -> memref<640x128xf32, #tpu.memory_space<vmem_shared>>
      tpu.wait_dma2 semaphore(%run_scoped3A : memref<!tpu.dma_semaphore, #tpu.memory_space<semaphore_mem>>) src(%dma_wait3A_37 : memref<640x128xf32, #tpu.memory_space<vmem_shared>>) dst(%dma_wait3A_35 : memref<640x128xf32, #tpu.memory_space<hbm>>)
      tpu.yield
    }) : () -> ()
    return
  }
}

#map = affine_map<(d0, d1) -> (0)>
#map1 = affine_map<(d0, d1) -> (0, 0, 0)>
module attributes {stable_mosaic.version = 14 : i64} {
  func.func @body(%arg0: i32, %arg1: i32, %arg2: memref<323584xi32, #tpu.memory_space<hbm>>, %arg3: memref<2x10240x128xf32, #tpu.memory_space<hbm>>, %arg4: memref<128xi32, #tpu.memory_space<vmem>>, %arg5: memref<128x128xf32, #tpu.memory_space<vmem>>, %arg6: memref<10496x128xf32, #tpu.memory_space<vmem_shared>>, %arg7: memref<!tpu.dma_semaphore, #tpu.memory_space<semaphore_mem>>) attributes {dimension_semantics = [#tpu.dimension_semantics<core_parallel>, #tpu.dimension_semantics<subcore_parallel>], iteration_bounds = array<i64: 2, 16>, scalar_prefetch = 0 : i64, scratch_operands = 4 : i64, tpu.core_type = #tpu.core_type<sc_vector_subcore>, window_params = [{transform_indices = #map}, {transform_indices = #map1}]} {
    %mul3A = arith.constant 16 : i32
    %mul3A_0 = arith.muli %arg0, %mul3A : i32
    %add3A = arith.addi %mul3A_0, %arg1 : i32
    %mul3A_1 = arith.constant 10112 : i32
    %mul3A_2 = arith.muli %add3A, %mul3A_1 : i32
    %broadcast_in_dim3A = arith.constant 0.000000e+00 : f32
    %broadcast_in_dim3A_3 = vector.broadcast %broadcast_in_dim3A : f32 to vector<16xf32>
    %scan3A = arith.constant 0 : i32
    %scan3A_4 = arith.constant 1024 : i32
    %scan3A_5 = arith.addi %scan3A, %scan3A_4 : i32
    %scan3A_6 = arith.constant 1 : i32
    scf.for %scan3A_37 = %scan3A to %scan3A_5 step %scan3A_6  : i32 {
      %jit3A = arith.constant 8 : i32
      %div3A = arith.divsi %scan3A_37, %jit3A : i32
      %sign3A = arith.constant 0 : i32
      %sign3A_38 = arith.cmpi sgt, %scan3A_37, %sign3A : i32
      %sign3A_39 = arith.extui %sign3A_38 : i1 to i32
      %sign3A_40 = arith.constant 0 : i32
      %sign3A_41 = arith.cmpi slt, %scan3A_37, %sign3A_40 : i32
      %sign3A_42 = arith.extui %sign3A_41 : i1 to i32
      %sign3A_43 = arith.subi %sign3A_39, %sign3A_42 : i32
      %sign3A_44 = arith.constant 0 : i32
      %sign3A_45 = arith.cmpi sgt, %jit3A, %sign3A_44 : i32
      %sign3A_46 = arith.extui %sign3A_45 : i1 to i32
      %sign3A_47 = arith.constant 0 : i32
      %sign3A_48 = arith.cmpi slt, %jit3A, %sign3A_47 : i32
      %sign3A_49 = arith.extui %sign3A_48 : i1 to i32
      %sign3A_50 = arith.subi %sign3A_46, %sign3A_49 : i32
      %ne3A = arith.cmpi ne, %sign3A_43, %sign3A_50 : i32
      %rem3A = arith.remsi %scan3A_37, %jit3A : i32
      %ne3A_51 = arith.constant 0 : i32
      %ne3A_52 = arith.cmpi ne, %rem3A, %ne3A_51 : i32
      %and3A = arith.andi %ne3A, %ne3A_52 : i1
      %sub3A = arith.constant 1 : i32
      %sub3A_53 = arith.subi %div3A, %sub3A : i32
      %select_n3A = arith.select %and3A, %sub3A_53, %div3A : i32
      %jit3A_54 = arith.constant 8 : i32
      %eq3A = arith.constant 0 : i32
      %eq3A_55 = arith.cmpi eq, %jit3A_54, %eq3A : i32
      %jit3A_56 = arith.constant 1 : i32
      %select_n3A_57 = arith.select %eq3A_55, %jit3A_56, %jit3A_54 : i32
      %rem3A_58 = arith.remsi %scan3A_37, %select_n3A_57 : i32
      %ne3A_59 = arith.constant 0 : i32
      %ne3A_60 = arith.cmpi ne, %rem3A_58, %ne3A_59 : i32
      %lt3A = arith.constant 0 : i32
      %lt3A_61 = arith.cmpi slt, %rem3A_58, %lt3A : i32
      %lt3A_62 = arith.constant 0 : i32
      %lt3A_63 = arith.cmpi slt, %select_n3A_57, %lt3A_62 : i32
      %ne3A_64 = arith.xori %lt3A_61, %lt3A_63 : i1
      %and3A_65 = arith.andi %ne3A_64, %ne3A_60 : i1
      %add3A_66 = arith.addi %rem3A_58, %select_n3A_57 : i32
      %select_n3A_67 = arith.select %and3A_65, %add3A_66, %rem3A_58 : i32
      %mul3A_68 = arith.constant 16 : i32
      %mul3A_69 = arith.muli %select_n3A_67, %mul3A_68 : i32
      %swap3A = arith.index_cast %select_n3A : i32 to index
      %swap3A_70 = arith.index_cast %mul3A_69 : i32 to index
      %swap3A_71 = tpu.vector_load %arg5[%swap3A, %swap3A_70] {strides = array<i32>} : memref<128x128xf32, #tpu.memory_space<vmem>>, vector<1x16xf32>,
      %swap3A_72 = vector.shape_cast %swap3A_71 : vector<1x16xf32> to vector<16xf32>
      %swap3A_73 = vector.shape_cast %broadcast_in_dim3A_3 : vector<16xf32> to vector<1x16xf32>
      tpu.vector_store %arg5[%swap3A, %swap3A_70], %swap3A_73 {strides = array<i32>} : memref<128x128xf32, #tpu.memory_space<vmem>>, vector<1x16xf32>,
    }
    %scan3A_7 = arith.constant 1024 : i32
    %mul3A_8 = arith.constant 656 : i32
    %mul3A_9 = arith.muli %arg1, %mul3A_8 : i32
    %add3A_10 = arith.constant 0 : i32
    %add3A_11 = arith.addi %mul3A_9, %add3A_10 : i32
    "tpu.region"() ({
      %run_scoped3A = tpu.sem_alloc : memref<!tpu.dma_semaphore, #tpu.memory_space<semaphore_mem>>
      %dma_start3A = arith.constant 0 : i32
      %dma_start3A_37 = tpu.memref_slice %arg6[%add3A_11, %dma_start3A] : memref<10496x128xf32, #tpu.memory_space<vmem_shared>> -> memref<128x128xf32, #tpu.memory_space<vmem_shared>>
      %dma_start3A_38 = arith.constant 0 : i32
      %dma_start3A_39 = tpu.memref_slice %arg6[%add3A_11, %dma_start3A_38] : memref<10496x128xf32, #tpu.memory_space<vmem_shared>> -> memref<128x128xf32, #tpu.memory_space<vmem_shared>>
      tpu.enqueue_dma source(%arg5 : memref<128x128xf32, #tpu.memory_space<vmem>>) target(%dma_start3A_39 : memref<128x128xf32, #tpu.memory_space<vmem_shared>>) target_semaphore(%run_scoped3A : memref<!tpu.dma_semaphore, #tpu.memory_space<semaphore_mem>>)
      %dma_wait3A = arith.constant 0 : i32
      %dma_wait3A_40 = tpu.memref_slice %arg6[%add3A_11, %dma_wait3A] : memref<10496x128xf32, #tpu.memory_space<vmem_shared>> -> memref<128x128xf32, #tpu.memory_space<vmem_shared>>
      %dma_wait3A_41 = arith.constant 0 : i32
      %dma_wait3A_42 = tpu.memref_slice %arg6[%add3A_11, %dma_wait3A_41] : memref<10496x128xf32, #tpu.memory_space<vmem_shared>> -> memref<128x128xf32, #tpu.memory_space<vmem_shared>>
      tpu.wait_dma2 semaphore(%run_scoped3A : memref<!tpu.dma_semaphore, #tpu.memory_space<semaphore_mem>>) src(%arg5 : memref<128x128xf32, #tpu.memory_space<vmem>>) dst(%dma_wait3A_42 : memref<128x128xf32, #tpu.memory_space<vmem_shared>>)
      tpu.yield
    }) : () -> ()
    %add3A_12 = arith.constant 128 : i32
    %add3A_13 = arith.addi %mul3A_9, %add3A_12 : i32
    "tpu.region"() ({
      %run_scoped3A = tpu.sem_alloc : memref<!tpu.dma_semaphore, #tpu.memory_space<semaphore_mem>>
      %dma_start3A = arith.constant 0 : i32
      %dma_start3A_37 = tpu.memref_slice %arg6[%add3A_13, %dma_start3A] : memref<10496x128xf32, #tpu.memory_space<vmem_shared>> -> memref<128x128xf32, #tpu.memory_space<vmem_shared>>
      %dma_start3A_38 = arith.constant 0 : i32
      %dma_start3A_39 = tpu.memref_slice %arg6[%add3A_13, %dma_start3A_38] : memref<10496x128xf32, #tpu.memory_space<vmem_shared>> -> memref<128x128xf32, #tpu.memory_space<vmem_shared>>
      tpu.enqueue_dma source(%arg5 : memref<128x128xf32, #tpu.memory_space<vmem>>) target(%dma_start3A_39 : memref<128x128xf32, #tpu.memory_space<vmem_shared>>) target_semaphore(%run_scoped3A : memref<!tpu.dma_semaphore, #tpu.memory_space<semaphore_mem>>)
      %dma_wait3A = arith.constant 0 : i32
      %dma_wait3A_40 = tpu.memref_slice %arg6[%add3A_13, %dma_wait3A] : memref<10496x128xf32, #tpu.memory_space<vmem_shared>> -> memref<128x128xf32, #tpu.memory_space<vmem_shared>>
      %dma_wait3A_41 = arith.constant 0 : i32
      %dma_wait3A_42 = tpu.memref_slice %arg6[%add3A_13, %dma_wait3A_41] : memref<10496x128xf32, #tpu.memory_space<vmem_shared>> -> memref<128x128xf32, #tpu.memory_space<vmem_shared>>
      tpu.wait_dma2 semaphore(%run_scoped3A : memref<!tpu.dma_semaphore, #tpu.memory_space<semaphore_mem>>) src(%arg5 : memref<128x128xf32, #tpu.memory_space<vmem>>) dst(%dma_wait3A_42 : memref<128x128xf32, #tpu.memory_space<vmem_shared>>)
      tpu.yield
    }) : () -> ()
    %add3A_14 = arith.constant 256 : i32
    %add3A_15 = arith.addi %mul3A_9, %add3A_14 : i32
    "tpu.region"() ({
      %run_scoped3A = tpu.sem_alloc : memref<!tpu.dma_semaphore, #tpu.memory_space<semaphore_mem>>
      %dma_start3A = arith.constant 0 : i32
      %dma_start3A_37 = tpu.memref_slice %arg6[%add3A_15, %dma_start3A] : memref<10496x128xf32, #tpu.memory_space<vmem_shared>> -> memref<128x128xf32, #tpu.memory_space<vmem_shared>>
      %dma_start3A_38 = arith.constant 0 : i32
      %dma_start3A_39 = tpu.memref_slice %arg6[%add3A_15, %dma_start3A_38] : memref<10496x128xf32, #tpu.memory_space<vmem_shared>> -> memref<128x128xf32, #tpu.memory_space<vmem_shared>>
      tpu.enqueue_dma source(%arg5 : memref<128x128xf32, #tpu.memory_space<vmem>>) target(%dma_start3A_39 : memref<128x128xf32, #tpu.memory_space<vmem_shared>>) target_semaphore(%run_scoped3A : memref<!tpu.dma_semaphore, #tpu.memory_space<semaphore_mem>>)
      %dma_wait3A = arith.constant 0 : i32
      %dma_wait3A_40 = tpu.memref_slice %arg6[%add3A_15, %dma_wait3A] : memref<10496x128xf32, #tpu.memory_space<vmem_shared>> -> memref<128x128xf32, #tpu.memory_space<vmem_shared>>
      %dma_wait3A_41 = arith.constant 0 : i32
      %dma_wait3A_42 = tpu.memref_slice %arg6[%add3A_15, %dma_wait3A_41] : memref<10496x128xf32, #tpu.memory_space<vmem_shared>> -> memref<128x128xf32, #tpu.memory_space<vmem_shared>>
      tpu.wait_dma2 semaphore(%run_scoped3A : memref<!tpu.dma_semaphore, #tpu.memory_space<semaphore_mem>>) src(%arg5 : memref<128x128xf32, #tpu.memory_space<vmem>>) dst(%dma_wait3A_42 : memref<128x128xf32, #tpu.memory_space<vmem_shared>>)
      tpu.yield
    }) : () -> ()
    %add3A_16 = arith.constant 384 : i32
    %add3A_17 = arith.addi %mul3A_9, %add3A_16 : i32
    "tpu.region"() ({
      %run_scoped3A = tpu.sem_alloc : memref<!tpu.dma_semaphore, #tpu.memory_space<semaphore_mem>>
      %dma_start3A = arith.constant 0 : i32
      %dma_start3A_37 = tpu.memref_slice %arg6[%add3A_17, %dma_start3A] : memref<10496x128xf32, #tpu.memory_space<vmem_shared>> -> memref<128x128xf32, #tpu.memory_space<vmem_shared>>
      %dma_start3A_38 = arith.constant 0 : i32
      %dma_start3A_39 = tpu.memref_slice %arg6[%add3A_17, %dma_start3A_38] : memref<10496x128xf32, #tpu.memory_space<vmem_shared>> -> memref<128x128xf32, #tpu.memory_space<vmem_shared>>
      tpu.enqueue_dma source(%arg5 : memref<128x128xf32, #tpu.memory_space<vmem>>) target(%dma_start3A_39 : memref<128x128xf32, #tpu.memory_space<vmem_shared>>) target_semaphore(%run_scoped3A : memref<!tpu.dma_semaphore, #tpu.memory_space<semaphore_mem>>)
      %dma_wait3A = arith.constant 0 : i32
      %dma_wait3A_40 = tpu.memref_slice %arg6[%add3A_17, %dma_wait3A] : memref<10496x128xf32, #tpu.memory_space<vmem_shared>> -> memref<128x128xf32, #tpu.memory_space<vmem_shared>>
      %dma_wait3A_41 = arith.constant 0 : i32
      %dma_wait3A_42 = tpu.memref_slice %arg6[%add3A_17, %dma_wait3A_41] : memref<10496x128xf32, #tpu.memory_space<vmem_shared>> -> memref<128x128xf32, #tpu.memory_space<vmem_shared>>
      tpu.wait_dma2 semaphore(%run_scoped3A : memref<!tpu.dma_semaphore, #tpu.memory_space<semaphore_mem>>) src(%arg5 : memref<128x128xf32, #tpu.memory_space<vmem>>) dst(%dma_wait3A_42 : memref<128x128xf32, #tpu.memory_space<vmem_shared>>)
      tpu.yield
    }) : () -> ()
    %add3A_18 = arith.constant 512 : i32
    %add3A_19 = arith.addi %mul3A_9, %add3A_18 : i32
    "tpu.region"() ({
      %run_scoped3A = tpu.sem_alloc : memref<!tpu.dma_semaphore, #tpu.memory_space<semaphore_mem>>
      %dma_start3A = arith.constant 0 : i32
      %dma_start3A_37 = tpu.memref_slice %arg6[%add3A_19, %dma_start3A] : memref<10496x128xf32, #tpu.memory_space<vmem_shared>> -> memref<128x128xf32, #tpu.memory_space<vmem_shared>>
      %dma_start3A_38 = arith.constant 0 : i32
      %dma_start3A_39 = tpu.memref_slice %arg6[%add3A_19, %dma_start3A_38] : memref<10496x128xf32, #tpu.memory_space<vmem_shared>> -> memref<128x128xf32, #tpu.memory_space<vmem_shared>>
      tpu.enqueue_dma source(%arg5 : memref<128x128xf32, #tpu.memory_space<vmem>>) target(%dma_start3A_39 : memref<128x128xf32, #tpu.memory_space<vmem_shared>>) target_semaphore(%run_scoped3A : memref<!tpu.dma_semaphore, #tpu.memory_space<semaphore_mem>>)
      %dma_wait3A = arith.constant 0 : i32
      %dma_wait3A_40 = tpu.memref_slice %arg6[%add3A_19, %dma_wait3A] : memref<10496x128xf32, #tpu.memory_space<vmem_shared>> -> memref<128x128xf32, #tpu.memory_space<vmem_shared>>
      %dma_wait3A_41 = arith.constant 0 : i32
      %dma_wait3A_42 = tpu.memref_slice %arg6[%add3A_19, %dma_wait3A_41] : memref<10496x128xf32, #tpu.memory_space<vmem_shared>> -> memref<128x128xf32, #tpu.memory_space<vmem_shared>>
      tpu.wait_dma2 semaphore(%run_scoped3A : memref<!tpu.dma_semaphore, #tpu.memory_space<semaphore_mem>>) src(%arg5 : memref<128x128xf32, #tpu.memory_space<vmem>>) dst(%dma_wait3A_42 : memref<128x128xf32, #tpu.memory_space<vmem_shared>>)
      tpu.yield
    }) : () -> ()
    %add3A_20 = arith.constant 640 : i32
    %add3A_21 = arith.addi %mul3A_9, %add3A_20 : i32
    "tpu.region"() ({
      %run_scoped3A = tpu.sem_alloc : memref<!tpu.dma_semaphore, #tpu.memory_space<semaphore_mem>>
      %dma_start3A = arith.constant 0 : i32
      %dma_start3A_37 = arith.constant 0 : i32
      %dma_start3A_38 = tpu.memref_slice %arg5[%dma_start3A, %dma_start3A_37] : memref<128x128xf32, #tpu.memory_space<vmem>> -> memref<16x128xf32, #tpu.memory_space<vmem>>
      %dma_start3A_39 = arith.constant 0 : i32
      %dma_start3A_40 = tpu.memref_slice %arg6[%add3A_21, %dma_start3A_39] : memref<10496x128xf32, #tpu.memory_space<vmem_shared>> -> memref<16x128xf32, #tpu.memory_space<vmem_shared>>
      %dma_start3A_41 = arith.constant 0 : i32
      %dma_start3A_42 = tpu.memref_slice %arg6[%add3A_21, %dma_start3A_41] : memref<10496x128xf32, #tpu.memory_space<vmem_shared>> -> memref<16x128xf32, #tpu.memory_space<vmem_shared>>
      %dma_start3A_43 = arith.constant 0 : i32
      %dma_start3A_44 = arith.constant 0 : i32
      %dma_start3A_45 = tpu.memref_slice %arg5[%dma_start3A_43, %dma_start3A_44] : memref<128x128xf32, #tpu.memory_space<vmem>> -> memref<16x128xf32, #tpu.memory_space<vmem>>
      tpu.enqueue_dma source(%dma_start3A_45 : memref<16x128xf32, #tpu.memory_space<vmem>>) target(%dma_start3A_42 : memref<16x128xf32, #tpu.memory_space<vmem_shared>>) target_semaphore(%run_scoped3A : memref<!tpu.dma_semaphore, #tpu.memory_space<semaphore_mem>>)
      %dma_wait3A = arith.constant 0 : i32
      %dma_wait3A_46 = arith.constant 0 : i32
      %dma_wait3A_47 = tpu.memref_slice %arg5[%dma_wait3A, %dma_wait3A_46] : memref<128x128xf32, #tpu.memory_space<vmem>> -> memref<16x128xf32, #tpu.memory_space<vmem>>
      %dma_wait3A_48 = arith.constant 0 : i32
      %dma_wait3A_49 = tpu.memref_slice %arg6[%add3A_21, %dma_wait3A_48] : memref<10496x128xf32, #tpu.memory_space<vmem_shared>> -> memref<16x128xf32, #tpu.memory_space<vmem_shared>>
      %dma_wait3A_50 = arith.constant 0 : i32
      %dma_wait3A_51 = tpu.memref_slice %arg6[%add3A_21, %dma_wait3A_50] : memref<10496x128xf32, #tpu.memory_space<vmem_shared>> -> memref<16x128xf32, #tpu.memory_space<vmem_shared>>
      %dma_wait3A_52 = arith.constant 0 : i32
      %dma_wait3A_53 = arith.constant 0 : i32
      %dma_wait3A_54 = tpu.memref_slice %arg5[%dma_wait3A_52, %dma_wait3A_53] : memref<128x128xf32, #tpu.memory_space<vmem>> -> memref<16x128xf32, #tpu.memory_space<vmem>>
      tpu.wait_dma2 semaphore(%run_scoped3A : memref<!tpu.dma_semaphore, #tpu.memory_space<semaphore_mem>>) src(%dma_wait3A_54 : memref<16x128xf32, #tpu.memory_space<vmem>>) dst(%dma_wait3A_51 : memref<16x128xf32, #tpu.memory_space<vmem_shared>>)
      tpu.yield
    }) : () -> ()
    %broadcast_in_dim3A_22 = arith.constant 1.000000e+00 : f32
    %broadcast_in_dim3A_23 = vector.broadcast %broadcast_in_dim3A_22 : f32 to vector<16xf32>
    %scan3A_24 = arith.constant 0 : i32
    %scan3A_25 = arith.constant 1024 : i32
    %scan3A_26 = arith.addi %scan3A_24, %scan3A_25 : i32
    %scan3A_27 = arith.constant 1 : i32
    scf.for %scan3A_37 = %scan3A_24 to %scan3A_26 step %scan3A_27  : i32 {
      %jit3A = arith.constant 8 : i32
      %div3A = arith.divsi %scan3A_37, %jit3A : i32
      %sign3A = arith.constant 0 : i32
      %sign3A_38 = arith.cmpi sgt, %scan3A_37, %sign3A : i32
      %sign3A_39 = arith.extui %sign3A_38 : i1 to i32
      %sign3A_40 = arith.constant 0 : i32
      %sign3A_41 = arith.cmpi slt, %scan3A_37, %sign3A_40 : i32
      %sign3A_42 = arith.extui %sign3A_41 : i1 to i32
      %sign3A_43 = arith.subi %sign3A_39, %sign3A_42 : i32
      %sign3A_44 = arith.constant 0 : i32
      %sign3A_45 = arith.cmpi sgt, %jit3A, %sign3A_44 : i32
      %sign3A_46 = arith.extui %sign3A_45 : i1 to i32
      %sign3A_47 = arith.constant 0 : i32
      %sign3A_48 = arith.cmpi slt, %jit3A, %sign3A_47 : i32
      %sign3A_49 = arith.extui %sign3A_48 : i1 to i32
      %sign3A_50 = arith.subi %sign3A_46, %sign3A_49 : i32
      %ne3A = arith.cmpi ne, %sign3A_43, %sign3A_50 : i32
      %rem3A = arith.remsi %scan3A_37, %jit3A : i32
      %ne3A_51 = arith.constant 0 : i32
      %ne3A_52 = arith.cmpi ne, %rem3A, %ne3A_51 : i32
      %and3A = arith.andi %ne3A, %ne3A_52 : i1
      %sub3A = arith.constant 1 : i32
      %sub3A_53 = arith.subi %div3A, %sub3A : i32
      %select_n3A = arith.select %and3A, %sub3A_53, %div3A : i32
      %jit3A_54 = arith.constant 8 : i32
      %eq3A = arith.constant 0 : i32
      %eq3A_55 = arith.cmpi eq, %jit3A_54, %eq3A : i32
      %jit3A_56 = arith.constant 1 : i32
      %select_n3A_57 = arith.select %eq3A_55, %jit3A_56, %jit3A_54 : i32
      %rem3A_58 = arith.remsi %scan3A_37, %select_n3A_57 : i32
      %ne3A_59 = arith.constant 0 : i32
      %ne3A_60 = arith.cmpi ne, %rem3A_58, %ne3A_59 : i32
      %lt3A = arith.constant 0 : i32
      %lt3A_61 = arith.cmpi slt, %rem3A_58, %lt3A : i32
      %lt3A_62 = arith.constant 0 : i32
      %lt3A_63 = arith.cmpi slt, %select_n3A_57, %lt3A_62 : i32
      %ne3A_64 = arith.xori %lt3A_61, %lt3A_63 : i1
      %and3A_65 = arith.andi %ne3A_64, %ne3A_60 : i1
      %add3A_66 = arith.addi %rem3A_58, %select_n3A_57 : i32
      %select_n3A_67 = arith.select %and3A_65, %add3A_66, %rem3A_58 : i32
      %mul3A_68 = arith.constant 16 : i32
      %mul3A_69 = arith.muli %select_n3A_67, %mul3A_68 : i32
      %swap3A = arith.index_cast %select_n3A : i32 to index
      %swap3A_70 = arith.index_cast %mul3A_69 : i32 to index
      %swap3A_71 = tpu.vector_load %arg5[%swap3A, %swap3A_70] {strides = array<i32>} : memref<128x128xf32, #tpu.memory_space<vmem>>, vector<1x16xf32>,
      %swap3A_72 = vector.shape_cast %swap3A_71 : vector<1x16xf32> to vector<16xf32>
      %swap3A_73 = vector.shape_cast %broadcast_in_dim3A_23 : vector<16xf32> to vector<1x16xf32>
      tpu.vector_store %arg5[%swap3A, %swap3A_70], %swap3A_73 {strides = array<i32>} : memref<128x128xf32, #tpu.memory_space<vmem>>, vector<1x16xf32>,
    }
    %scan3A_28 = arith.constant 1024 : i32
    %barrier3A = arith.constant 0 : index
    tpu.barrier barrier_id(%barrier3A)
    %scan3A_29 = arith.constant 0 : i32
    %scan3A_30 = arith.constant 79 : i32
    %scan3A_31 = arith.addi %scan3A_29, %scan3A_30 : i32
    %scan3A_32 = arith.constant 1 : i32
    scf.for %scan3A_37 = %scan3A_29 to %scan3A_31 step %scan3A_32  : i32 {
      %mul3A_38 = arith.constant 128 : i32
      %mul3A_39 = arith.muli %scan3A_37, %mul3A_38 : i32
      %add3A_40 = arith.addi %mul3A_2, %mul3A_39 : i32
      "tpu.region"() ({
        %run_scoped3A = tpu.sem_alloc : memref<!tpu.dma_semaphore, #tpu.memory_space<semaphore_mem>>
        %dma_start3A = tpu.memref_slice %arg2[%add3A_40] : memref<323584xi32, #tpu.memory_space<hbm>> -> memref<128xi32, #tpu.memory_space<hbm>>
        %dma_start3A_41 = tpu.memref_slice %arg2[%add3A_40] : memref<323584xi32, #tpu.memory_space<hbm>> -> memref<128xi32, #tpu.memory_space<hbm>>
        tpu.enqueue_dma source(%dma_start3A_41 : memref<128xi32, #tpu.memory_space<hbm>>) target(%arg4 : memref<128xi32, #tpu.memory_space<vmem>>) target_semaphore(%run_scoped3A : memref<!tpu.dma_semaphore, #tpu.memory_space<semaphore_mem>>)
        %dma_wait3A = tpu.memref_slice %arg2[%add3A_40] : memref<323584xi32, #tpu.memory_space<hbm>> -> memref<128xi32, #tpu.memory_space<hbm>>
        %dma_wait3A_42 = tpu.memref_slice %arg2[%add3A_40] : memref<323584xi32, #tpu.memory_space<hbm>> -> memref<128xi32, #tpu.memory_space<hbm>>
        tpu.wait_dma2 semaphore(%run_scoped3A : memref<!tpu.dma_semaphore, #tpu.memory_space<semaphore_mem>>) src(%dma_wait3A_42 : memref<128xi32, #tpu.memory_space<hbm>>) dst(%arg4 : memref<128xi32, #tpu.memory_space<vmem>>)
        tpu.yield
      }) : () -> ()
      "tpu.region"() ({
        %run_scoped3A = tpu.sem_alloc : memref<!tpu.dma_semaphore, #tpu.memory_space<semaphore_mem>>
        %dma_start3A = arith.constant 0 : i32
        %dma_start3A_41 = arith.constant 0 : i32
        %dma_start3A_42 = tpu.memref_slice %arg6[%dma_start3A, %dma_start3A_41] : memref<10496x128xf32, #tpu.memory_space<vmem_shared>> -> memref<10496x128xf32, #tpu.memory_space<vmem_shared>>
        tpu.enqueue_indirect_dma source(%arg5 : memref<128x128xf32, #tpu.memory_space<vmem>>) target(%dma_start3A_42 : memref<10496x128xf32, #tpu.memory_space<vmem_shared>>) offsets(%arg4 : memref<128xi32, #tpu.memory_space<vmem>>) semaphore(%run_scoped3A : memref<!tpu.dma_semaphore, #tpu.memory_space<semaphore_mem>>) {add = true}
        %dma_wait3A = arith.constant 0 : i32
        %dma_wait3A_43 = arith.constant 0 : i32
        %dma_wait3A_44 = tpu.memref_slice %arg6[%dma_wait3A, %dma_wait3A_43] : memref<10496x128xf32, #tpu.memory_space<vmem_shared>> -> memref<10496x128xf32, #tpu.memory_space<vmem_shared>>
        tpu.wait_indirect_dma semaphore(%run_scoped3A : memref<!tpu.dma_semaphore, #tpu.memory_space<semaphore_mem>>) src(%arg5 : memref<128x128xf32, #tpu.memory_space<vmem>>) dst(%dma_wait3A_44 : memref<10496x128xf32, #tpu.memory_space<vmem_shared>>)
        tpu.yield
      }) : () -> ()
    }
    %scan3A_33 = arith.constant 79 : i32
    %barrier3A_34 = arith.constant 0 : index
    tpu.barrier barrier_id(%barrier3A_34)
    %mul3A_35 = arith.constant 640 : i32
    %mul3A_36 = arith.muli %arg1, %mul3A_35 : i32
    "tpu.region"() ({
      %run_scoped3A = tpu.sem_alloc : memref<!tpu.dma_semaphore, #tpu.memory_space<semaphore_mem>>
      %dma_start3A = arith.constant 0 : i32
      %dma_start3A_37 = tpu.memref_slice %arg3[%arg0, %mul3A_36, %dma_start3A] : memref<2x10240x128xf32, #tpu.memory_space<hbm>> -> memref<1x640x128xf32, #tpu.memory_space<hbm>>
      %dma_start3A_38 = tpu.memref_squeeze %dma_start3A_37 : memref<1x640x128xf32, #tpu.memory_space<hbm>> -> memref<640x128xf32, #tpu.memory_space<hbm>>
      %dma_start3A_39 = arith.constant 0 : i32
      %dma_start3A_40 = tpu.memref_slice %arg6[%mul3A_36, %dma_start3A_39] : memref<10496x128xf32, #tpu.memory_space<vmem_shared>> -> memref<640x128xf32, #tpu.memory_space<vmem_shared>>
      tpu.enqueue_dma source(%dma_start3A_40 : memref<640x128xf32, #tpu.memory_space<vmem_shared>>) target(%dma_start3A_38 : memref<640x128xf32, #tpu.memory_space<hbm>>) target_semaphore(%run_scoped3A : memref<!tpu.dma_semaphore, #tpu.memory_space<semaphore_mem>>)
      %dma_wait3A = arith.constant 0 : i32
      %dma_wait3A_41 = tpu.memref_slice %arg3[%arg0, %mul3A_36, %dma_wait3A] : memref<2x10240x128xf32, #tpu.memory_space<hbm>> -> memref<1x640x128xf32, #tpu.memory_space<hbm>>
      %dma_wait3A_42 = tpu.memref_squeeze %dma_wait3A_41 : memref<1x640x128xf32, #tpu.memory_space<hbm>> -> memref<640x128xf32, #tpu.memory_space<hbm>>
      %dma_wait3A_43 = arith.constant 0 : i32
      %dma_wait3A_44 = tpu.memref_slice %arg6[%mul3A_36, %dma_wait3A_43] : memref<10496x128xf32, #tpu.memory_space<vmem_shared>> -> memref<640x128xf32, #tpu.memory_space<vmem_shared>>
      tpu.wait_dma2 semaphore(%run_scoped3A : memref<!tpu.dma_semaphore, #tpu.memory_space<semaphore_mem>>) src(%dma_wait3A_44 : memref<640x128xf32, #tpu.memory_space<vmem_shared>>) dst(%dma_wait3A_42 : memref<640x128xf32, #tpu.memory_space<hbm>>)
      tpu.yield
    }) : () -> ()
    return
  }
}

#map = affine_map<(d0, d1) -> (0, 0)>
#map1 = affine_map<(d0, d1) -> (0)>
#map2 = affine_map<(d0, d1) -> (0, 0, 0)>
module attributes {stable_mosaic.version = 14 : i64} {
  func.func @body(%arg0: i32, %arg1: i32, %arg2: memref<10240x128xf32, #tpu.memory_space<hbm>>, %arg3: memref<323584xi32, #tpu.memory_space<hbm>>, %arg4: memref<323584xi32, #tpu.memory_space<hbm>>, %arg5: memref<2x10240x128xf32, #tpu.memory_space<hbm>>, %arg6: memref<128xi32, #tpu.memory_space<vmem>>, %arg7: memref<128xi32, #tpu.memory_space<vmem>>, %arg8: memref<128x128xf32, #tpu.memory_space<vmem>>, %arg9: memref<128x128xf32, #tpu.memory_space<vmem>>, %arg10: memref<10496x128xf32, #tpu.memory_space<vmem_shared>>, %arg11: memref<!tpu.dma_semaphore, #tpu.memory_space<semaphore_mem>>) attributes {dimension_semantics = [#tpu.dimension_semantics<core_parallel>, #tpu.dimension_semantics<subcore_parallel>], iteration_bounds = array<i64: 2, 16>, scalar_prefetch = 0 : i64, scratch_operands = 6 : i64, tpu.core_type = #tpu.core_type<sc_vector_subcore>, window_params = [{transform_indices = #map}, {transform_indices = #map1}, {transform_indices = #map1}, {transform_indices = #map2}]} {
    %mul3A = arith.constant 16 : i32
    %mul3A_0 = arith.muli %arg0, %mul3A : i32
    %add3A = arith.addi %mul3A_0, %arg1 : i32
    %mul3A_1 = arith.constant 640 : i32
    %mul3A_2 = arith.muli %arg1, %mul3A_1 : i32
    %mul3A_3 = arith.constant 10112 : i32
    %mul3A_4 = arith.muli %add3A, %mul3A_3 : i32
    %broadcast_in_dim3A = arith.constant 0.000000e+00 : f32
    %broadcast_in_dim3A_5 = vector.broadcast %broadcast_in_dim3A : f32 to vector<16xf32>
    %scan3A = arith.constant 0 : i32
    %scan3A_6 = arith.constant 1024 : i32
    %scan3A_7 = arith.addi %scan3A, %scan3A_6 : i32
    %scan3A_8 = arith.constant 1 : i32
    scf.for %scan3A_30 = %scan3A to %scan3A_7 step %scan3A_8  : i32 {
      %jit3A = arith.constant 8 : i32
      %div3A = arith.divsi %scan3A_30, %jit3A : i32
      %sign3A = arith.constant 0 : i32
      %sign3A_31 = arith.cmpi sgt, %scan3A_30, %sign3A : i32
      %sign3A_32 = arith.extui %sign3A_31 : i1 to i32
      %sign3A_33 = arith.constant 0 : i32
      %sign3A_34 = arith.cmpi slt, %scan3A_30, %sign3A_33 : i32
      %sign3A_35 = arith.extui %sign3A_34 : i1 to i32
      %sign3A_36 = arith.subi %sign3A_32, %sign3A_35 : i32
      %sign3A_37 = arith.constant 0 : i32
      %sign3A_38 = arith.cmpi sgt, %jit3A, %sign3A_37 : i32
      %sign3A_39 = arith.extui %sign3A_38 : i1 to i32
      %sign3A_40 = arith.constant 0 : i32
      %sign3A_41 = arith.cmpi slt, %jit3A, %sign3A_40 : i32
      %sign3A_42 = arith.extui %sign3A_41 : i1 to i32
      %sign3A_43 = arith.subi %sign3A_39, %sign3A_42 : i32
      %ne3A = arith.cmpi ne, %sign3A_36, %sign3A_43 : i32
      %rem3A = arith.remsi %scan3A_30, %jit3A : i32
      %ne3A_44 = arith.constant 0 : i32
      %ne3A_45 = arith.cmpi ne, %rem3A, %ne3A_44 : i32
      %and3A = arith.andi %ne3A, %ne3A_45 : i1
      %sub3A = arith.constant 1 : i32
      %sub3A_46 = arith.subi %div3A, %sub3A : i32
      %select_n3A = arith.select %and3A, %sub3A_46, %div3A : i32
      %jit3A_47 = arith.constant 8 : i32
      %eq3A = arith.constant 0 : i32
      %eq3A_48 = arith.cmpi eq, %jit3A_47, %eq3A : i32
      %jit3A_49 = arith.constant 1 : i32
      %select_n3A_50 = arith.select %eq3A_48, %jit3A_49, %jit3A_47 : i32
      %rem3A_51 = arith.remsi %scan3A_30, %select_n3A_50 : i32
      %ne3A_52 = arith.constant 0 : i32
      %ne3A_53 = arith.cmpi ne, %rem3A_51, %ne3A_52 : i32
      %lt3A = arith.constant 0 : i32
      %lt3A_54 = arith.cmpi slt, %rem3A_51, %lt3A : i32
      %lt3A_55 = arith.constant 0 : i32
      %lt3A_56 = arith.cmpi slt, %select_n3A_50, %lt3A_55 : i32
      %ne3A_57 = arith.xori %lt3A_54, %lt3A_56 : i1
      %and3A_58 = arith.andi %ne3A_57, %ne3A_53 : i1
      %add3A_59 = arith.addi %rem3A_51, %select_n3A_50 : i32
      %select_n3A_60 = arith.select %and3A_58, %add3A_59, %rem3A_51 : i32
      %mul3A_61 = arith.constant 16 : i32
      %mul3A_62 = arith.muli %select_n3A_60, %mul3A_61 : i32
      %swap3A = arith.index_cast %select_n3A : i32 to index
      %swap3A_63 = arith.index_cast %mul3A_62 : i32 to index
      %swap3A_64 = tpu.vector_load %arg8[%swap3A, %swap3A_63] {strides = array<i32>} : memref<128x128xf32, #tpu.memory_space<vmem>>, vector<1x16xf32>,
      %swap3A_65 = vector.shape_cast %swap3A_64 : vector<1x16xf32> to vector<16xf32>
      %swap3A_66 = vector.shape_cast %broadcast_in_dim3A_5 : vector<16xf32> to vector<1x16xf32>
      tpu.vector_store %arg8[%swap3A, %swap3A_63], %swap3A_66 {strides = array<i32>} : memref<128x128xf32, #tpu.memory_space<vmem>>, vector<1x16xf32>,
    }
    %scan3A_9 = arith.constant 1024 : i32
    %mul3A_10 = arith.constant 656 : i32
    %mul3A_11 = arith.muli %arg1, %mul3A_10 : i32
    %add3A_12 = arith.constant 0 : i32
    %add3A_13 = arith.addi %mul3A_11, %add3A_12 : i32
    "tpu.region"() ({
      %run_scoped3A = tpu.sem_alloc : memref<!tpu.dma_semaphore, #tpu.memory_space<semaphore_mem>>
      %dma_start3A = arith.constant 0 : i32
      %dma_start3A_30 = tpu.memref_slice %arg10[%add3A_13, %dma_start3A] : memref<10496x128xf32, #tpu.memory_space<vmem_shared>> -> memref<128x128xf32, #tpu.memory_space<vmem_shared>>
      %dma_start3A_31 = arith.constant 0 : i32
      %dma_start3A_32 = tpu.memref_slice %arg10[%add3A_13, %dma_start3A_31] : memref<10496x128xf32, #tpu.memory_space<vmem_shared>> -> memref<128x128xf32, #tpu.memory_space<vmem_shared>>
      tpu.enqueue_dma source(%arg8 : memref<128x128xf32, #tpu.memory_space<vmem>>) target(%dma_start3A_32 : memref<128x128xf32, #tpu.memory_space<vmem_shared>>) target_semaphore(%run_scoped3A : memref<!tpu.dma_semaphore, #tpu.memory_space<semaphore_mem>>)
      %dma_wait3A = arith.constant 0 : i32
      %dma_wait3A_33 = tpu.memref_slice %arg10[%add3A_13, %dma_wait3A] : memref<10496x128xf32, #tpu.memory_space<vmem_shared>> -> memref<128x128xf32, #tpu.memory_space<vmem_shared>>
      %dma_wait3A_34 = arith.constant 0 : i32
      %dma_wait3A_35 = tpu.memref_slice %arg10[%add3A_13, %dma_wait3A_34] : memref<10496x128xf32, #tpu.memory_space<vmem_shared>> -> memref<128x128xf32, #tpu.memory_space<vmem_shared>>
      tpu.wait_dma2 semaphore(%run_scoped3A : memref<!tpu.dma_semaphore, #tpu.memory_space<semaphore_mem>>) src(%arg8 : memref<128x128xf32, #tpu.memory_space<vmem>>) dst(%dma_wait3A_35 : memref<128x128xf32, #tpu.memory_space<vmem_shared>>)
      tpu.yield
    }) : () -> ()
    %add3A_14 = arith.constant 128 : i32
    %add3A_15 = arith.addi %mul3A_11, %add3A_14 : i32
    "tpu.region"() ({
      %run_scoped3A = tpu.sem_alloc : memref<!tpu.dma_semaphore, #tpu.memory_space<semaphore_mem>>
      %dma_start3A = arith.constant 0 : i32
      %dma_start3A_30 = tpu.memref_slice %arg10[%add3A_15, %dma_start3A] : memref<10496x128xf32, #tpu.memory_space<vmem_shared>> -> memref<128x128xf32, #tpu.memory_space<vmem_shared>>
      %dma_start3A_31 = arith.constant 0 : i32
      %dma_start3A_32 = tpu.memref_slice %arg10[%add3A_15, %dma_start3A_31] : memref<10496x128xf32, #tpu.memory_space<vmem_shared>> -> memref<128x128xf32, #tpu.memory_space<vmem_shared>>
      tpu.enqueue_dma source(%arg8 : memref<128x128xf32, #tpu.memory_space<vmem>>) target(%dma_start3A_32 : memref<128x128xf32, #tpu.memory_space<vmem_shared>>) target_semaphore(%run_scoped3A : memref<!tpu.dma_semaphore, #tpu.memory_space<semaphore_mem>>)
      %dma_wait3A = arith.constant 0 : i32
      %dma_wait3A_33 = tpu.memref_slice %arg10[%add3A_15, %dma_wait3A] : memref<10496x128xf32, #tpu.memory_space<vmem_shared>> -> memref<128x128xf32, #tpu.memory_space<vmem_shared>>
      %dma_wait3A_34 = arith.constant 0 : i32
      %dma_wait3A_35 = tpu.memref_slice %arg10[%add3A_15, %dma_wait3A_34] : memref<10496x128xf32, #tpu.memory_space<vmem_shared>> -> memref<128x128xf32, #tpu.memory_space<vmem_shared>>
      tpu.wait_dma2 semaphore(%run_scoped3A : memref<!tpu.dma_semaphore, #tpu.memory_space<semaphore_mem>>) src(%arg8 : memref<128x128xf32, #tpu.memory_space<vmem>>) dst(%dma_wait3A_35 : memref<128x128xf32, #tpu.memory_space<vmem_shared>>)
      tpu.yield
    }) : () -> ()
    %add3A_16 = arith.constant 256 : i32
    %add3A_17 = arith.addi %mul3A_11, %add3A_16 : i32
    "tpu.region"() ({
      %run_scoped3A = tpu.sem_alloc : memref<!tpu.dma_semaphore, #tpu.memory_space<semaphore_mem>>
      %dma_start3A = arith.constant 0 : i32
      %dma_start3A_30 = tpu.memref_slice %arg10[%add3A_17, %dma_start3A] : memref<10496x128xf32, #tpu.memory_space<vmem_shared>> -> memref<128x128xf32, #tpu.memory_space<vmem_shared>>
      %dma_start3A_31 = arith.constant 0 : i32
      %dma_start3A_32 = tpu.memref_slice %arg10[%add3A_17, %dma_start3A_31] : memref<10496x128xf32, #tpu.memory_space<vmem_shared>> -> memref<128x128xf32, #tpu.memory_space<vmem_shared>>
      tpu.enqueue_dma source(%arg8 : memref<128x128xf32, #tpu.memory_space<vmem>>) target(%dma_start3A_32 : memref<128x128xf32, #tpu.memory_space<vmem_shared>>) target_semaphore(%run_scoped3A : memref<!tpu.dma_semaphore, #tpu.memory_space<semaphore_mem>>)
      %dma_wait3A = arith.constant 0 : i32
      %dma_wait3A_33 = tpu.memref_slice %arg10[%add3A_17, %dma_wait3A] : memref<10496x128xf32, #tpu.memory_space<vmem_shared>> -> memref<128x128xf32, #tpu.memory_space<vmem_shared>>
      %dma_wait3A_34 = arith.constant 0 : i32
      %dma_wait3A_35 = tpu.memref_slice %arg10[%add3A_17, %dma_wait3A_34] : memref<10496x128xf32, #tpu.memory_space<vmem_shared>> -> memref<128x128xf32, #tpu.memory_space<vmem_shared>>
      tpu.wait_dma2 semaphore(%run_scoped3A : memref<!tpu.dma_semaphore, #tpu.memory_space<semaphore_mem>>) src(%arg8 : memref<128x128xf32, #tpu.memory_space<vmem>>) dst(%dma_wait3A_35 : memref<128x128xf32, #tpu.memory_space<vmem_shared>>)
      tpu.yield
    }) : () -> ()
    %add3A_18 = arith.constant 384 : i32
    %add3A_19 = arith.addi %mul3A_11, %add3A_18 : i32
    "tpu.region"() ({
      %run_scoped3A = tpu.sem_alloc : memref<!tpu.dma_semaphore, #tpu.memory_space<semaphore_mem>>
      %dma_start3A = arith.constant 0 : i32
      %dma_start3A_30 = tpu.memref_slice %arg10[%add3A_19, %dma_start3A] : memref<10496x128xf32, #tpu.memory_space<vmem_shared>> -> memref<128x128xf32, #tpu.memory_space<vmem_shared>>
      %dma_start3A_31 = arith.constant 0 : i32
      %dma_start3A_32 = tpu.memref_slice %arg10[%add3A_19, %dma_start3A_31] : memref<10496x128xf32, #tpu.memory_space<vmem_shared>> -> memref<128x128xf32, #tpu.memory_space<vmem_shared>>
      tpu.enqueue_dma source(%arg8 : memref<128x128xf32, #tpu.memory_space<vmem>>) target(%dma_start3A_32 : memref<128x128xf32, #tpu.memory_space<vmem_shared>>) target_semaphore(%run_scoped3A : memref<!tpu.dma_semaphore, #tpu.memory_space<semaphore_mem>>)
      %dma_wait3A = arith.constant 0 : i32
      %dma_wait3A_33 = tpu.memref_slice %arg10[%add3A_19, %dma_wait3A] : memref<10496x128xf32, #tpu.memory_space<vmem_shared>> -> memref<128x128xf32, #tpu.memory_space<vmem_shared>>
      %dma_wait3A_34 = arith.constant 0 : i32
      %dma_wait3A_35 = tpu.memref_slice %arg10[%add3A_19, %dma_wait3A_34] : memref<10496x128xf32, #tpu.memory_space<vmem_shared>> -> memref<128x128xf32, #tpu.memory_space<vmem_shared>>
      tpu.wait_dma2 semaphore(%run_scoped3A : memref<!tpu.dma_semaphore, #tpu.memory_space<semaphore_mem>>) src(%arg8 : memref<128x128xf32, #tpu.memory_space<vmem>>) dst(%dma_wait3A_35 : memref<128x128xf32, #tpu.memory_space<vmem_shared>>)
      tpu.yield
    }) : () -> ()
    %add3A_20 = arith.constant 512 : i32
    %add3A_21 = arith.addi %mul3A_11, %add3A_20 : i32
    "tpu.region"() ({
      %run_scoped3A = tpu.sem_alloc : memref<!tpu.dma_semaphore, #tpu.memory_space<semaphore_mem>>
      %dma_start3A = arith.constant 0 : i32
      %dma_start3A_30 = tpu.memref_slice %arg10[%add3A_21, %dma_start3A] : memref<10496x128xf32, #tpu.memory_space<vmem_shared>> -> memref<128x128xf32, #tpu.memory_space<vmem_shared>>
      %dma_start3A_31 = arith.constant 0 : i32
      %dma_start3A_32 = tpu.memref_slice %arg10[%add3A_21, %dma_start3A_31] : memref<10496x128xf32, #tpu.memory_space<vmem_shared>> -> memref<128x128xf32, #tpu.memory_space<vmem_shared>>
      tpu.enqueue_dma source(%arg8 : memref<128x128xf32, #tpu.memory_space<vmem>>) target(%dma_start3A_32 : memref<128x128xf32, #tpu.memory_space<vmem_shared>>) target_semaphore(%run_scoped3A : memref<!tpu.dma_semaphore, #tpu.memory_space<semaphore_mem>>)
      %dma_wait3A = arith.constant 0 : i32
      %dma_wait3A_33 = tpu.memref_slice %arg10[%add3A_21, %dma_wait3A] : memref<10496x128xf32, #tpu.memory_space<vmem_shared>> -> memref<128x128xf32, #tpu.memory_space<vmem_shared>>
      %dma_wait3A_34 = arith.constant 0 : i32
      %dma_wait3A_35 = tpu.memref_slice %arg10[%add3A_21, %dma_wait3A_34] : memref<10496x128xf32, #tpu.memory_space<vmem_shared>> -> memref<128x128xf32, #tpu.memory_space<vmem_shared>>
      tpu.wait_dma2 semaphore(%run_scoped3A : memref<!tpu.dma_semaphore, #tpu.memory_space<semaphore_mem>>) src(%arg8 : memref<128x128xf32, #tpu.memory_space<vmem>>) dst(%dma_wait3A_35 : memref<128x128xf32, #tpu.memory_space<vmem_shared>>)
      tpu.yield
    }) : () -> ()
    %add3A_22 = arith.constant 640 : i32
    %add3A_23 = arith.addi %mul3A_11, %add3A_22 : i32
    "tpu.region"() ({
      %run_scoped3A = tpu.sem_alloc : memref<!tpu.dma_semaphore, #tpu.memory_space<semaphore_mem>>
      %dma_start3A = arith.constant 0 : i32
      %dma_start3A_30 = arith.constant 0 : i32
      %dma_start3A_31 = tpu.memref_slice %arg8[%dma_start3A, %dma_start3A_30] : memref<128x128xf32, #tpu.memory_space<vmem>> -> memref<16x128xf32, #tpu.memory_space<vmem>>
      %dma_start3A_32 = arith.constant 0 : i32
      %dma_start3A_33 = tpu.memref_slice %arg10[%add3A_23, %dma_start3A_32] : memref<10496x128xf32, #tpu.memory_space<vmem_shared>> -> memref<16x128xf32, #tpu.memory_space<vmem_shared>>
      %dma_start3A_34 = arith.constant 0 : i32
      %dma_start3A_35 = tpu.memref_slice %arg10[%add3A_23, %dma_start3A_34] : memref<10496x128xf32, #tpu.memory_space<vmem_shared>> -> memref<16x128xf32, #tpu.memory_space<vmem_shared>>
      %dma_start3A_36 = arith.constant 0 : i32
      %dma_start3A_37 = arith.constant 0 : i32
      %dma_start3A_38 = tpu.memref_slice %arg8[%dma_start3A_36, %dma_start3A_37] : memref<128x128xf32, #tpu.memory_space<vmem>> -> memref<16x128xf32, #tpu.memory_space<vmem>>
      tpu.enqueue_dma source(%dma_start3A_38 : memref<16x128xf32, #tpu.memory_space<vmem>>) target(%dma_start3A_35 : memref<16x128xf32, #tpu.memory_space<vmem_shared>>) target_semaphore(%run_scoped3A : memref<!tpu.dma_semaphore, #tpu.memory_space<semaphore_mem>>)
      %dma_wait3A = arith.constant 0 : i32
      %dma_wait3A_39 = arith.constant 0 : i32
      %dma_wait3A_40 = tpu.memref_slice %arg8[%dma_wait3A, %dma_wait3A_39] : memref<128x128xf32, #tpu.memory_space<vmem>> -> memref<16x128xf32, #tpu.memory_space<vmem>>
      %dma_wait3A_41 = arith.constant 0 : i32
      %dma_wait3A_42 = tpu.memref_slice %arg10[%add3A_23, %dma_wait3A_41] : memref<10496x128xf32, #tpu.memory_space<vmem_shared>> -> memref<16x128xf32, #tpu.memory_space<vmem_shared>>
      %dma_wait3A_43 = arith.constant 0 : i32
      %dma_wait3A_44 = tpu.memref_slice %arg10[%add3A_23, %dma_wait3A_43] : memref<10496x128xf32, #tpu.memory_space<vmem_shared>> -> memref<16x128xf32, #tpu.memory_space<vmem_shared>>
      %dma_wait3A_45 = arith.constant 0 : i32
      %dma_wait3A_46 = arith.constant 0 : i32
      %dma_wait3A_47 = tpu.memref_slice %arg8[%dma_wait3A_45, %dma_wait3A_46] : memref<128x128xf32, #tpu.memory_space<vmem>> -> memref<16x128xf32, #tpu.memory_space<vmem>>
      tpu.wait_dma2 semaphore(%run_scoped3A : memref<!tpu.dma_semaphore, #tpu.memory_space<semaphore_mem>>) src(%dma_wait3A_47 : memref<16x128xf32, #tpu.memory_space<vmem>>) dst(%dma_wait3A_44 : memref<16x128xf32, #tpu.memory_space<vmem_shared>>)
      tpu.yield
    }) : () -> ()
    %barrier3A = arith.constant 0 : index
    tpu.barrier barrier_id(%barrier3A)
    %scan3A_24 = arith.constant 0 : i32
    %scan3A_25 = arith.constant 79 : i32
    %scan3A_26 = arith.addi %scan3A_24, %scan3A_25 : i32
    %scan3A_27 = arith.constant 1 : i32
    scf.for %scan3A_30 = %scan3A_24 to %scan3A_26 step %scan3A_27  : i32 {
      %mul3A_31 = arith.constant 128 : i32
      %mul3A_32 = arith.muli %scan3A_30, %mul3A_31 : i32
      %add3A_33 = arith.addi %mul3A_4, %mul3A_32 : i32
      "tpu.region"() ({
        %run_scoped3A = tpu.sem_alloc : memref<!tpu.dma_semaphore, #tpu.memory_space<semaphore_mem>>
        %dma_start3A_38 = tpu.memref_slice %arg3[%add3A_33] : memref<323584xi32, #tpu.memory_space<hbm>> -> memref<128xi32, #tpu.memory_space<hbm>>
        %dma_start3A_39 = tpu.memref_slice %arg3[%add3A_33] : memref<323584xi32, #tpu.memory_space<hbm>> -> memref<128xi32, #tpu.memory_space<hbm>>
        tpu.enqueue_dma source(%dma_start3A_39 : memref<128xi32, #tpu.memory_space<hbm>>) target(%arg6 : memref<128xi32, #tpu.memory_space<vmem>>) target_semaphore(%run_scoped3A : memref<!tpu.dma_semaphore, #tpu.memory_space<semaphore_mem>>)
        %dma_wait3A_40 = tpu.memref_slice %arg3[%add3A_33] : memref<323584xi32, #tpu.memory_space<hbm>> -> memref<128xi32, #tpu.memory_space<hbm>>
        %dma_wait3A_41 = tpu.memref_slice %arg3[%add3A_33] : memref<323584xi32, #tpu.memory_space<hbm>> -> memref<128xi32, #tpu.memory_space<hbm>>
        tpu.wait_dma2 semaphore(%run_scoped3A : memref<!tpu.dma_semaphore, #tpu.memory_space<semaphore_mem>>) src(%dma_wait3A_41 : memref<128xi32, #tpu.memory_space<hbm>>) dst(%arg6 : memref<128xi32, #tpu.memory_space<vmem>>)
        tpu.yield
      }) : () -> ()
      "tpu.region"() ({
        %run_scoped3A = tpu.sem_alloc : memref<!tpu.dma_semaphore, #tpu.memory_space<semaphore_mem>>
        %dma_start3A_38 = tpu.memref_slice %arg4[%add3A_33] : memref<323584xi32, #tpu.memory_space<hbm>> -> memref<128xi32, #tpu.memory_space<hbm>>
        %dma_start3A_39 = tpu.memref_slice %arg4[%add3A_33] : memref<323584xi32, #tpu.memory_space<hbm>> -> memref<128xi32, #tpu.memory_space<hbm>>
        tpu.enqueue_dma source(%dma_start3A_39 : memref<128xi32, #tpu.memory_space<hbm>>) target(%arg7 : memref<128xi32, #tpu.memory_space<vmem>>) target_semaphore(%run_scoped3A : memref<!tpu.dma_semaphore, #tpu.memory_space<semaphore_mem>>)
        %dma_wait3A_40 = tpu.memref_slice %arg4[%add3A_33] : memref<323584xi32, #tpu.memory_space<hbm>> -> memref<128xi32, #tpu.memory_space<hbm>>
        %dma_wait3A_41 = tpu.memref_slice %arg4[%add3A_33] : memref<323584xi32, #tpu.memory_space<hbm>> -> memref<128xi32, #tpu.memory_space<hbm>>
        tpu.wait_dma2 semaphore(%run_scoped3A : memref<!tpu.dma_semaphore, #tpu.memory_space<semaphore_mem>>) src(%dma_wait3A_41 : memref<128xi32, #tpu.memory_space<hbm>>) dst(%arg7 : memref<128xi32, #tpu.memory_space<vmem>>)
        tpu.yield
      }) : () -> ()
      %dma_start3A = arith.constant 0 : i32
      %dma_start3A_34 = arith.constant 0 : i32
      %dma_start3A_35 = tpu.memref_slice %arg2[%dma_start3A, %dma_start3A_34] : memref<10240x128xf32, #tpu.memory_space<hbm>> -> memref<10240x128xf32, #tpu.memory_space<hbm>>
      tpu.enqueue_indirect_dma source(%dma_start3A_35 : memref<10240x128xf32, #tpu.memory_space<hbm>>) target(%arg8 : memref<128x128xf32, #tpu.memory_space<vmem>>) offsets(%arg6 : memref<128xi32, #tpu.memory_space<vmem>>) semaphore(%arg11 : memref<!tpu.dma_semaphore, #tpu.memory_space<semaphore_mem>>)
      %dma_wait3A = arith.constant 0 : i32
      %dma_wait3A_36 = arith.constant 0 : i32
      %dma_wait3A_37 = tpu.memref_slice %arg2[%dma_wait3A, %dma_wait3A_36] : memref<10240x128xf32, #tpu.memory_space<hbm>> -> memref<10240x128xf32, #tpu.memory_space<hbm>>
      tpu.wait_indirect_dma semaphore(%arg11 : memref<!tpu.dma_semaphore, #tpu.memory_space<semaphore_mem>>) src(%dma_wait3A_37 : memref<10240x128xf32, #tpu.memory_space<hbm>>) dst(%arg8 : memref<128x128xf32, #tpu.memory_space<vmem>>)
      "tpu.region"() ({
        %run_scoped3A = tpu.sem_alloc : memref<!tpu.dma_semaphore, #tpu.memory_space<semaphore_mem>>
        %dma_start3A_38 = arith.constant 0 : i32
        %dma_start3A_39 = arith.constant 0 : i32
        %dma_start3A_40 = tpu.memref_slice %arg10[%dma_start3A_38, %dma_start3A_39] : memref<10496x128xf32, #tpu.memory_space<vmem_shared>> -> memref<10496x128xf32, #tpu.memory_space<vmem_shared>>
        tpu.enqueue_indirect_dma source(%arg8 : memref<128x128xf32, #tpu.memory_space<vmem>>) target(%dma_start3A_40 : memref<10496x128xf32, #tpu.memory_space<vmem_shared>>) offsets(%arg7 : memref<128xi32, #tpu.memory_space<vmem>>) semaphore(%run_scoped3A : memref<!tpu.dma_semaphore, #tpu.memory_space<semaphore_mem>>) {add = true}
        %dma_wait3A_41 = arith.constant 0 : i32
        %dma_wait3A_42 = arith.constant 0 : i32
        %dma_wait3A_43 = tpu.memref_slice %arg10[%dma_wait3A_41, %dma_wait3A_42] : memref<10496x128xf32, #tpu.memory_space<vmem_shared>> -> memref<10496x128xf32, #tpu.memory_space<vmem_shared>>
        tpu.wait_indirect_dma semaphore(%run_scoped3A : memref<!tpu.dma_semaphore, #tpu.memory_space<semaphore_mem>>) src(%arg8 : memref<128x128xf32, #tpu.memory_space<vmem>>) dst(%dma_wait3A_43 : memref<10496x128xf32, #tpu.memory_space<vmem_shared>>)
        tpu.yield
      }) : () -> ()
    }
    %scan3A_28 = arith.constant 79 : i32
    %barrier3A_29 = arith.constant 0 : index
    tpu.barrier barrier_id(%barrier3A_29)
    "tpu.region"() ({
      %run_scoped3A = tpu.sem_alloc : memref<!tpu.dma_semaphore, #tpu.memory_space<semaphore_mem>>
      %dma_start3A = arith.constant 0 : i32
      %dma_start3A_30 = tpu.memref_slice %arg5[%arg0, %mul3A_2, %dma_start3A] : memref<2x10240x128xf32, #tpu.memory_space<hbm>> -> memref<1x640x128xf32, #tpu.memory_space<hbm>>
      %dma_start3A_31 = tpu.memref_squeeze %dma_start3A_30 : memref<1x640x128xf32, #tpu.memory_space<hbm>> -> memref<640x128xf32, #tpu.memory_space<hbm>>
      %dma_start3A_32 = arith.constant 0 : i32
      %dma_start3A_33 = tpu.memref_slice %arg10[%mul3A_2, %dma_start3A_32] : memref<10496x128xf32, #tpu.memory_space<vmem_shared>> -> memref<640x128xf32, #tpu.memory_space<vmem_shared>>
      tpu.enqueue_dma source(%dma_start3A_33 : memref<640x128xf32, #tpu.memory_space<vmem_shared>>) target(%dma_start3A_31 : memref<640x128xf32, #tpu.memory_space<hbm>>) target_semaphore(%run_scoped3A : memref<!tpu.dma_semaphore, #tpu.memory_space<semaphore_mem>>)
      %dma_wait3A = arith.constant 0 : i32
      %dma_wait3A_34 = tpu.memref_slice %arg5[%arg0, %mul3A_2, %dma_wait3A] : memref<2x10240x128xf32, #tpu.memory_space<hbm>> -> memref<1x640x128xf32, #tpu.memory_space<hbm>>
      %dma_wait3A_35 = tpu.memref_squeeze %dma_wait3A_34 : memref<1x640x128xf32, #tpu.memory_space<hbm>> -> memref<640x128xf32, #tpu.memory_space<hbm>>
      %dma_wait3A_36 = arith.constant 0 : i32
      %dma_wait3A_37 = tpu.memref_slice %arg10[%mul3A_2, %dma_wait3A_36] : memref<10496x128xf32, #tpu.memory_space<vmem_shared>> -> memref<640x128xf32, #tpu.memory_space<vmem_shared>>
      tpu.wait_dma2 semaphore(%run_scoped3A : memref<!tpu.dma_semaphore, #tpu.memory_space<semaphore_mem>>) src(%dma_wait3A_37 : memref<640x128xf32, #tpu.memory_space<vmem_shared>>) dst(%dma_wait3A_35 : memref<640x128xf32, #tpu.memory_space<hbm>>)
      tpu.yield
    }) : () -> ()
    return
  }
}

#map = affine_map<(d0, d1) -> (0, 0)>
#map1 = affine_map<(d0, d1) -> (0)>
module attributes {stable_mosaic.version = 14 : i64} {
  func.func @body(%arg0: i32, %arg1: i32, %arg2: memref<10240x128xf32, #tpu.memory_space<hbm>>, %arg3: memref<10240x128xf32, #tpu.memory_space<hbm>>, %arg4: memref<323584xi32, #tpu.memory_space<hbm>>, %arg5: memref<323584xi32, #tpu.memory_space<hbm>>, %arg6: memref<323584x128xf32, #tpu.memory_space<hbm>>, %arg7: memref<323584x128xf32, #tpu.memory_space<hbm>>, %arg8: memref<128xi32, #tpu.memory_space<vmem>>, %arg9: memref<128xi32, #tpu.memory_space<vmem>>, %arg10: memref<128x128xf32, #tpu.memory_space<vmem>>, %arg11: memref<128x128xf32, #tpu.memory_space<vmem>>, %arg12: memref<!tpu.dma_semaphore, #tpu.memory_space<semaphore_mem>>, %arg13: memref<!tpu.dma_semaphore, #tpu.memory_space<semaphore_mem>>) attributes {dimension_semantics = [#tpu.dimension_semantics<core_parallel>, #tpu.dimension_semantics<subcore_parallel>], iteration_bounds = array<i64: 2, 16>, scalar_prefetch = 0 : i64, scratch_operands = 6 : i64, tpu.core_type = #tpu.core_type<sc_vector_subcore>, window_params = [{transform_indices = #map}, {transform_indices = #map}, {transform_indices = #map1}, {transform_indices = #map1}, {transform_indices = #map}, {transform_indices = #map}]} {
    %mul3A = arith.constant 16 : i32
    %mul3A_0 = arith.muli %arg0, %mul3A : i32
    %add3A = arith.addi %mul3A_0, %arg1 : i32
    %mul3A_1 = arith.constant 10112 : i32
    %mul3A_2 = arith.muli %add3A, %mul3A_1 : i32
    %scan3A = arith.constant 0 : i32
    %scan3A_3 = arith.constant 79 : i32
    %scan3A_4 = arith.addi %scan3A, %scan3A_3 : i32
    %scan3A_5 = arith.constant 1 : i32
    scf.for %scan3A_7 = %scan3A to %scan3A_4 step %scan3A_5  : i32 {
      %mul3A_8 = arith.constant 128 : i32
      %mul3A_9 = arith.muli %scan3A_7, %mul3A_8 : i32
      %add3A_10 = arith.addi %mul3A_2, %mul3A_9 : i32
      "tpu.region"() ({
        %run_scoped3A = tpu.sem_alloc : memref<!tpu.dma_semaphore, #tpu.memory_space<semaphore_mem>>
        %dma_start3A_21 = tpu.memref_slice %arg4[%add3A_10] : memref<323584xi32, #tpu.memory_space<hbm>> -> memref<128xi32, #tpu.memory_space<hbm>>
        %dma_start3A_22 = tpu.memref_slice %arg4[%add3A_10] : memref<323584xi32, #tpu.memory_space<hbm>> -> memref<128xi32, #tpu.memory_space<hbm>>
        tpu.enqueue_dma source(%dma_start3A_22 : memref<128xi32, #tpu.memory_space<hbm>>) target(%arg8 : memref<128xi32, #tpu.memory_space<vmem>>) target_semaphore(%run_scoped3A : memref<!tpu.dma_semaphore, #tpu.memory_space<semaphore_mem>>)
        %dma_wait3A_23 = tpu.memref_slice %arg4[%add3A_10] : memref<323584xi32, #tpu.memory_space<hbm>> -> memref<128xi32, #tpu.memory_space<hbm>>
        %dma_wait3A_24 = tpu.memref_slice %arg4[%add3A_10] : memref<323584xi32, #tpu.memory_space<hbm>> -> memref<128xi32, #tpu.memory_space<hbm>>
        tpu.wait_dma2 semaphore(%run_scoped3A : memref<!tpu.dma_semaphore, #tpu.memory_space<semaphore_mem>>) src(%dma_wait3A_24 : memref<128xi32, #tpu.memory_space<hbm>>) dst(%arg8 : memref<128xi32, #tpu.memory_space<vmem>>)
        tpu.yield
      }) : () -> ()
      "tpu.region"() ({
        %run_scoped3A = tpu.sem_alloc : memref<!tpu.dma_semaphore, #tpu.memory_space<semaphore_mem>>
        %dma_start3A_21 = tpu.memref_slice %arg5[%add3A_10] : memref<323584xi32, #tpu.memory_space<hbm>> -> memref<128xi32, #tpu.memory_space<hbm>>
        %dma_start3A_22 = tpu.memref_slice %arg5[%add3A_10] : memref<323584xi32, #tpu.memory_space<hbm>> -> memref<128xi32, #tpu.memory_space<hbm>>
        tpu.enqueue_dma source(%dma_start3A_22 : memref<128xi32, #tpu.memory_space<hbm>>) target(%arg9 : memref<128xi32, #tpu.memory_space<vmem>>) target_semaphore(%run_scoped3A : memref<!tpu.dma_semaphore, #tpu.memory_space<semaphore_mem>>)
        %dma_wait3A_23 = tpu.memref_slice %arg5[%add3A_10] : memref<323584xi32, #tpu.memory_space<hbm>> -> memref<128xi32, #tpu.memory_space<hbm>>
        %dma_wait3A_24 = tpu.memref_slice %arg5[%add3A_10] : memref<323584xi32, #tpu.memory_space<hbm>> -> memref<128xi32, #tpu.memory_space<hbm>>
        tpu.wait_dma2 semaphore(%run_scoped3A : memref<!tpu.dma_semaphore, #tpu.memory_space<semaphore_mem>>) src(%dma_wait3A_24 : memref<128xi32, #tpu.memory_space<hbm>>) dst(%arg9 : memref<128xi32, #tpu.memory_space<vmem>>)
        tpu.yield
      }) : () -> ()
      %dma_start3A = arith.constant 0 : i32
      %dma_start3A_11 = arith.constant 0 : i32
      %dma_start3A_12 = tpu.memref_slice %arg2[%dma_start3A, %dma_start3A_11] : memref<10240x128xf32, #tpu.memory_space<hbm>> -> memref<10240x128xf32, #tpu.memory_space<hbm>>
      tpu.enqueue_indirect_dma source(%dma_start3A_12 : memref<10240x128xf32, #tpu.memory_space<hbm>>) target(%arg10 : memref<128x128xf32, #tpu.memory_space<vmem>>) offsets(%arg8 : memref<128xi32, #tpu.memory_space<vmem>>) semaphore(%arg12 : memref<!tpu.dma_semaphore, #tpu.memory_space<semaphore_mem>>)
      %dma_start3A_13 = arith.constant 0 : i32
      %dma_start3A_14 = arith.constant 0 : i32
      %dma_start3A_15 = tpu.memref_slice %arg3[%dma_start3A_13, %dma_start3A_14] : memref<10240x128xf32, #tpu.memory_space<hbm>> -> memref<10240x128xf32, #tpu.memory_space<hbm>>
      tpu.enqueue_indirect_dma source(%dma_start3A_15 : memref<10240x128xf32, #tpu.memory_space<hbm>>) target(%arg11 : memref<128x128xf32, #tpu.memory_space<vmem>>) offsets(%arg9 : memref<128xi32, #tpu.memory_space<vmem>>) semaphore(%arg13 : memref<!tpu.dma_semaphore, #tpu.memory_space<semaphore_mem>>)
      %dma_wait3A = arith.constant 0 : i32
      %dma_wait3A_16 = arith.constant 0 : i32
      %dma_wait3A_17 = tpu.memref_slice %arg2[%dma_wait3A, %dma_wait3A_16] : memref<10240x128xf32, #tpu.memory_space<hbm>> -> memref<10240x128xf32, #tpu.memory_space<hbm>>
      tpu.wait_indirect_dma semaphore(%arg12 : memref<!tpu.dma_semaphore, #tpu.memory_space<semaphore_mem>>) src(%dma_wait3A_17 : memref<10240x128xf32, #tpu.memory_space<hbm>>) dst(%arg10 : memref<128x128xf32, #tpu.memory_space<vmem>>)
      "tpu.region"() ({
        %run_scoped3A = tpu.sem_alloc : memref<!tpu.dma_semaphore, #tpu.memory_space<semaphore_mem>>
        %dma_start3A_21 = arith.constant 0 : i32
        %dma_start3A_22 = tpu.memref_slice %arg6[%add3A_10, %dma_start3A_21] : memref<323584x128xf32, #tpu.memory_space<hbm>> -> memref<128x128xf32, #tpu.memory_space<hbm>>
        %dma_start3A_23 = arith.constant 0 : i32
        %dma_start3A_24 = tpu.memref_slice %arg6[%add3A_10, %dma_start3A_23] : memref<323584x128xf32, #tpu.memory_space<hbm>> -> memref<128x128xf32, #tpu.memory_space<hbm>>
        tpu.enqueue_dma source(%arg10 : memref<128x128xf32, #tpu.memory_space<vmem>>) target(%dma_start3A_24 : memref<128x128xf32, #tpu.memory_space<hbm>>) target_semaphore(%run_scoped3A : memref<!tpu.dma_semaphore, #tpu.memory_space<semaphore_mem>>)
        %dma_wait3A_25 = arith.constant 0 : i32
        %dma_wait3A_26 = tpu.memref_slice %arg6[%add3A_10, %dma_wait3A_25] : memref<323584x128xf32, #tpu.memory_space<hbm>> -> memref<128x128xf32, #tpu.memory_space<hbm>>
        %dma_wait3A_27 = arith.constant 0 : i32
        %dma_wait3A_28 = tpu.memref_slice %arg6[%add3A_10, %dma_wait3A_27] : memref<323584x128xf32, #tpu.memory_space<hbm>> -> memref<128x128xf32, #tpu.memory_space<hbm>>
        tpu.wait_dma2 semaphore(%run_scoped3A : memref<!tpu.dma_semaphore, #tpu.memory_space<semaphore_mem>>) src(%arg10 : memref<128x128xf32, #tpu.memory_space<vmem>>) dst(%dma_wait3A_28 : memref<128x128xf32, #tpu.memory_space<hbm>>)
        tpu.yield
      }) : () -> ()
      %dma_wait3A_18 = arith.constant 0 : i32
      %dma_wait3A_19 = arith.constant 0 : i32
      %dma_wait3A_20 = tpu.memref_slice %arg3[%dma_wait3A_18, %dma_wait3A_19] : memref<10240x128xf32, #tpu.memory_space<hbm>> -> memref<10240x128xf32, #tpu.memory_space<hbm>>
      tpu.wait_indirect_dma semaphore(%arg13 : memref<!tpu.dma_semaphore, #tpu.memory_space<semaphore_mem>>) src(%dma_wait3A_20 : memref<10240x128xf32, #tpu.memory_space<hbm>>) dst(%arg11 : memref<128x128xf32, #tpu.memory_space<vmem>>)
      "tpu.region"() ({
        %run_scoped3A = tpu.sem_alloc : memref<!tpu.dma_semaphore, #tpu.memory_space<semaphore_mem>>
        %dma_start3A_21 = arith.constant 0 : i32
        %dma_start3A_22 = tpu.memref_slice %arg7[%add3A_10, %dma_start3A_21] : memref<323584x128xf32, #tpu.memory_space<hbm>> -> memref<128x128xf32, #tpu.memory_space<hbm>>
        %dma_start3A_23 = arith.constant 0 : i32
        %dma_start3A_24 = tpu.memref_slice %arg7[%add3A_10, %dma_start3A_23] : memref<323584x128xf32, #tpu.memory_space<hbm>> -> memref<128x128xf32, #tpu.memory_space<hbm>>
        tpu.enqueue_dma source(%arg11 : memref<128x128xf32, #tpu.memory_space<vmem>>) target(%dma_start3A_24 : memref<128x128xf32, #tpu.memory_space<hbm>>) target_semaphore(%run_scoped3A : memref<!tpu.dma_semaphore, #tpu.memory_space<semaphore_mem>>)
        %dma_wait3A_25 = arith.constant 0 : i32
        %dma_wait3A_26 = tpu.memref_slice %arg7[%add3A_10, %dma_wait3A_25] : memref<323584x128xf32, #tpu.memory_space<hbm>> -> memref<128x128xf32, #tpu.memory_space<hbm>>
        %dma_wait3A_27 = arith.constant 0 : i32
        %dma_wait3A_28 = tpu.memref_slice %arg7[%add3A_10, %dma_wait3A_27] : memref<323584x128xf32, #tpu.memory_space<hbm>> -> memref<128x128xf32, #tpu.memory_space<hbm>>
        tpu.wait_dma2 semaphore(%run_scoped3A : memref<!tpu.dma_semaphore, #tpu.memory_space<semaphore_mem>>) src(%arg11 : memref<128x128xf32, #tpu.memory_space<vmem>>) dst(%dma_wait3A_28 : memref<128x128xf32, #tpu.memory_space<hbm>>)
        tpu.yield
      }) : () -> ()
    }
    %scan3A_6 = arith.constant 79 : i32
    return
  }
}

module attributes {stable_mosaic.version = 14 : i64} {
  func.func @body(%arg0: i32, %arg1: memref<1024x128xf32, #tpu.memory_space<vmem>>, %arg2: memref<1024x128xf32, #tpu.memory_space<vmem>>, %arg3: memref<1024x128xf32, #tpu.memory_space<vmem>>, %arg4: memref<1024x16xf32, #tpu.memory_space<vmem>>, %arg5: memref<1024x16xf32, #tpu.memory_space<vmem>>, %arg6: memref<128x128xf32, #tpu.memory_space<vmem>>, %arg7: memref<128x128xf32, #tpu.memory_space<vmem>>, %arg8: memref<1x1xf32, #tpu.memory_space<vmem>>, %arg9: memref<1024x128xf32, #tpu.memory_space<vmem>>) attributes {dimension_semantics = [#tpu.dimension_semantics<arbitrary>], iteration_bounds = array<i64: 10>, scalar_prefetch = 0 : i64, scratch_operands = 0 : i64, tpu.core_type = #tpu.core_type<tc>, window_params = [{transform_indices = @transform_0, window_bounds = array<i64: 1024, 128>}, {transform_indices = @transform_1, window_bounds = array<i64: 1024, 128>}, {transform_indices = @transform_2, window_bounds = array<i64: 1024, 128>}, {transform_indices = @transform_3, window_bounds = array<i64: 1024, 16>}, {transform_indices = @transform_4, window_bounds = array<i64: 1024, 16>}, {pipeline_mode = #tpu.pipeline_mode<synchronous>, transform_indices = @transform_5, window_bounds = array<i64: 128, 128>}, {pipeline_mode = #tpu.pipeline_mode<synchronous>, transform_indices = @transform_6, window_bounds = array<i64: 128, 128>}, {pipeline_mode = #tpu.pipeline_mode<synchronous>, transform_indices = @transform_7, window_bounds = array<i64: 1, 1>}, {transform_indices = @transform_8, window_bounds = array<i64: 1024, 128>}]} {
    %get3A = arith.constant 0 : index
    %get3A_0 = arith.constant 0 : index
    %get3A_1 = vector.load %arg4[%get3A, %get3A_0] : memref<1024x16xf32, #tpu.memory_space<vmem>>, vector<1024x16xf32>
    %slice3A = vector.extract_strided_slice %get3A_1 {offsets = [0, 0], sizes = [1024, 1], strides = [1, 1]} : vector<1024x16xf32> to vector<1024x1xf32>
    %get3A_2 = arith.constant 0 : index
    %get3A_3 = arith.constant 0 : index
    %get3A_4 = vector.load %arg5[%get3A_2, %get3A_3] : memref<1024x16xf32, #tpu.memory_space<vmem>>, vector<1024x16xf32>
    %slice3A_5 = vector.extract_strided_slice %get3A_4 {offsets = [0, 0], sizes = [1024, 1], strides = [1, 1]} : vector<1024x16xf32> to vector<1024x1xf32>
    %add3A = arith.addf %slice3A, %slice3A_5 : vector<1024x1xf32>
    %max3A = arith.constant 1.000000e+00 : f32
    %max3A_6 = vector.broadcast %max3A : f32 to vector<1024x1xf32>
    %max3A_7 = arith.maximumf %add3A, %max3A_6 : vector<1024x1xf32>
    %get3A_8 = arith.constant 0 : index
    %get3A_9 = arith.constant 0 : index
    %get3A_10 = vector.load %arg2[%get3A_8, %get3A_9] : memref<1024x128xf32, #tpu.memory_space<vmem>>, vector<1024x128xf32>
    %get3A_11 = arith.constant 0 : index
    %get3A_12 = arith.constant 0 : index
    %get3A_13 = vector.load %arg3[%get3A_11, %get3A_12] : memref<1024x128xf32, #tpu.memory_space<vmem>>, vector<1024x128xf32>
    %add3A_14 = arith.addf %get3A_10, %get3A_13 : vector<1024x128xf32>
    %get3A_15 = arith.constant 0 : index
    %get3A_16 = arith.constant 0 : index
    %get3A_17 = vector.load %arg6[%get3A_15, %get3A_16] : memref<128x128xf32, #tpu.memory_space<vmem>>, vector<128x128xf32>
    %dot_general3A = arith.constant dense<0.000000e+00> : vector<1024x128xf32>
    %dot_general3A_18 = tpu.matmul %add3A_14, %get3A_17, %dot_general3A {dimension_numbers = #tpu.dot_dimension_numbers<[1], [0], [0], [1], [0, 0, 1, 1], [], []>, transpose_lhs_hint = false} : vector<1024x128xf32>, vector<128x128xf32>, vector<1024x128xf32> -> vector<1024x128xf32>
    %div3A = vector.broadcast %max3A_7 : vector<1024x1xf32> to vector<1024x128xf32>
    %div3A_19 = arith.divf %dot_general3A_18, %div3A : vector<1024x128xf32>
    %get3A_20 = arith.constant 0 : index
    %get3A_21 = arith.constant 0 : index
    %get3A_22 = vector.load %arg1[%get3A_20, %get3A_21] : memref<1024x128xf32, #tpu.memory_space<vmem>>, vector<1024x128xf32>
    %get3A_23 = arith.constant 0 : index
    %get3A_24 = arith.constant 0 : index
    %get3A_25 = vector.load %arg7[%get3A_23, %get3A_24] : memref<128x128xf32, #tpu.memory_space<vmem>>, vector<128x128xf32>
    %dot_general3A_26 = arith.constant dense<0.000000e+00> : vector<1024x128xf32>
    %dot_general3A_27 = tpu.matmul %get3A_22, %get3A_25, %dot_general3A_26 {dimension_numbers = #tpu.dot_dimension_numbers<[1], [0], [0], [1], [0, 0, 1, 1], [], []>, transpose_lhs_hint = false} : vector<1024x128xf32>, vector<128x128xf32>, vector<1024x128xf32> -> vector<1024x128xf32>
    %add3A_28 = arith.addf %div3A_19, %dot_general3A_27 : vector<1024x128xf32>
    %reduce_sum3A = arith.constant dense<0.000000e+00> : vector<1024xf32>
    %reduce_sum3A_29 = vector.multi_reduction <add>, %add3A_28, %reduce_sum3A [1] : vector<1024x128xf32> to vector<1024xf32>
    %broadcast_in_dim3A = vector.shape_cast %reduce_sum3A_29 : vector<1024xf32> to vector<1024x1xf32>
    %div3A_30 = arith.constant 1.280000e+02 : f32
    %div3A_31 = vector.broadcast %div3A_30 : f32 to vector<1024x1xf32>
    %div3A_32 = arith.divf %broadcast_in_dim3A, %div3A_31 : vector<1024x1xf32>
    %sub3A = vector.broadcast %div3A_32 : vector<1024x1xf32> to vector<1024x128xf32>
    %sub3A_33 = arith.subf %add3A_28, %sub3A : vector<1024x128xf32>
    %mul3A = arith.mulf %sub3A_33, %sub3A_33 : vector<1024x128xf32>
    %reduce_sum3A_34 = arith.constant dense<0.000000e+00> : vector<1024xf32>
    %reduce_sum3A_35 = vector.multi_reduction <add>, %mul3A, %reduce_sum3A_34 [1] : vector<1024x128xf32> to vector<1024xf32>
    %broadcast_in_dim3A_36 = vector.shape_cast %reduce_sum3A_35 : vector<1024xf32> to vector<1024x1xf32>
    %div3A_37 = arith.constant 1.280000e+02 : f32
    %div3A_38 = vector.broadcast %div3A_37 : f32 to vector<1024x1xf32>
    %div3A_39 = arith.divf %broadcast_in_dim3A_36, %div3A_38 : vector<1024x1xf32>
    %add3A_40 = arith.constant 9.99999974E-6 : f32
    %add3A_41 = vector.broadcast %add3A_40 : f32 to vector<1024x1xf32>
    %add3A_42 = arith.addf %div3A_39, %add3A_41 : vector<1024x1xf32>
    %rsqrt3A = math.rsqrt %add3A_42 : vector<1024x1xf32>
    %mul3A_43 = vector.broadcast %rsqrt3A : vector<1024x1xf32> to vector<1024x128xf32>
    %mul3A_44 = arith.mulf %sub3A_33, %mul3A_43 : vector<1024x128xf32>
    %get3A_45 = arith.constant 0 : index
    %get3A_46 = arith.constant 0 : index
    %get3A_47 = vector.load %arg8[%get3A_45, %get3A_46] : memref<1x1xf32, #tpu.memory_space<vmem>>, vector<1x1xf32>
    %get3A_48 = vector.extract %get3A_47[0, 0] : f32 from vector<1x1xf32>
    %gt3A = arith.constant 0.000000e+00 : f32
    %gt3A_49 = arith.cmpf ogt, %get3A_48, %gt3A : f32
    %max3A_50 = arith.constant 0.000000e+00 : f32
    %max3A_51 = vector.broadcast %max3A_50 : f32 to vector<1024x128xf32>
    %max3A_52 = arith.maximumf %mul3A_44, %max3A_51 : vector<1024x128xf32>
    %select_n3A = arith.select %gt3A_49, %max3A_52, %mul3A_44 : vector<1024x128xf32>
    %get3A_53 = arith.constant 0 : index
    %get3A_54 = arith.constant 0 : index
    %get3A_55 = vector.load %arg1[%get3A_53, %get3A_54] : memref<1024x128xf32, #tpu.memory_space<vmem>>, vector<1024x128xf32>
    %add3A_56 = arith.addf %select_n3A, %get3A_55 : vector<1024x128xf32>
    %swap3A = arith.constant 0 : index
    %swap3A_57 = arith.constant 0 : index
    %swap3A_58 = vector.load %arg9[%swap3A, %swap3A_57] : memref<1024x128xf32, #tpu.memory_space<vmem>>, vector<1024x128xf32>
    tpu.vector_store %arg9[%swap3A, %swap3A_57], %add3A_56 {strides = array<i32>} : memref<1024x128xf32, #tpu.memory_space<vmem>>, vector<1024x128xf32>,
    return
  }
  func.func @transform_0(%arg0: i32) -> (i32, i32) {
    %c0_i32 = arith.constant 0 : i32
    %c0_i32_0 = arith.constant 0 : i32
    return %arg0, %c0_i32 : i32, i32
  }
  func.func @transform_1(%arg0: i32) -> (i32, i32) {
    %c0_i32 = arith.constant 0 : i32
    %c0_i32_0 = arith.constant 0 : i32
    return %arg0, %c0_i32 : i32, i32
  }
  func.func @transform_2(%arg0: i32) -> (i32, i32) {
    %c0_i32 = arith.constant 0 : i32
    %c0_i32_0 = arith.constant 0 : i32
    return %arg0, %c0_i32 : i32, i32
  }
  func.func @transform_3(%arg0: i32) -> (i32, i32) {
    %c0_i32 = arith.constant 0 : i32
    %c0_i32_0 = arith.constant 0 : i32
    return %arg0, %c0_i32 : i32, i32
  }
  func.func @transform_4(%arg0: i32) -> (i32, i32) {
    %c0_i32 = arith.constant 0 : i32
    %c0_i32_0 = arith.constant 0 : i32
    return %arg0, %c0_i32 : i32, i32
  }
  func.func @transform_5(%arg0: i32) -> (i32, i32) {
    %c0_i32 = arith.constant 0 : i32
    %c0_i32_0 = arith.constant 0 : i32
    %c0_i32_1 = arith.constant 0 : i32
    return %c0_i32, %c0_i32_0 : i32, i32
  }
  func.func @transform_6(%arg0: i32) -> (i32, i32) {
    %c0_i32 = arith.constant 0 : i32
    %c0_i32_0 = arith.constant 0 : i32
    %c0_i32_1 = arith.constant 0 : i32
    return %c0_i32, %c0_i32_0 : i32, i32
  }
  func.func @transform_7(%arg0: i32) -> (i32, i32) {
    %c0_i32 = arith.constant 0 : i32
    %c0_i32_0 = arith.constant 0 : i32
    %c0_i32_1 = arith.constant 0 : i32
    return %c0_i32, %c0_i32_0 : i32, i32
  }
  func.func @transform_8(%arg0: i32) -> (i32, i32) {
    %c0_i32 = arith.constant 0 : i32
    %c0_i32_0 = arith.constant 0 : i32
    return %arg0, %c0_i32 : i32, i32
  }
}

module attributes {stable_mosaic.version = 14 : i64} {
  func.func @body(%arg0: i32, %arg1: memref<1024x128xf32, #tpu.memory_space<vmem>>, %arg2: memref<128x128xf32, #tpu.memory_space<vmem>>, %arg3: memref<1x128xf32, #tpu.memory_space<vmem>>, %arg4: memref<128x128xf32, #tpu.memory_space<vmem>>, %arg5: memref<1x128xf32, #tpu.memory_space<vmem>>, %arg6: memref<128x128xf32, #tpu.memory_space<vmem>>, %arg7: memref<128x128xf32, #tpu.memory_space<vmem>>, %arg8: memref<1x128xf32, #tpu.memory_space<vmem>>, %arg9: memref<1024x128xf32, #tpu.memory_space<vmem>>, %arg10: memref<1024x128xf32, #tpu.memory_space<vmem>>, %arg11: memref<1024x128xf32, #tpu.memory_space<vmem>>) attributes {dimension_semantics = [#tpu.dimension_semantics<arbitrary>], iteration_bounds = array<i64: 10>, scalar_prefetch = 0 : i64, scratch_operands = 0 : i64, tpu.core_type = #tpu.core_type<tc>, window_params = [{transform_indices = @transform_0, window_bounds = array<i64: 1024, 128>}, {pipeline_mode = #tpu.pipeline_mode<synchronous>, transform_indices = @transform_1, window_bounds = array<i64: 128, 128>}, {pipeline_mode = #tpu.pipeline_mode<synchronous>, transform_indices = @transform_2, window_bounds = array<i64: 1, 128>}, {pipeline_mode = #tpu.pipeline_mode<synchronous>, transform_indices = @transform_3, window_bounds = array<i64: 128, 128>}, {pipeline_mode = #tpu.pipeline_mode<synchronous>, transform_indices = @transform_4, window_bounds = array<i64: 1, 128>}, {pipeline_mode = #tpu.pipeline_mode<synchronous>, transform_indices = @transform_5, window_bounds = array<i64: 128, 128>}, {pipeline_mode = #tpu.pipeline_mode<synchronous>, transform_indices = @transform_6, window_bounds = array<i64: 128, 128>}, {pipeline_mode = #tpu.pipeline_mode<synchronous>, transform_indices = @transform_7, window_bounds = array<i64: 1, 128>}, {transform_indices = @transform_8, window_bounds = array<i64: 1024, 128>}, {transform_indices = @transform_9, window_bounds = array<i64: 1024, 128>}, {transform_indices = @transform_10, window_bounds = array<i64: 1024, 128>}]} {
    %get3A = arith.constant 0 : index
    %get3A_0 = arith.constant 0 : index
    %get3A_1 = vector.load %arg1[%get3A, %get3A_0] : memref<1024x128xf32, #tpu.memory_space<vmem>>, vector<1024x128xf32>
    %get3A_2 = arith.constant 0 : index
    %get3A_3 = arith.constant 0 : index
    %get3A_4 = vector.load %arg2[%get3A_2, %get3A_3] : memref<128x128xf32, #tpu.memory_space<vmem>>, vector<128x128xf32>
    %dot_general3A = arith.constant dense<0.000000e+00> : vector<1024x128xf32>
    %dot_general3A_5 = tpu.matmul %get3A_1, %get3A_4, %dot_general3A {dimension_numbers = #tpu.dot_dimension_numbers<[1], [0], [0], [1], [0, 0, 1, 1], [], []>, transpose_lhs_hint = false} : vector<1024x128xf32>, vector<128x128xf32>, vector<1024x128xf32> -> vector<1024x128xf32>
    %get3A_6 = arith.constant 0 : index
    %get3A_7 = arith.constant 0 : index
    %get3A_8 = vector.load %arg3[%get3A_6, %get3A_7] : memref<1x128xf32, #tpu.memory_space<vmem>>, vector<1x128xf32>
    %add3A = vector.broadcast %get3A_8 : vector<1x128xf32> to vector<1024x128xf32>
    %add3A_9 = arith.addf %dot_general3A_5, %add3A : vector<1024x128xf32>
    %reduce_sum3A = arith.constant dense<0.000000e+00> : vector<1024xf32>
    %reduce_sum3A_10 = vector.multi_reduction <add>, %add3A_9, %reduce_sum3A [1] : vector<1024x128xf32> to vector<1024xf32>
    %broadcast_in_dim3A = vector.shape_cast %reduce_sum3A_10 : vector<1024xf32> to vector<1024x1xf32>
    %div3A = arith.constant 1.280000e+02 : f32
    %div3A_11 = vector.broadcast %div3A : f32 to vector<1024x1xf32>
    %div3A_12 = arith.divf %broadcast_in_dim3A, %div3A_11 : vector<1024x1xf32>
    %sub3A = vector.broadcast %div3A_12 : vector<1024x1xf32> to vector<1024x128xf32>
    %sub3A_13 = arith.subf %add3A_9, %sub3A : vector<1024x128xf32>
    %mul3A = arith.mulf %sub3A_13, %sub3A_13 : vector<1024x128xf32>
    %reduce_sum3A_14 = arith.constant dense<0.000000e+00> : vector<1024xf32>
    %reduce_sum3A_15 = vector.multi_reduction <add>, %mul3A, %reduce_sum3A_14 [1] : vector<1024x128xf32> to vector<1024xf32>
    %broadcast_in_dim3A_16 = vector.shape_cast %reduce_sum3A_15 : vector<1024xf32> to vector<1024x1xf32>
    %div3A_17 = arith.constant 1.280000e+02 : f32
    %div3A_18 = vector.broadcast %div3A_17 : f32 to vector<1024x1xf32>
    %div3A_19 = arith.divf %broadcast_in_dim3A_16, %div3A_18 : vector<1024x1xf32>
    %add3A_20 = arith.constant 9.99999974E-6 : f32
    %add3A_21 = vector.broadcast %add3A_20 : f32 to vector<1024x1xf32>
    %add3A_22 = arith.addf %div3A_19, %add3A_21 : vector<1024x1xf32>
    %rsqrt3A = math.rsqrt %add3A_22 : vector<1024x1xf32>
    %mul3A_23 = vector.broadcast %rsqrt3A : vector<1024x1xf32> to vector<1024x128xf32>
    %mul3A_24 = arith.mulf %sub3A_13, %mul3A_23 : vector<1024x128xf32>
    %max3A = arith.constant 0.000000e+00 : f32
    %max3A_25 = vector.broadcast %max3A : f32 to vector<1024x128xf32>
    %max3A_26 = arith.maximumf %mul3A_24, %max3A_25 : vector<1024x128xf32>
    %get3A_27 = arith.constant 0 : index
    %get3A_28 = arith.constant 0 : index
    %get3A_29 = vector.load %arg4[%get3A_27, %get3A_28] : memref<128x128xf32, #tpu.memory_space<vmem>>, vector<128x128xf32>
    %dot_general3A_30 = arith.constant dense<0.000000e+00> : vector<1024x128xf32>
    %dot_general3A_31 = tpu.matmul %max3A_26, %get3A_29, %dot_general3A_30 {dimension_numbers = #tpu.dot_dimension_numbers<[1], [0], [0], [1], [0, 0, 1, 1], [], []>, transpose_lhs_hint = false} : vector<1024x128xf32>, vector<128x128xf32>, vector<1024x128xf32> -> vector<1024x128xf32>
    %get3A_32 = arith.constant 0 : index
    %get3A_33 = arith.constant 0 : index
    %get3A_34 = vector.load %arg5[%get3A_32, %get3A_33] : memref<1x128xf32, #tpu.memory_space<vmem>>, vector<1x128xf32>
    %add3A_35 = vector.broadcast %get3A_34 : vector<1x128xf32> to vector<1024x128xf32>
    %add3A_36 = arith.addf %dot_general3A_31, %add3A_35 : vector<1024x128xf32>
    %swap3A = arith.constant 0 : index
    %swap3A_37 = arith.constant 0 : index
    %swap3A_38 = vector.load %arg9[%swap3A, %swap3A_37] : memref<1024x128xf32, #tpu.memory_space<vmem>>, vector<1024x128xf32>
    tpu.vector_store %arg9[%swap3A, %swap3A_37], %add3A_36 {strides = array<i32>} : memref<1024x128xf32, #tpu.memory_space<vmem>>, vector<1024x128xf32>,
    %get3A_39 = arith.constant 0 : index
    %get3A_40 = arith.constant 0 : index
    %get3A_41 = vector.load %arg6[%get3A_39, %get3A_40] : memref<128x128xf32, #tpu.memory_space<vmem>>, vector<128x128xf32>
    %dot_general3A_42 = arith.constant dense<0.000000e+00> : vector<1024x128xf32>
    %dot_general3A_43 = tpu.matmul %get3A_1, %get3A_41, %dot_general3A_42 {dimension_numbers = #tpu.dot_dimension_numbers<[1], [0], [0], [1], [0, 0, 1, 1], [], []>, transpose_lhs_hint = false} : vector<1024x128xf32>, vector<128x128xf32>, vector<1024x128xf32> -> vector<1024x128xf32>
    %get3A_44 = arith.constant 0 : index
    %get3A_45 = arith.constant 0 : index
    %get3A_46 = vector.load %arg8[%get3A_44, %get3A_45] : memref<1x128xf32, #tpu.memory_space<vmem>>, vector<1x128xf32>
    %add3A_47 = vector.broadcast %get3A_46 : vector<1x128xf32> to vector<1024x128xf32>
    %add3A_48 = arith.addf %dot_general3A_43, %add3A_47 : vector<1024x128xf32>
    %swap3A_49 = arith.constant 0 : index
    %swap3A_50 = arith.constant 0 : index
    %swap3A_51 = vector.load %arg10[%swap3A_49, %swap3A_50] : memref<1024x128xf32, #tpu.memory_space<vmem>>, vector<1024x128xf32>
    tpu.vector_store %arg10[%swap3A_49, %swap3A_50], %add3A_48 {strides = array<i32>} : memref<1024x128xf32, #tpu.memory_space<vmem>>, vector<1024x128xf32>,
    %get3A_52 = arith.constant 0 : index
    %get3A_53 = arith.constant 0 : index
    %get3A_54 = vector.load %arg7[%get3A_52, %get3A_53] : memref<128x128xf32, #tpu.memory_space<vmem>>, vector<128x128xf32>
    %dot_general3A_55 = arith.constant dense<0.000000e+00> : vector<1024x128xf32>
    %dot_general3A_56 = tpu.matmul %get3A_1, %get3A_54, %dot_general3A_55 {dimension_numbers = #tpu.dot_dimension_numbers<[1], [0], [0], [1], [0, 0, 1, 1], [], []>, transpose_lhs_hint = false} : vector<1024x128xf32>, vector<128x128xf32>, vector<1024x128xf32> -> vector<1024x128xf32>
    %swap3A_57 = arith.constant 0 : index
    %swap3A_58 = arith.constant 0 : index
    %swap3A_59 = vector.load %arg11[%swap3A_57, %swap3A_58] : memref<1024x128xf32, #tpu.memory_space<vmem>>, vector<1024x128xf32>
    tpu.vector_store %arg11[%swap3A_57, %swap3A_58], %dot_general3A_56 {strides = array<i32>} : memref<1024x128xf32, #tpu.memory_space<vmem>>, vector<1024x128xf32>,
    return
  }
  func.func @transform_0(%arg0: i32) -> (i32, i32) {
    %c0_i32 = arith.constant 0 : i32
    %c0_i32_0 = arith.constant 0 : i32
    return %arg0, %c0_i32 : i32, i32
  }
  func.func @transform_1(%arg0: i32) -> (i32, i32) {
    %c0_i32 = arith.constant 0 : i32
    %c0_i32_0 = arith.constant 0 : i32
    %c0_i32_1 = arith.constant 0 : i32
    return %c0_i32, %c0_i32_0 : i32, i32
  }
  func.func @transform_2(%arg0: i32) -> (i32, i32) {
    %c0_i32 = arith.constant 0 : i32
    %c0_i32_0 = arith.constant 0 : i32
    %c0_i32_1 = arith.constant 0 : i32
    return %c0_i32, %c0_i32_0 : i32, i32
  }
  func.func @transform_3(%arg0: i32) -> (i32, i32) {
    %c0_i32 = arith.constant 0 : i32
    %c0_i32_0 = arith.constant 0 : i32
    %c0_i32_1 = arith.constant 0 : i32
    return %c0_i32, %c0_i32_0 : i32, i32
  }
  func.func @transform_4(%arg0: i32) -> (i32, i32) {
    %c0_i32 = arith.constant 0 : i32
    %c0_i32_0 = arith.constant 0 : i32
    %c0_i32_1 = arith.constant 0 : i32
    return %c0_i32, %c0_i32_0 : i32, i32
  }
  func.func @transform_5(%arg0: i32) -> (i32, i32) {
    %c0_i32 = arith.constant 0 : i32
    %c0_i32_0 = arith.constant 0 : i32
    %c0_i32_1 = arith.constant 0 : i32
    return %c0_i32, %c0_i32_0 : i32, i32
  }
  func.func @transform_6(%arg0: i32) -> (i32, i32) {
    %c0_i32 = arith.constant 0 : i32
    %c0_i32_0 = arith.constant 0 : i32
    %c0_i32_1 = arith.constant 0 : i32
    return %c0_i32, %c0_i32_0 : i32, i32
  }
  func.func @transform_7(%arg0: i32) -> (i32, i32) {
    %c0_i32 = arith.constant 0 : i32
    %c0_i32_0 = arith.constant 0 : i32
    %c0_i32_1 = arith.constant 0 : i32
    return %c0_i32, %c0_i32_0 : i32, i32
  }
  func.func @transform_8(%arg0: i32) -> (i32, i32) {
    %c0_i32 = arith.constant 0 : i32
    %c0_i32_0 = arith.constant 0 : i32
    return %arg0, %c0_i32 : i32, i32
  }
  func.func @transform_9(%arg0: i32) -> (i32, i32) {
    %c0_i32 = arith.constant 0 : i32
    %c0_i32_0 = arith.constant 0 : i32
    return %arg0, %c0_i32 : i32, i32
  }
  func.func @transform_10(%arg0: i32) -> (i32, i32) {
    %c0_i32 = arith.constant 0 : i32
    %c0_i32_0 = arith.constant 0 : i32
    return %arg0, %c0_i32 : i32, i32
  }
}

module attributes {stable_mosaic.version = 14 : i64} {
  func.func @body(%arg0: i32, %arg1: memref<2048x128xf32, #tpu.memory_space<vmem>>, %arg2: memref<2048x128xf32, #tpu.memory_space<vmem>>, %arg3: memref<128x3xf32, #tpu.memory_space<vmem>>, %arg4: memref<1x3xf32, #tpu.memory_space<vmem>>, %arg5: memref<2048x3xf32, #tpu.memory_space<vmem>>) attributes {dimension_semantics = [#tpu.dimension_semantics<arbitrary>], iteration_bounds = array<i64: 158>, scalar_prefetch = 0 : i64, scratch_operands = 0 : i64, tpu.core_type = #tpu.core_type<tc>, window_params = [{transform_indices = @transform_0, window_bounds = array<i64: 2048, 128>}, {transform_indices = @transform_1, window_bounds = array<i64: 2048, 128>}, {pipeline_mode = #tpu.pipeline_mode<synchronous>, transform_indices = @transform_2, window_bounds = array<i64: 128, 3>}, {pipeline_mode = #tpu.pipeline_mode<synchronous>, transform_indices = @transform_3, window_bounds = array<i64: 1, 3>}, {transform_indices = @transform_4, window_bounds = array<i64: 2048, 3>}]} {
    %get3A = arith.constant 0 : index
    %get3A_0 = arith.constant 0 : index
    %get3A_1 = vector.load %arg1[%get3A, %get3A_0] : memref<2048x128xf32, #tpu.memory_space<vmem>>, vector<2048x128xf32>
    %get3A_2 = arith.constant 0 : index
    %get3A_3 = arith.constant 0 : index
    %get3A_4 = vector.load %arg2[%get3A_2, %get3A_3] : memref<2048x128xf32, #tpu.memory_space<vmem>>, vector<2048x128xf32>
    %add3A = arith.addf %get3A_1, %get3A_4 : vector<2048x128xf32>
    %reduce_sum3A = arith.constant dense<0.000000e+00> : vector<2048xf32>
    %reduce_sum3A_5 = vector.multi_reduction <add>, %add3A, %reduce_sum3A [1] : vector<2048x128xf32> to vector<2048xf32>
    %broadcast_in_dim3A = vector.shape_cast %reduce_sum3A_5 : vector<2048xf32> to vector<2048x1xf32>
    %div3A = arith.constant 1.280000e+02 : f32
    %div3A_6 = vector.broadcast %div3A : f32 to vector<2048x1xf32>
    %div3A_7 = arith.divf %broadcast_in_dim3A, %div3A_6 : vector<2048x1xf32>
    %sub3A = vector.broadcast %div3A_7 : vector<2048x1xf32> to vector<2048x128xf32>
    %sub3A_8 = arith.subf %add3A, %sub3A : vector<2048x128xf32>
    %mul3A = arith.mulf %sub3A_8, %sub3A_8 : vector<2048x128xf32>
    %reduce_sum3A_9 = arith.constant dense<0.000000e+00> : vector<2048xf32>
    %reduce_sum3A_10 = vector.multi_reduction <add>, %mul3A, %reduce_sum3A_9 [1] : vector<2048x128xf32> to vector<2048xf32>
    %broadcast_in_dim3A_11 = vector.shape_cast %reduce_sum3A_10 : vector<2048xf32> to vector<2048x1xf32>
    %div3A_12 = arith.constant 1.280000e+02 : f32
    %div3A_13 = vector.broadcast %div3A_12 : f32 to vector<2048x1xf32>
    %div3A_14 = arith.divf %broadcast_in_dim3A_11, %div3A_13 : vector<2048x1xf32>
    %add3A_15 = arith.constant 9.99999974E-6 : f32
    %add3A_16 = vector.broadcast %add3A_15 : f32 to vector<2048x1xf32>
    %add3A_17 = arith.addf %div3A_14, %add3A_16 : vector<2048x1xf32>
    %rsqrt3A = math.rsqrt %add3A_17 : vector<2048x1xf32>
    %mul3A_18 = vector.broadcast %rsqrt3A : vector<2048x1xf32> to vector<2048x128xf32>
    %mul3A_19 = arith.mulf %sub3A_8, %mul3A_18 : vector<2048x128xf32>
    %max3A = arith.constant 0.000000e+00 : f32
    %max3A_20 = vector.broadcast %max3A : f32 to vector<2048x128xf32>
    %max3A_21 = arith.maximumf %mul3A_19, %max3A_20 : vector<2048x128xf32>
    %get3A_22 = arith.constant 0 : index
    %get3A_23 = arith.constant 0 : index
    %get3A_24 = vector.load %arg3[%get3A_22, %get3A_23] : memref<128x3xf32, #tpu.memory_space<vmem>>, vector<128x3xf32>
    %dot_general3A = arith.constant dense<0.000000e+00> : vector<2048x3xf32>
    %dot_general3A_25 = tpu.matmul %max3A_21, %get3A_24, %dot_general3A {dimension_numbers = #tpu.dot_dimension_numbers<[1], [0], [0], [1], [0, 0, 1, 1], [], []>, transpose_lhs_hint = false} : vector<2048x128xf32>, vector<128x3xf32>, vector<2048x3xf32> -> vector<2048x3xf32>
    %get3A_26 = arith.constant 0 : index
    %get3A_27 = arith.constant 0 : index
    %get3A_28 = vector.load %arg4[%get3A_26, %get3A_27] : memref<1x3xf32, #tpu.memory_space<vmem>>, vector<1x3xf32>
    %add3A_29 = vector.broadcast %get3A_28 : vector<1x3xf32> to vector<2048x3xf32>
    %add3A_30 = arith.addf %dot_general3A_25, %add3A_29 : vector<2048x3xf32>
    %swap3A = arith.constant 0 : index
    %swap3A_31 = arith.constant 0 : index
    %swap3A_32 = vector.load %arg5[%swap3A, %swap3A_31] : memref<2048x3xf32, #tpu.memory_space<vmem>>, vector<2048x3xf32>
    tpu.vector_store %arg5[%swap3A, %swap3A_31], %add3A_30 {strides = array<i32>} : memref<2048x3xf32, #tpu.memory_space<vmem>>, vector<2048x3xf32>,
    return
  }
  func.func @transform_0(%arg0: i32) -> (i32, i32) {
    %c0_i32 = arith.constant 0 : i32
    %c0_i32_0 = arith.constant 0 : i32
    return %arg0, %c0_i32 : i32, i32
  }
  func.func @transform_1(%arg0: i32) -> (i32, i32) {
    %c0_i32 = arith.constant 0 : i32
    %c0_i32_0 = arith.constant 0 : i32
    return %arg0, %c0_i32 : i32, i32
  }
  func.func @transform_2(%arg0: i32) -> (i32, i32) {
    %c0_i32 = arith.constant 0 : i32
    %c0_i32_0 = arith.constant 0 : i32
    %c0_i32_1 = arith.constant 0 : i32
    return %c0_i32, %c0_i32_0 : i32, i32
  }
  func.func @transform_3(%arg0: i32) -> (i32, i32) {
    %c0_i32 = arith.constant 0 : i32
    %c0_i32_0 = arith.constant 0 : i32
    %c0_i32_1 = arith.constant 0 : i32
    return %c0_i32, %c0_i32_0 : i32, i32
  }
  func.func @transform_4(%arg0: i32) -> (i32, i32) {
    %c0_i32 = arith.constant 0 : i32
    %c0_i32_0 = arith.constant 0 : i32
    return %arg0, %c0_i32 : i32, i32
  }
}

</mosaic_0001>

<sc_bundles>
// kernel: kernel.12.cloned.1.call-start
scs
__scs_entry_jumppad:
0x0: {  	(pc) =	sbr.rel $0x88, $3  }
0x1: {  	(tag) =	ssettag $0x0;
	lr =	simm.s32 $0x1  }
0x2: {  	[smem:$0x3F91] =	sst lr;
	_ =	strace $0xD0000000  }
0x3: {  	_ = 	snop  }
0x4: {  	_ = 	snop  }
0x5: {  	_ = 	snop  }
0x6: {  	_ = 	snop  }
0x7: {  	_ = 	snop  }
__scs_overlays_trampoline_lowered:
0x8: {  	[smem:$0x3FA0] =	sst s0  }
0x9: {  	[smem:$0x3FA1] =	sst s1  }
0xa: {  	[smem:$0x3FA2] =	sst s2  }
0xb: {  	[smem:$0x3FA3] =	sst s3  }
0xc: {  	[smem:$0x3FA4] =	sst s4  }
0xd: {  	[smem:$0x3FA5] =	sst s5  }
0xe: {  	[smem:$0x3FA6] =	sst s6  }
0xf: {  	[smem:$0x3FA7] =	sst s7  }
0x10: {  	[smem:$0x3FA8] =	sst s8  }
0x11: {  	[smem:$0x3FA9] =	sst s9;
	s0 =	simm.s32 @!p0 $0x0  }
0x12: {  	s1 =	sld [smem:$0x3F8F];
	s0 =	simm.s32 @p0 $0x1  }
0x13: {  	[smem:$0x3FAA] =	sst s0;
	s0 =	simm.s32 @!p1 $0x0  }
0x14: {  	s2 =	sld [smem:$0x3F8E];
	s0 =	simm.s32 @p1 $0x1  }
0x15: {  	[smem:$0x3FAB] =	sst s0;
	s0 =	simm.s32 @!p2 $0x0  }
0x16: {  	s3 =	sld [smem:$0x3FDB];
	s0 =	simm.s32 @p2 $0x1  }
0x17: {  	s4 =	simm.s32 $0x1BF5;
	[smem:$0x3FAD] =	sst s0  }
0x18: {  	s0 =	sld [smem:$0x3F90];
	_ =	swait.ge [sflag:s4], $0x0  }
0x19: {  	s7 =	sld [smem:$0x3F91]  }
0x1a: {  	s8 =	sadd.s32 $0xFFFFE003, lr  }
0x1b: {  	s9 =	sadd.s32 $0xFFFFFEF7, lr;
	s5 =	simm.s32 $0xFFFFFFFF;
	p2 =	slt.u32 s8, $0xFFFFF086  }
0x1c: {  	p1 =	slt.u32 s9, $0xF7A;
	s5 =	simm.s32 @!p2 $0x0  }
0x1d: {  	s5 =	simm.s32 @p1 $0x1;
	p0 =	seq.s32 s7, s2  }
0x1e: {  	s7 =	smul.u32 @!p0 $0xF7A, s2;
	p2 =	seq.s32 @!p0 s5, $0x0  }
0x1f: {  	s9 =	smul.u32 $0xF7A, s1;
	s8 =	simm.s32 @!p0 $0x1BF5;
	p2 =	por !p2, p0  }
0x20: {  	[sflag:s8] =	ssyncset.s32 @!p0 $0xFFFFF086;
	s6 =	sadd.s32 @!p0 s3, s7;
	s7 =	simm.s32 @!p0 $0x108  }
0x21: {  	s3 =	sadd.s32 s3, s9;
	s6 =	sadd.s32 @!p0 $0x88, s6;
	s7 =	simm.s32 @p2 $0x1082  }
0x22: {  	[simem:s7], [sflag:s8] =	dma.local @!p0 [hbm:s6], $0xF7A  }
0x23: {  	s9 =	sor.u32 $0xD0000000, s2;
	s6 =	simm.s32 $0x108;
	_ =	swait.ge @!p0 [sflag:s8], $0x0  }
0x24: {  	s3 =	sadd.s32 $0x88, s3;
	s6 =	simm.s32 @!p1 $0x1082;
	[sflag:s4] =	ssyncset.s32 $0xFFFFF086  }
0x25: {  	[simem:s6], [sflag:s4] =	dma.local [hbm:s3], $0xF7A  }
0x26: {  	[smem:$0x3F91] =	sst s1;
	(tag) =	ssettag s2;
	_ =	strace s9  }
0x27: {  	s1 =	sld [smem:$0x3FA1]  }
0x28: {  	s2 =	sld [smem:$0x3FA2]  }
0x29: {  	s4 =	sld [smem:$0x3FA4]  }
0x2a: {  	p0 =	seq.s32 s5, $0x0;
	s5 =	sld [smem:$0x3FA5]  }
0x2b: {  	s6 =	sld [smem:$0x3FA6]  }
0x2c: {  	s7 =	sld [smem:$0x3FA7]  }
0x2d: {  	s3 =	simm.s32 $0x108;
	s8 =	sld [smem:$0x3FA8]  }
0x2e: {  	s3 =	simm.s32 @!p0 $0x1082;
	s9 =	sld [smem:$0x3FA9]  }
0x2f: {  	lr =	sadd.s32 s0, s3;
	s0 =	sld [smem:$0x3FA0]  }
0x30: {  	s3 =	sld [smem:$0x3FA3]  }
0x31: {  	[smem:$0x3FAC] =	sst s10  }
0x32: {  	s10 =	sld [smem:$0x3FAA];
	_ =	sdelay $0x3  }
0x33: {  	p0 =	seq.s32 s10, $0x1;
	s10 =	sld [smem:$0x3FAC];
	_ =	sdelay $0x3  }
0x34: {  	[smem:$0x3FAC] =	sst s10  }
0x35: {  	s10 =	sld [smem:$0x3FAB];
	_ =	sdelay $0x3  }
0x36: {  	p1 =	seq.s32 s10, $0x1;
	s10 =	sld [smem:$0x3FAC];
	_ =	sdelay $0x3  }
0x37: {  	[smem:$0x3FAC] =	sst s10  }
0x38: {  	s10 =	sld [smem:$0x3FAD]  }
0x39: {  	_ = 	snop;
	(pc) =	sbr.ind lr, $3  }
0x3a: {  	_ = 	snop  }
0x3b: {  	_ = 	snop  }
0x3c: {  	p2 =	seq.s32 s10, $0x1;
	s10 =	sld [smem:$0x3FAC]  }
0x3d: {  	_ =	shalt  }
0x3e: {  	_ =	shalt  }
0x3f: {  	_ =	shalt  }
0x40: {  	_ =	shalt  }
0x41: {  	_ =	shalt  }
0x42: {  	_ =	shalt  }
0x43: {  	_ =	shalt  }
0x44: {  	_ =	shalt  }
0x45: {  	_ =	shalt  }
0x46: {  	_ =	shalt  }
0x47: {  	_ =	shalt  }
0x48: {  	_ =	shalt  }
0x49: {  	_ =	shalt  }
0x4a: {  	_ =	shalt  }
0x4b: {  	_ =	shalt  }
0x4c: {  	_ =	shalt  }
0x4d: {  	_ =	shalt  }
0x4e: {  	_ =	shalt  }
0x4f: {  	_ =	shalt  }
0x50: {  	_ =	shalt  }
0x51: {  	_ =	shalt  }
0x52: {  	_ =	shalt  }
0x53: {  	_ =	shalt  }
0x54: {  	_ =	shalt  }
0x55: {  	_ =	shalt  }
0x56: {  	_ =	shalt  }
0x57: {  	_ =	shalt  }
0x58: {  	_ =	shalt  }
0x59: {  	_ =	shalt  }
0x5a: {  	_ =	shalt  }
0x5b: {  	_ =	shalt  }
0x5c: {  	_ =	shalt  }
0x5d: {  	_ =	shalt  }
0x5e: {  	_ =	shalt  }
0x5f: {  	_ =	shalt  }
0x60: {  	_ =	shalt  }
0x61: {  	_ =	shalt  }
0x62: {  	_ =	shalt  }
0x63: {  	_ =	shalt  }
0x64: {  	_ =	shalt  }
0x65: {  	_ =	shalt  }
0x66: {  	_ =	shalt  }
0x67: {  	_ =	shalt  }
0x68: {  	_ =	shalt  }
0x69: {  	_ =	shalt  }
0x6a: {  	_ =	shalt  }
0x6b: {  	_ =	shalt  }
0x6c: {  	_ =	shalt  }
0x6d: {  	_ =	shalt  }
0x6e: {  	_ =	shalt  }
0x6f: {  	_ =	shalt  }
0x70: {  	_ =	shalt  }
0x71: {  	_ =	shalt  }
0x72: {  	_ =	shalt  }
0x73: {  	_ =	shalt  }
0x74: {  	_ =	shalt  }
0x75: {  	_ =	shalt  }
0x76: {  	_ =	shalt  }
0x77: {  	_ =	shalt  }
0x78: {  	_ =	shalt  }
0x79: {  	_ =	shalt  }
0x7a: {  	_ =	shalt  }
0x7b: {  	_ =	shalt  }
0x7c: {  	_ =	shalt  }
0x7d: {  	_ =	shalt  }
0x7e: {  	_ =	shalt  }
0x7f: {  	_ =	shalt  }
0x80: {  	_ =	shalt  }
0x81: {  	_ =	shalt  }
0x82: {  	_ =	shalt  }
0x83: {  	_ =	shalt  }
0x84: {  	_ =	shalt  }
0x85: {  	_ =	shalt  }
0x86: {  	_ =	shalt  }
0x87: {  	_ =	shalt  }
.Lfunc_end0:
.L_simem_size_0:
called_computation_lowered:
.L_overlay_start_0:
0x88: {  	s2 =	sld [smem:$0x3FD9]  }
0x89: {  	s3 =	sld [smem:$0x3FFE];
	_ =	sdelay $0x1  }
0x8a: {  	s1 =	srdreg.scid  }
0x8b: {  	s0 =	sand.u32 $0x1, s1  }
0x8c: {  	s17 =	sshll.u32 s0, $0xA;
	s2 =	sadd.s32 s3, s2  }
0x8d: {  	s2 =	sadd.s32 s2, s17  }
0x8e: {  	[smem:$0x3FB8] =	sst s2  }
0x8f: {  	_ = 	snop  }
0x90: {  	(tm) =	ssettm $0x1  }
0x91: {  	s18 =	sld [smem:$0x3FFB];
	_ =	sdelay $0x3  }
0x92: {  	_ =	strace s18  }
0x93: {  	s2 =	sld [smem:$0x3FFC];
	_ =	sdelay $0x3  }
0x94: {  	_ =	strace s2  }
0x95: {  	s2 =	sld [smem:$0x3FFD];
	_ =	sdelay $0x3  }
0x96: {  	_ =	strace s2  }
0x97: {  	_ =	strace $0x8FFFFFFF  }
0x98: {  	s19 =	sld [smem:$0x3FDB];
	_ =	sdelay $0x1  }
0x99: {  	s20 =	simm.s32 $_scs_section_size  }
0x9a: {  	s4 =	simm.s32 $_size__tile_overlayer_lowered;
	s5 =	simm.s32 $_tile_overlayer_lowered  }
0x9b: {  	s6 =	simm.s32 $0x1BFF;
	s21 =	sshll.u32 s5, $0x1;
	s3 =	sadd.s32 s20, s19  }
0x9c: {  	s22 =	simm.s32 $0x0;
	s4 =	sshll.u32 s4, $0x1;
	s5 =	sadd.s32 s21, s3  }
0x9d: {  	[timem:s22], [sflag:s6] =	dma.local [hbm:s5], s4  }
0x9e: {  	_ =	swait.ge [sflag:s6], s4  }
0x9f: {  	s4 =	ssub.s32 $0x0, s4;
	[sflag:s6] =	ssyncset.done $0x0  }
0xa0: {  	[sflag:s6] =	ssyncadd.s32 s4;
	_ =	sdelay $0x1  }
0xa1: {  	s23 =	simm.s32 $0x1B8B  }
0xa2: {  	_ =	swait.ge [sflag:s23], $0x1  }
0xa3: {  	[sflag:s23] =	ssyncset.done $0x0  }
0xa4: {  	[sflag:s23] =	ssyncadd.s32 $0xFFFFFFFF  }
0xa5: {  	s4 =	sld [smem:$0x0]  }
0xa6: {  	s5 =	sand.u32 $0xFFFFFFFE, s1  }
0xa7: {  	p0 =	sne.s32 s1, s5  }
0xa8: {  	s5 =	sshll.u32 @p0 s5, $0xE  }
0xa9: {  	s5 =	sadd.s32 @p0 $0x11B8D, s5;
	s6 =	sshll.u32 @p0 s4, $0x11  }
0xaa: {  	s5 =	sor.u32 @p0 s6, s5  }
0xab: {  	[sflag:s5] =	ssyncadd.remote.s32 @p0 $0x1;
	_ =	sdelay $0x1  }
0xac: {  	s5 =	simm.s32 @p0 $0x1B8D  }
0xad: {  	_ =	swait.eq @p0 [sflag:s5], $0x1  }
0xae: {  	[sflag:s5] =	ssyncadd.s32 @p0 $0xFFFFFFFF  }
0xaf: {  	s6 =	sshll.u32 @!p0 s1, $0xE  }
0xb0: {  	s6 =	sor.u32 @!p0 $0x4000, s6;
	s5 =	simm.s32 @!p0 $0x1B8D  }
0xb1: {  	s4 =	sshll.u32 @!p0 s4, $0x11;
	s6 =	sadd.s32 @!p0 $0x11B8D, s6;
	_ =	swait.eq @!p0 [sflag:s5], $0x1  }
0xb2: {  	s4 =	sor.u32 @!p0 s4, s6;
	[sflag:s5] =	ssyncadd.s32 @!p0 $0xFFFFFFFF  }
0xb3: {  	s25 =	simm.s32 $0x1B8E;
	s24 =	sld [smem:$0x3FFE];
	[sflag:s4] =	ssyncadd.remote.s32 @!p0 $0x1  }
0xb4: {  	s26 =	simm.s32 $execute0_lowered;
	[smem:$0x3FD2] =	sst s25  }
0xb5: {  	s5 =	sshll.u32 s26, $0x1;
	_ =	strace $0x80000049;
	[dreg:$0x1] =	wrdreg $0xFFFFFFFF  }
0xb6: {  	s28 =	simm.s32 $_size_execute0_lowered;
	s3 =	sadd.s32 s3, s5;
	[dreg:$0x0] =	wrdreg $0x0  }
0xb7: {  	s5 =	sshll.u32 s28, $0x1;
	[dreg:$0x2] =	wrdreg s3  }
0xb8: {  	[dreg:$0x3] =	wrdreg s5  }
0xb9: {  	[dreg:$0x4] =	wrdreg $0xC0  }
0xba: {  	_ =	task [dreg:s22], $0x5FFFF  }
0xbb: {  	[dreg:$0x1] =	wrdreg $0xFFFFFFFF  }
0xbc: {  	[dreg:$0x0] =	wrdreg $0x60  }
0xbd: {  	[dreg:$0x2] =	wrdreg s24  }
0xbe: {  	[dreg:$0x3] =	wrdreg $0x40800  }
0xbf: {  	[dreg:$0x4] =	wrdreg $0x9  }
0xc0: {  	_ =	task.clear_ibuf [dreg:s22], $0x5FFFF;
	_ =	strace $0x90000049  }
0xc1: {  	s29 =	simm.s32 $0x9;
	_ =	strace $0x8000004B  }
0xc2: {  	_ =	swait.ge [sflag:s29], $0x1  }
0xc3: {  	[sflag:s29] =	ssyncadd.s32 $0xFFFFFFFF  }
0xc4: {  	_ =	strace $0x9000004B  }
0xc5: {  	_ =	sfence  }
0xc6: {  	s30 =	sld [smem:$0x0];
	_ =	sdelay $0x2  }
0xc7: {  	s31 =	sshll.u32 s1, $0xD;
	s1 =	sshrl.u32 s1, $0x2  }
0xc8: {  	s4 =	sand.u32 $0x4000, s31;
	s1 =	sadd.s32 s1, s30  }
0xc9: {  	s0 =	sor.u32 s4, s0;
	s1 =	sshll.u32 s1, $0x11  }
0xca: {  	s0 =	sor.u32 s1, s0  }
0xcb: {  	s0 =	sadd.s32 $0x8F2B, s0  }
0xcc: {  	[sflag:s0] =	ssyncadd.remote.s32 $0x1  }
0xcd: {  	_ =	sfence.sel $0xFFFF  }
0xce: {  	[dreg:$0x0] =	wrdreg $0xFFFFFFFF;
	(pc) =	sbr.abs _section_cstart, $3  }
0xcf: {  	[dreg:$0x1] =	wrdreg $0xFFFFFFFF  }
0xd0: {  	_ =	task.clear_ibuf [dreg:s22], $0x2FFFF;
	_ =	strace $0x9FFFFFFF  }
0xd1: {  	(tm) =	ssettm $0x7FFFFFFF  }
tec
execute0_lowered:
.L_overlay_start_1:
0x0: {  	(tag) =	ssettag $0x1  }
0x1: {  	s1 =	stileid.u32  }
0x2: {  	s4 =	rddreg [dreg:$0x0];
	s7 =	smul.u32 $0x14000, s1  }
0x3: {  	s0 =	srdreg.scid;
	s29 =	smul.u32 $0x52000, s1  }
0x4: {  	s2 =	rddreg [dreg:$0x1];
	s3 =	simm.s32 $0x0;
	s13 =	smul.u32 $0x50000, s1  }
0x5: {  	s5 =	sand.u32 $0x1, s0;
	s0 =	rddreg [dreg:$0x2];
	s14 =	smul.u32 $0x4F0, s1  }
0x6: {  	s17 =	simm.s32 $0x0;
	[smem:$0x7FF] =	sst s3;
	s6 =	smul.u32 $0x140000, s5  }
0x7: {  	s15 =	sshll.u32 s1, $0x6;
	s8 =	smul.u32 $0x4F00, s5;
	s5 =	ssub.s32 $0x2, s5  }
0x8: {  	_ =	strace $0x8000004A;
	s15 =	sor.u32 $0x1C01, s15;
	s30 =	sshrl.u32 s5, $0x1  }
0x9: {  	s31 =	sshrl.u32 s29, $0x2;
	s13 =	sshrl.u32 s13, $0x2;
	s6 =	sadd.s32 s7, s6  }
0xa: {  	s11 =	sadd.s32 s8, s4;
	s12 =	ssub.s32 s5, s30;
	s16 =	sadd.s32 s13, s2  }
0xb: {  	s13 =	simm.s32 $0x80;
	s6 =	sshrl.u32 s6, $0x3;
	s14 =	sadd.s32 s14, s11  }
0xc: {  	s11 =	smax.u32 s12, $0x1;
	s16 =	sshrl.u32 s16, $0x3;
	s10 =	sadd.s32 s6, s4  }
0xd: {  	s4 =	sadd.s32 s31, s2;
	s12 =	sadd.s32 $0x5A00, s14;
	s14 =	simm.s32 $0x1  }
0xe: {  	s5 =	sadd.s32 $0x4000, s4;
	s6 =	sadd.s32 $0x8000, s4;
	s7 =	sadd.s32 $0xC000, s4  }
0xf: {  	v0 =	vimm.f32 $0.0e+00;
	v1 =	vimm.f32 $1.000000000e+00;
	s8 =	sadd.s32 $0x10000, s4;
	s9 =	sadd.s32 $0x14000, s4;
	s10 =	sadd.s32 $0x87800, s10  }
.LBB2_1:
0x10: {  	s18 =	sand.u32 $0xFE00, s3  }
0x11: {  	s19 =	sand.u32 $0x70, s3;
	s20 =	sshrl.u32 s18, $0x2  }
0x12: {  	s18 =	simm.s32 $0x40;
	s20 =	sor.u32 s19, s20;
	s19 =	simm.s32 $0x0  }
.LBB2_2:
0x13: {  	p0 =	sne.s32 s18, $0xFFC0  }
0x14: {  	[tilespmem:s20+$0x80] =	vst v0;
	s19 =	sadd.s32 $0x10, s19;
	s20 =	smov.u32 s18;
	s18 =	sadd.s32 $0x40, s18  }
.Ltmp0:
0x15: {  	(pc) =	sbr.rel @p0 .LBB2_2-.Ltmp0, $4  }
0x16: {  	_ = 	snop  }
0x17: {  	s20 =	sand.u32 $0xFE00, s20  }
0x18: {  	s21 =	sand.u32 $0x70, s19;
	s20 =	sshrl.u32 s20, $0x2  }
0x19: {  	s20 =	sor.u32 s21, s20  }
0x1a: {  	[tilespmem:s20+$0x80] =	vst v0  }
0x1b: {  	[spmem:s4] =	stream.linear.scatter [tilespmem:s13], [sflag:$0x1], $0x4000, $0x38;
	[tilespmem:$0x18880] =	vst v63  }
0x1c: {  	_ =	swait.ge [sflag:s14], $0x4000  }
0x1d: {  	[sflag:s14] =	ssyncset.done $0x0  }
0x1e: {  	[sflag:s14] =	ssyncadd.s32 $0xFFFFC000  }
0x1f: {  	[spmem:s5] =	stream.linear.scatter [tilespmem:s13], [sflag:$0x1], $0x4000, $0x38;
	[tilespmem:$0x18880] =	vst v63  }
0x20: {  	_ =	swait.ge [sflag:s14], $0x4000  }
0x21: {  	[sflag:s14] =	ssyncset.done $0x0  }
0x22: {  	[sflag:s14] =	ssyncadd.s32 $0xFFFFC000  }
0x23: {  	[spmem:s6] =	stream.linear.scatter [tilespmem:s13], [sflag:$0x1], $0x4000, $0x38;
	[tilespmem:$0x18880] =	vst v63  }
0x24: {  	_ =	swait.ge [sflag:s14], $0x4000  }
0x25: {  	[sflag:s14] =	ssyncset.done $0x0  }
0x26: {  	[sflag:s14] =	ssyncadd.s32 $0xFFFFC000  }
0x27: {  	[spmem:s7] =	stream.linear.scatter [tilespmem:s13], [sflag:$0x1], $0x4000, $0x38;
	[tilespmem:$0x18880] =	vst v63  }
0x28: {  	_ =	swait.ge [sflag:s14], $0x4000  }
0x29: {  	[sflag:s14] =	ssyncset.done $0x0  }
0x2a: {  	[sflag:s14] =	ssyncadd.s32 $0xFFFFC000  }
0x2b: {  	[spmem:s8] =	stream.linear.scatter [tilespmem:s13], [sflag:$0x1], $0x4000, $0x38;
	[tilespmem:$0x18880] =	vst v63  }
0x2c: {  	_ =	swait.ge [sflag:s14], $0x4000  }
0x2d: {  	[sflag:s14] =	ssyncset.done $0x0  }
0x2e: {  	s18 =	simm.s32 $0x0;
	[sflag:s14] =	ssyncadd.s32 $0xFFFFC000  }
0x2f: {  	[spmem:s9] =	stream.linear.scatter [tilespmem:s13], [sflag:$0x1], $0x800, $0x38;
	[tilespmem:$0x18880] =	vst v63  }
0x30: {  	s19 =	sand.u32 $0xFE00, s18;
	_ =	swait.ge [sflag:s14], $0x800  }
0x31: {  	s31 =	sand.u32 $0x70, s18;
	s21 =	sshrl.u32 s19, $0x2;
	[sflag:s14] =	ssyncset.done $0x0  }
0x32: {  	s19 =	simm.s32 $0x40;
	s20 =	sor.u32 s31, s21;
	[sflag:s14] =	ssyncadd.s32 $0xFFFFF800  }
.LBB2_4:
0x33: {  	p0 =	sne.s32 s19, $0xFFC0  }
0x34: {  	[tilespmem:s20+$0x80] =	vst v1;
	s18 =	sadd.s32 $0x10, s18;
	s20 =	smov.u32 s19;
	s19 =	sadd.s32 $0x40, s19  }
.Ltmp1:
0x35: {  	(pc) =	sbr.rel @p0 .LBB2_4-.Ltmp1, $4  }
0x36: {  	_ = 	snop  }
0x37: {  	s20 =	sand.u32 $0xFE00, s20  }
0x38: {  	s21 =	sand.u32 $0x70, s18;
	s20 =	sshrl.u32 s20, $0x2  }
0x39: {  	s20 =	sor.u32 s21, s20  }
0x3a: {  	[tilespmem:s20+$0x80] =	vst v1  }
0x3b: {  	s18 =	sadd.s32 $0x0, s12;
	[bflag:$0x0] =	sbarrier.arrive $0xFFFF  }
0x3c: {  	[tilespmem:s3], [sflag:$0x1] =	stream.linear.gather [hbm4b:s18+s3], $0x80, $0x38;
	[tilespmem:$0x18880] =	vst v63  }
0x3d: {  	_ =	swait.ge [sflag:s14], $0x80  }
0x3e: {  	[sflag:s14] =	ssyncset.done $0x0  }
0x3f: {  	[sflag:s14] =	ssyncadd.s32 $0xFFFFFF80  }
0x40: {  	[spmem:s2] =	stream.indirect.scatter.add.f32 [tilespmem:s13], [sflag:$0x1], $0x80, s3, s13, $0xb8;
	[tilespmem:$0x18880] =	vst v63  }
0x41: {  	_ =	swait.ge [sflag:s14], $0x4000  }
0x42: {  	s19 =	simm.s32 $0x20;
	s18 =	simm.s32 $0x10;
	[sflag:s14] =	ssyncset.done $0x0  }
.LBB2_6:
0x43: {  	s20 =	sadd.s32 s18, s12  }
0x44: {  	[sflag:s14] =	ssyncadd.s32 $0xFFFFC000;
	s18 =	smov.u32 s19;
	s21 =	sadd.s32 $0x10, s19  }
0x45: {  	[tilespmem:s3], [sflag:$0x1] =	stream.linear.gather [hbm4b:s20+s3], $0x80, $0x38;
	[tilespmem:$0x18880] =	vst v63  }
0x46: {  	p0 =	sne.s32 s19, $0x4E0;
	_ =	swait.ge [sflag:s14], $0x80  }
.Ltmp2:
0x47: {  	[sflag:s14] =	ssyncset.done $0x0;
	(pc) =	sbr.rel @p0 .LBB2_6-.Ltmp2, $4  }
0x48: {  	[sflag:s14] =	ssyncadd.s32 $0xFFFFFF80  }
0x49: {  	[spmem:s2] =	stream.indirect.scatter.add.f32 [tilespmem:s13], [sflag:$0x1], $0x80, s3, s13, $0xb8;
	[tilespmem:$0x18880] =	vst v63  }
0x4a: {  	_ =	swait.ge [sflag:s14], $0x4000  }
0x4b: {  	s19 =	smov.u32 s21;
	[sflag:s14] =	ssyncset.done $0x0  }
0x4c: {  	s18 =	sadd.s32 s18, s12;
	[sflag:s14] =	ssyncadd.s32 $0xFFFFC000  }
0x4d: {  	[tilespmem:s3], [sflag:$0x1] =	stream.linear.gather [hbm4b:s18+s3], $0x80, $0x38;
	[tilespmem:$0x18880] =	vst v63  }
0x4e: {  	_ =	swait.ge [sflag:s14], $0x80  }
0x4f: {  	[sflag:s14] =	ssyncset.done $0x0  }
0x50: {  	[sflag:s14] =	ssyncadd.s32 $0xFFFFFF80  }
0x51: {  	[spmem:s2] =	stream.indirect.scatter.add.f32 [tilespmem:s13], [sflag:$0x1], $0x80, s3, s13, $0xb8;
	[tilespmem:$0x18880] =	vst v63  }
0x52: {  	_ =	swait.ge [sflag:s14], $0x4000  }
0x53: {  	s17 =	sadd.s32 $0x1, s17;
	[sflag:s14] =	ssyncset.done $0x0  }
0x54: {  	p0 =	sne.s32 s17, s11;
	[sflag:s14] =	ssyncadd.s32 $0xFFFFC000  }
.Ltmp3:
0x55: {  	[bflag:$0x0] =	sbarrier.arrive $0xFFFF;
	(pc) =	sbr.rel @p0 .LBB2_1-.Ltmp3, $4  }
0x56: {  	[hbm:s10], [sflag:s15] =	dma.local [spmem:s16], $0x2800  }
0x57: {  	_ =	swait.ge [sflag:s14], $0x2800  }
0x58: {  	[sflag:s14] =	ssyncset.done $0x0  }
0x59: {  	[sflag:s14] =	ssyncadd.s32 $0xFFFFD800  }
0x5a: {  	_ =	sfence.sel $0x180000  }
0x5b: {  	[bflag:$0x0] =	sbarrier.arrive $0xFFFF  }
0x5c: {  	p0 =	sne.s32 s1, $0x0;
	_ =	strace $0x9000004A  }
0x5d: {  	s0 =	sadd.s32 @!p0 $0x100000, s0;
	[bflag:$0x2] =	sbarrier.arrive $0xFFFF  }
0x5e: {  	[sflag:s0] =	ssyncadd.tile.s32 @!p0 $0x1;
	_ =	shalt  }
.Lfunc_end2:
_tile_overlayer_lowered:
.L_overlay_start_2:
0x5f: {  	(tag) =	ssettag $0x2  }
0x60: {  	s0 =	rddreg [dreg:$0x0];
	s2 =	stileid.u32  }
0x61: {  	s1 =	rddreg [dreg:$0x1];
	p0 =	sne.s32 s2, $0x0  }
0x62: {  	s3 =	rddreg [dreg:$0x2];
	[bflag:$0x3] =	sbarrier.arrive $0xFFFF;
	s2 =	simm.s32 @!p0 $0x1C01  }
0x63: {  	[timem:s3], [sflag:s2] =	dma.local @!p0 [hbm:s0], s1  }
0x64: {  	s0 =	simm.s32 @!p0 $0x1  }
0x65: {  	_ =	swait.ge @!p0 [sflag:s0], s1  }
0x66: {  	s1 =	ssub.s32 @!p0 $0x0, s1;
	[sflag:s0] =	ssyncset.done @!p0 $0x0  }
0x67: {  	[sflag:s0] =	ssyncadd.s32 @!p0 s1  }
0x68: {  	[bflag:$0x3] =	sbarrier.arrive $0xFFFF  }
0x69: {  	_ =	shalt  }

// kernel: kernel.15.cloned.1.call-start
scs
__scs_entry_jumppad:
0x0: {  	(pc) =	sbr.rel $0x88, $3  }
0x1: {  	(tag) =	ssettag $0x0;
	lr =	simm.s32 $0x1  }
0x2: {  	[smem:$0x3F91] =	sst lr;
	_ =	strace $0xD0000000  }
0x3: {  	_ = 	snop  }
0x4: {  	_ = 	snop  }
0x5: {  	_ = 	snop  }
0x6: {  	_ = 	snop  }
0x7: {  	_ = 	snop  }
__scs_overlays_trampoline_lowered:
0x8: {  	[smem:$0x3FA0] =	sst s0  }
0x9: {  	[smem:$0x3FA1] =	sst s1  }
0xa: {  	[smem:$0x3FA2] =	sst s2  }
0xb: {  	[smem:$0x3FA3] =	sst s3  }
0xc: {  	[smem:$0x3FA4] =	sst s4  }
0xd: {  	[smem:$0x3FA5] =	sst s5  }
0xe: {  	[smem:$0x3FA6] =	sst s6  }
0xf: {  	[smem:$0x3FA7] =	sst s7  }
0x10: {  	[smem:$0x3FA8] =	sst s8  }
0x11: {  	[smem:$0x3FA9] =	sst s9;
	s0 =	simm.s32 @!p0 $0x0  }
0x12: {  	s1 =	sld [smem:$0x3F8F];
	s0 =	simm.s32 @p0 $0x1  }
0x13: {  	[smem:$0x3FAA] =	sst s0;
	s0 =	simm.s32 @!p1 $0x0  }
0x14: {  	s2 =	sld [smem:$0x3F8E];
	s0 =	simm.s32 @p1 $0x1  }
0x15: {  	[smem:$0x3FAB] =	sst s0;
	s0 =	simm.s32 @!p2 $0x0  }
0x16: {  	s3 =	sld [smem:$0x3FDB];
	s0 =	simm.s32 @p2 $0x1  }
0x17: {  	s4 =	simm.s32 $0x1BF5;
	[smem:$0x3FAD] =	sst s0  }
0x18: {  	s0 =	sld [smem:$0x3F90];
	_ =	swait.ge [sflag:s4], $0x0  }
0x19: {  	s7 =	sld [smem:$0x3F91]  }
0x1a: {  	s8 =	sadd.s32 $0xFFFFE003, lr  }
0x1b: {  	s9 =	sadd.s32 $0xFFFFFEF7, lr;
	s5 =	simm.s32 $0xFFFFFFFF;
	p2 =	slt.u32 s8, $0xFFFFF086  }
0x1c: {  	p1 =	slt.u32 s9, $0xF7A;
	s5 =	simm.s32 @!p2 $0x0  }
0x1d: {  	s5 =	simm.s32 @p1 $0x1;
	p0 =	seq.s32 s7, s2  }
0x1e: {  	s7 =	smul.u32 @!p0 $0xF7A, s2;
	p2 =	seq.s32 @!p0 s5, $0x0  }
0x1f: {  	s9 =	smul.u32 $0xF7A, s1;
	s8 =	simm.s32 @!p0 $0x1BF5;
	p2 =	por !p2, p0  }
0x20: {  	[sflag:s8] =	ssyncset.s32 @!p0 $0xFFFFF086;
	s6 =	sadd.s32 @!p0 s3, s7;
	s7 =	simm.s32 @!p0 $0x108  }
0x21: {  	s3 =	sadd.s32 s3, s9;
	s6 =	sadd.s32 @!p0 $0x88, s6;
	s7 =	simm.s32 @p2 $0x1082  }
0x22: {  	[simem:s7], [sflag:s8] =	dma.local @!p0 [hbm:s6], $0xF7A  }
0x23: {  	s9 =	sor.u32 $0xD0000000, s2;
	s6 =	simm.s32 $0x108;
	_ =	swait.ge @!p0 [sflag:s8], $0x0  }
0x24: {  	s3 =	sadd.s32 $0x88, s3;
	s6 =	simm.s32 @!p1 $0x1082;
	[sflag:s4] =	ssyncset.s32 $0xFFFFF086  }
0x25: {  	[simem:s6], [sflag:s4] =	dma.local [hbm:s3], $0xF7A  }
0x26: {  	[smem:$0x3F91] =	sst s1;
	(tag) =	ssettag s2;
	_ =	strace s9  }
0x27: {  	s1 =	sld [smem:$0x3FA1]  }
0x28: {  	s2 =	sld [smem:$0x3FA2]  }
0x29: {  	s4 =	sld [smem:$0x3FA4]  }
0x2a: {  	p0 =	seq.s32 s5, $0x0;
	s5 =	sld [smem:$0x3FA5]  }
0x2b: {  	s6 =	sld [smem:$0x3FA6]  }
0x2c: {  	s7 =	sld [smem:$0x3FA7]  }
0x2d: {  	s3 =	simm.s32 $0x108;
	s8 =	sld [smem:$0x3FA8]  }
0x2e: {  	s3 =	simm.s32 @!p0 $0x1082;
	s9 =	sld [smem:$0x3FA9]  }
0x2f: {  	lr =	sadd.s32 s0, s3;
	s0 =	sld [smem:$0x3FA0]  }
0x30: {  	s3 =	sld [smem:$0x3FA3]  }
0x31: {  	[smem:$0x3FAC] =	sst s10  }
0x32: {  	s10 =	sld [smem:$0x3FAA];
	_ =	sdelay $0x3  }
0x33: {  	p0 =	seq.s32 s10, $0x1;
	s10 =	sld [smem:$0x3FAC];
	_ =	sdelay $0x3  }
0x34: {  	[smem:$0x3FAC] =	sst s10  }
0x35: {  	s10 =	sld [smem:$0x3FAB];
	_ =	sdelay $0x3  }
0x36: {  	p1 =	seq.s32 s10, $0x1;
	s10 =	sld [smem:$0x3FAC];
	_ =	sdelay $0x3  }
0x37: {  	[smem:$0x3FAC] =	sst s10  }
0x38: {  	s10 =	sld [smem:$0x3FAD]  }
0x39: {  	_ = 	snop;
	(pc) =	sbr.ind lr, $3  }
0x3a: {  	_ = 	snop  }
0x3b: {  	_ = 	snop  }
0x3c: {  	p2 =	seq.s32 s10, $0x1;
	s10 =	sld [smem:$0x3FAC]  }
0x3d: {  	_ =	shalt  }
0x3e: {  	_ =	shalt  }
0x3f: {  	_ =	shalt  }
0x40: {  	_ =	shalt  }
0x41: {  	_ =	shalt  }
0x42: {  	_ =	shalt  }
0x43: {  	_ =	shalt  }
0x44: {  	_ =	shalt  }
0x45: {  	_ =	shalt  }
0x46: {  	_ =	shalt  }
0x47: {  	_ =	shalt  }
0x48: {  	_ =	shalt  }
0x49: {  	_ =	shalt  }
0x4a: {  	_ =	shalt  }
0x4b: {  	_ =	shalt  }
0x4c: {  	_ =	shalt  }
0x4d: {  	_ =	shalt  }
0x4e: {  	_ =	shalt  }
0x4f: {  	_ =	shalt  }
0x50: {  	_ =	shalt  }
0x51: {  	_ =	shalt  }
0x52: {  	_ =	shalt  }
0x53: {  	_ =	shalt  }
0x54: {  	_ =	shalt  }
0x55: {  	_ =	shalt  }
0x56: {  	_ =	shalt  }
0x57: {  	_ =	shalt  }
0x58: {  	_ =	shalt  }
0x59: {  	_ =	shalt  }
0x5a: {  	_ =	shalt  }
0x5b: {  	_ =	shalt  }
0x5c: {  	_ =	shalt  }
0x5d: {  	_ =	shalt  }
0x5e: {  	_ =	shalt  }
0x5f: {  	_ =	shalt  }
0x60: {  	_ =	shalt  }
0x61: {  	_ =	shalt  }
0x62: {  	_ =	shalt  }
0x63: {  	_ =	shalt  }
0x64: {  	_ =	shalt  }
0x65: {  	_ =	shalt  }
0x66: {  	_ =	shalt  }
0x67: {  	_ =	shalt  }
0x68: {  	_ =	shalt  }
0x69: {  	_ =	shalt  }
0x6a: {  	_ =	shalt  }
0x6b: {  	_ =	shalt  }
0x6c: {  	_ =	shalt  }
0x6d: {  	_ =	shalt  }
0x6e: {  	_ =	shalt  }
0x6f: {  	_ =	shalt  }
0x70: {  	_ =	shalt  }
0x71: {  	_ =	shalt  }
0x72: {  	_ =	shalt  }
0x73: {  	_ =	shalt  }
0x74: {  	_ =	shalt  }
0x75: {  	_ =	shalt  }
0x76: {  	_ =	shalt  }
0x77: {  	_ =	shalt  }
0x78: {  	_ =	shalt  }
0x79: {  	_ =	shalt  }
0x7a: {  	_ =	shalt  }
0x7b: {  	_ =	shalt  }
0x7c: {  	_ =	shalt  }
0x7d: {  	_ =	shalt  }
0x7e: {  	_ =	shalt  }
0x7f: {  	_ =	shalt  }
0x80: {  	_ =	shalt  }
0x81: {  	_ =	shalt  }
0x82: {  	_ =	shalt  }
0x83: {  	_ =	shalt  }
0x84: {  	_ =	shalt  }
0x85: {  	_ =	shalt  }
0x86: {  	_ =	shalt  }
0x87: {  	_ =	shalt  }
.Lfunc_end0:
.L_simem_size_0:
called_computation.1_lowered:
.L_overlay_start_0:
0x88: {  	s2 =	sld [smem:$0x3FD9]  }
0x89: {  	s3 =	sld [smem:$0x3FFE];
	_ =	sdelay $0x1  }
0x8a: {  	s1 =	srdreg.scid  }
0x8b: {  	s0 =	sand.u32 $0x1, s1  }
0x8c: {  	s14 =	sshll.u32 s0, $0xA;
	s2 =	sadd.s32 s3, s2  }
0x8d: {  	s2 =	sadd.s32 s2, s14  }
0x8e: {  	[smem:$0x3FB8] =	sst s2  }
0x8f: {  	_ = 	snop  }
0x90: {  	s2 =	sld [smem:$0x3FD0];
	_ =	sdelay $0x2  }
0x91: {  	s15 =	simm.s32 $0xB;
	s4 =	simm.s32 $0x10  }
0x92: {  	[smem:s4], [sflag:s15] =	dma.local [hbm:s2], $0x1  }
0x93: {  	_ =	swait.eq [sflag:s15], $0x1  }
0x94: {  	[sflag:s15] =	ssyncset.done $0x0  }
0x95: {  	[sflag:s15] =	ssyncadd.s32 $0xFFFFFFFF  }
0x96: {  	s16 =	sld [smem:$0x11];
	(tm) =	ssettm $0x1  }
0x97: {  	s17 =	sld [smem:$0x3FFB];
	_ =	sdelay $0x3  }
0x98: {  	_ =	strace s17  }
0x99: {  	s3 =	sld [smem:$0x3FFC];
	_ =	sdelay $0x3  }
0x9a: {  	_ =	strace s3  }
0x9b: {  	s3 =	sld [smem:$0x3FFD];
	_ =	sdelay $0x3  }
0x9c: {  	_ =	strace s3  }
0x9d: {  	_ =	strace $0x8FFFFFFF  }
0x9e: {  	s18 =	sld [smem:$0x3FDB];
	_ =	sdelay $0x1  }
0x9f: {  	s19 =	simm.s32 $_scs_section_size  }
0xa0: {  	s5 =	simm.s32 $_size__tile_overlayer_lowered;
	s6 =	simm.s32 $_tile_overlayer_lowered  }
0xa1: {  	s22 =	simm.s32 $0x1BFF;
	s21 =	sshll.u32 s6, $0x1;
	s3 =	sadd.s32 s19, s18  }
0xa2: {  	s7 =	simm.s32 $0x0;
	s20 =	sshll.u32 s5, $0x1;
	s5 =	sadd.s32 s21, s3  }
0xa3: {  	[timem:s7], [sflag:s22] =	dma.local [hbm:s5], s20  }
0xa4: {  	_ =	swait.ge [sflag:s22], s20  }
0xa5: {  	s4 =	ssub.s32 $0x0, s20;
	[sflag:s22] =	ssyncset.done $0x0  }
0xa6: {  	[sflag:s22] =	ssyncadd.s32 s4;
	_ =	sdelay $0x1  }
0xa7: {  	s23 =	simm.s32 $0x1B8B  }
0xa8: {  	_ =	swait.ge [sflag:s23], $0x1  }
0xa9: {  	[sflag:s23] =	ssyncset.done $0x0  }
0xaa: {  	s25 =	simm.s32 $0x1B8E;
	s24 =	sld [smem:$0x3FFE];
	[sflag:s23] =	ssyncadd.s32 $0xFFFFFFFF  }
0xab: {  	s26 =	simm.s32 $execute0_lowered;
	[smem:$0x3FD2] =	sst s25  }
0xac: {  	s5 =	sshll.u32 s26, $0x1;
	_ =	strace $0x80000046;
	[dreg:$0x1] =	wrdreg $0xFFFFFFFF  }
0xad: {  	s28 =	simm.s32 $_size_execute0_lowered;
	s3 =	sadd.s32 s3, s5;
	[dreg:$0x0] =	wrdreg $0x0  }
0xae: {  	s5 =	sshll.u32 s28, $0x1;
	[dreg:$0x2] =	wrdreg s3  }
0xaf: {  	[dreg:$0x3] =	wrdreg s5  }
0xb0: {  	[dreg:$0x4] =	wrdreg $0xC0  }
0xb1: {  	_ =	task [dreg:s7], $0x5FFFF  }
0xb2: {  	[dreg:$0x1] =	wrdreg $0xFFFFFFFF  }
0xb3: {  	[dreg:$0x0] =	wrdreg $0x60  }
0xb4: {  	[dreg:$0x2] =	wrdreg s24  }
0xb5: {  	[dreg:$0x3] =	wrdreg s16  }
0xb6: {  	[dreg:$0x4] =	wrdreg $0x41000  }
0xb7: {  	[dreg:$0x5] =	wrdreg $0xA  }
0xb8: {  	_ =	task.clear_ibuf [dreg:s7], $0x6FFFF;
	_ =	strace $0x90000046  }
0xb9: {  	s29 =	simm.s32 $0xA;
	_ =	strace $0x80000048  }
0xba: {  	_ =	swait.ge [sflag:s29], $0x1  }
0xbb: {  	[sflag:s29] =	ssyncadd.s32 $0xFFFFFFFF  }
0xbc: {  	_ =	strace $0x90000048  }
0xbd: {  	_ =	sfence  }
0xbe: {  	s30 =	sld [smem:$0x0];
	_ =	sdelay $0x2  }
0xbf: {  	s31 =	sshll.u32 s1, $0xD;
	s1 =	sshrl.u32 s1, $0x2  }
0xc0: {  	s3 =	sand.u32 $0x4000, s31;
	s1 =	sadd.s32 s1, s30  }
0xc1: {  	s0 =	sor.u32 s3, s0;
	s1 =	sshll.u32 s1, $0x11  }
0xc2: {  	s0 =	sor.u32 s1, s0  }
0xc3: {  	s0 =	sadd.s32 $0x8F2B, s0  }
0xc4: {  	[sflag:s0] =	ssyncadd.remote.s32 $0x1  }
0xc5: {  	_ =	sfence.sel $0xFFFF  }
0xc6: {  	[dreg:$0x0] =	wrdreg $0xFFFFFFFF;
	(pc) =	sbr.abs _section_cstart, $3  }
0xc7: {  	[dreg:$0x1] =	wrdreg $0xFFFFFFFF  }
0xc8: {  	_ =	task.clear_ibuf [dreg:s7], $0x2FFFF;
	_ =	strace $0x9FFFFFFF  }
0xc9: {  	(tm) =	ssettm $0x7FFFFFFF  }
tec
execute0_lowered:
.L_overlay_start_1:
0x0: {  	(tag) =	ssettag $0x1  }
0x1: {  	s5 =	rddreg [dreg:$0x0]  }
0x2: {  	s12 =	rddreg [dreg:$0x1]  }
0x3: {  	s0 =	srdreg.scid;
	s2 =	stileid.u32  }
0x4: {  	s1 =	rddreg [dreg:$0x2];
	s8 =	smul.u32 $0x14000, s2  }
0x5: {  	s3 =	simm.s32 $0x0;
	s18 =	simm.s32 $0x1;
	s9 =	smul.u32 $0x52000, s2  }
0x6: {  	s6 =	sand.u32 $0x1, s0;
	s0 =	rddreg [dreg:$0x3];
	s16 =	smul.u32 $0x50000, s2  }
0x7: {  	s20 =	simm.s32 $0x0;
	[smem:$0x7FF] =	sst s3;
	s13 =	smul.u32 $0x4F00, s6  }
0x8: {  	s4 =	sadd.s32 $0xF800, s5;
	s7 =	smul.u32 $0x140000, s6;
	s6 =	ssub.s32 $0x2, s6  }
0x9: {  	s17 =	smul.u32 $0x4F0, s2;
	_ =	strace $0x80000047;
	s30 =	sshrl.u32 s6, $0x1  }
0xa: {  	s9 =	sshrl.u32 s9, $0x2;
	s16 =	sshrl.u32 s16, $0x2;
	s14 =	sadd.s32 s13, s5  }
0xb: {  	s7 =	sadd.s32 s8, s7;
	s15 =	ssub.s32 s6, s30;
	s19 =	sadd.s32 s16, s1  }
0xc: {  	s31 =	sadd.s32 s13, s12;
	s16 =	simm.s32 $0x2;
	s7 =	sshrl.u32 s7, $0x3  }
0xd: {  	s14 =	sadd.s32 s17, s14;
	s12 =	smax.u32 s15, $0x1;
	s15 =	simm.s32 $0x100  }
0xe: {  	s19 =	sshrl.u32 s19, $0x3;
	s11 =	sadd.s32 s7, s5;
	s5 =	sadd.s32 s9, s1  }
0xf: {  	s13 =	sadd.s32 $0x5A00, s14;
	s14 =	sadd.s32 s17, s31;
	s17 =	simm.s32 $0x80  }
0x10: {  	s6 =	sadd.s32 $0x4000, s5;
	s7 =	sadd.s32 $0x8000, s5;
	s8 =	sadd.s32 $0xC000, s5  }
0x11: {  	v0 =	vimm.f32 $0.0e+00;
	s9 =	sadd.s32 $0x10000, s5;
	s10 =	sadd.s32 $0x14000, s5;
	s11 =	sadd.s32 $0x37800, s11  }
.LBB2_1:
0x12: {  	s21 =	sand.u32 $0xFE00, s3  }
0x13: {  	s22 =	sand.u32 $0x70, s3;
	s23 =	sshrl.u32 s21, $0x2  }
0x14: {  	s21 =	simm.s32 $0x40;
	s23 =	sor.u32 s22, s23;
	s22 =	simm.s32 $0x0  }
.LBB2_2:
0x15: {  	p0 =	sne.s32 s21, $0xFFC0  }
0x16: {  	[tilespmem:s23+$0x100] =	vst v0;
	s22 =	sadd.s32 $0x10, s22;
	s23 =	smov.u32 s21;
	s21 =	sadd.s32 $0x40, s21  }
.Ltmp0:
0x17: {  	(pc) =	sbr.rel @p0 .LBB2_2-.Ltmp0, $4  }
0x18: {  	_ = 	snop  }
0x19: {  	s23 =	sand.u32 $0xFE00, s23  }
0x1a: {  	s24 =	sand.u32 $0x70, s22;
	s23 =	sshrl.u32 s23, $0x2  }
0x1b: {  	s23 =	sor.u32 s24, s23  }
0x1c: {  	[tilespmem:s23+$0x100] =	vst v0  }
0x1d: {  	[spmem:s5] =	stream.linear.scatter [tilespmem:s15], [sflag:$0x2], $0x4000, $0x38;
	[tilespmem:$0x18900] =	vst v63  }
0x1e: {  	_ =	swait.ge [sflag:s16], $0x4000  }
0x1f: {  	[sflag:s16] =	ssyncset.done $0x0  }
0x20: {  	[sflag:s16] =	ssyncadd.s32 $0xFFFFC000  }
0x21: {  	[spmem:s6] =	stream.linear.scatter [tilespmem:s15], [sflag:$0x2], $0x4000, $0x38;
	[tilespmem:$0x18900] =	vst v63  }
0x22: {  	_ =	swait.ge [sflag:s16], $0x4000  }
0x23: {  	[sflag:s16] =	ssyncset.done $0x0  }
0x24: {  	[sflag:s16] =	ssyncadd.s32 $0xFFFFC000  }
0x25: {  	[spmem:s7] =	stream.linear.scatter [tilespmem:s15], [sflag:$0x2], $0x4000, $0x38;
	[tilespmem:$0x18900] =	vst v63  }
0x26: {  	_ =	swait.ge [sflag:s16], $0x4000  }
0x27: {  	[sflag:s16] =	ssyncset.done $0x0  }
0x28: {  	[sflag:s16] =	ssyncadd.s32 $0xFFFFC000  }
0x29: {  	[spmem:s8] =	stream.linear.scatter [tilespmem:s15], [sflag:$0x2], $0x4000, $0x38;
	[tilespmem:$0x18900] =	vst v63  }
0x2a: {  	_ =	swait.ge [sflag:s16], $0x4000  }
0x2b: {  	[sflag:s16] =	ssyncset.done $0x0  }
0x2c: {  	[sflag:s16] =	ssyncadd.s32 $0xFFFFC000  }
0x2d: {  	[spmem:s9] =	stream.linear.scatter [tilespmem:s15], [sflag:$0x2], $0x4000, $0x38;
	[tilespmem:$0x18900] =	vst v63  }
0x2e: {  	_ =	swait.ge [sflag:s16], $0x4000  }
0x2f: {  	[sflag:s16] =	ssyncset.done $0x0  }
0x30: {  	[sflag:s16] =	ssyncadd.s32 $0xFFFFC000  }
0x31: {  	[spmem:s10] =	stream.linear.scatter [tilespmem:s15], [sflag:$0x2], $0x800, $0x38;
	[tilespmem:$0x18900] =	vst v63  }
0x32: {  	_ =	swait.ge [sflag:s16], $0x800  }
0x33: {  	[sflag:s16] =	ssyncset.done $0x0  }
0x34: {  	[sflag:s16] =	ssyncadd.s32 $0xFFFFF800  }
0x35: {  	s21 =	sadd.s32 $0x0, s14;
	[bflag:$0x0] =	sbarrier.arrive $0xFFFF  }
0x36: {  	[tilespmem:s3], [sflag:$0x2] =	stream.linear.gather [hbm4b:s21+s3], $0x80, $0x38;
	[tilespmem:$0x18900] =	vst v63  }
0x37: {  	_ =	swait.ge [sflag:s16], $0x80  }
0x38: {  	[sflag:s16] =	ssyncset.done $0x0  }
0x39: {  	s31 =	sadd.s32 $0x0, s13;
	[sflag:s16] =	ssyncadd.s32 $0xFFFFFF80  }
0x3a: {  	[tilespmem:s17], [sflag:$0x2] =	stream.linear.gather [hbm4b:s31+s3], $0x80, $0x38;
	[tilespmem:$0x18900] =	vst v63  }
0x3b: {  	_ =	swait.ge [sflag:s16], $0x80  }
0x3c: {  	[sflag:s16] =	ssyncset.done $0x0  }
0x3d: {  	[sflag:s16] =	ssyncadd.s32 $0xFFFFFF80  }
0x3e: {  	[tilespmem:s15], [sflag:$0x1] =	stream.indirect.gather [hbm4b:s4+s17], $0x80, s3, s17, $0xb8;
	[tilespmem:$0x18900] =	vst v63  }
0x3f: {  	_ =	swait.ge [sflag:s18], $0x4000  }
0x40: {  	[sflag:s18] =	ssyncset.done $0x0  }
0x41: {  	[sflag:s18] =	ssyncadd.s32 $0xFFFFC000  }
0x42: {  	[spmem:s1] =	stream.indirect.scatter.add.f32 [tilespmem:s15], [sflag:$0x2], $0x80, s17, s17, $0xb8;
	[tilespmem:$0x18900] =	vst v63  }
0x43: {  	_ =	swait.ge [sflag:s16], $0x4000  }
0x44: {  	s22 =	simm.s32 $0x20;
	s21 =	simm.s32 $0x10;
	[sflag:s16] =	ssyncset.done $0x0  }
.LBB2_4:
0x45: {  	s23 =	sadd.s32 s21, s14  }
0x46: {  	[sflag:s16] =	ssyncadd.s32 $0xFFFFC000;
	s24 =	smov.u32 s22;
	s25 =	sadd.s32 $0x10, s22  }
0x47: {  	[tilespmem:s3], [sflag:$0x2] =	stream.linear.gather [hbm4b:s23+s3], $0x80, $0x38;
	[tilespmem:$0x18900] =	vst v63  }
0x48: {  	p0 =	sne.s32 s22, $0x4E0;
	_ =	swait.ge [sflag:s16], $0x80  }
0x49: {  	[sflag:s16] =	ssyncset.done $0x0  }
0x4a: {  	s22 =	sadd.s32 s21, s13;
	s21 =	smov.u32 s24;
	[sflag:s16] =	ssyncadd.s32 $0xFFFFFF80  }
0x4b: {  	[tilespmem:s17], [sflag:$0x2] =	stream.linear.gather [hbm4b:s22+s3], $0x80, $0x38;
	[tilespmem:$0x18900] =	vst v63  }
0x4c: {  	_ =	swait.ge [sflag:s16], $0x80  }
0x4d: {  	[sflag:s16] =	ssyncset.done $0x0  }
0x4e: {  	[sflag:s16] =	ssyncadd.s32 $0xFFFFFF80  }
0x4f: {  	[tilespmem:s15], [sflag:$0x1] =	stream.indirect.gather [hbm4b:s4+s17], $0x80, s3, s17, $0xb8;
	[tilespmem:$0x18900] =	vst v63  }
0x50: {  	_ =	swait.ge [sflag:s18], $0x4000  }
.Ltmp1:
0x51: {  	[sflag:s18] =	ssyncset.done $0x0;
	(pc) =	sbr.rel @p0 .LBB2_4-.Ltmp1, $4  }
0x52: {  	[sflag:s18] =	ssyncadd.s32 $0xFFFFC000  }
0x53: {  	[spmem:s1] =	stream.indirect.scatter.add.f32 [tilespmem:s15], [sflag:$0x2], $0x80, s17, s17, $0xb8;
	[tilespmem:$0x18900] =	vst v63  }
0x54: {  	_ =	swait.ge [sflag:s16], $0x4000  }
0x55: {  	s22 =	smov.u32 s25;
	[sflag:s16] =	ssyncset.done $0x0  }
0x56: {  	s22 =	sadd.s32 s21, s14;
	[sflag:s16] =	ssyncadd.s32 $0xFFFFC000  }
0x57: {  	[tilespmem:s3], [sflag:$0x2] =	stream.linear.gather [hbm4b:s22+s3], $0x80, $0x38;
	[tilespmem:$0x18900] =	vst v63  }
0x58: {  	_ =	swait.ge [sflag:s16], $0x80  }
0x59: {  	[sflag:s16] =	ssyncset.done $0x0  }
0x5a: {  	s30 =	sadd.s32 s21, s13;
	[sflag:s16] =	ssyncadd.s32 $0xFFFFFF80  }
0x5b: {  	[tilespmem:s17], [sflag:$0x2] =	stream.linear.gather [hbm4b:s30+s3], $0x80, $0x38;
	[tilespmem:$0x18900] =	vst v63  }
0x5c: {  	_ =	swait.ge [sflag:s16], $0x80  }
0x5d: {  	[sflag:s16] =	ssyncset.done $0x0  }
0x5e: {  	[sflag:s16] =	ssyncadd.s32 $0xFFFFFF80  }
0x5f: {  	[tilespmem:s15], [sflag:$0x1] =	stream.indirect.gather [hbm4b:s4+s17], $0x80, s3, s17, $0xb8;
	[tilespmem:$0x18900] =	vst v63  }
0x60: {  	_ =	swait.ge [sflag:s18], $0x4000  }
0x61: {  	[sflag:s18] =	ssyncset.done $0x0  }
0x62: {  	[sflag:s18] =	ssyncadd.s32 $0xFFFFC000  }
0x63: {  	[spmem:s1] =	stream.indirect.scatter.add.f32 [tilespmem:s15], [sflag:$0x2], $0x80, s17, s17, $0xb8;
	[tilespmem:$0x18900] =	vst v63  }
0x64: {  	_ =	swait.ge [sflag:s16], $0x4000  }
0x65: {  	s20 =	sadd.s32 $0x1, s20;
	[sflag:s16] =	ssyncset.done $0x0  }
0x66: {  	s31 =	sshll.u32 s2, $0x6;
	p0 =	sne.s32 s20, s12;
	[sflag:s16] =	ssyncadd.s32 $0xFFFFC000  }
.Ltmp2:
0x67: {  	s21 =	sor.u32 $0x1C02, s31;
	[bflag:$0x0] =	sbarrier.arrive $0xFFFF;
	(pc) =	sbr.rel @p0 .LBB2_1-.Ltmp2, $4  }
0x68: {  	[hbm:s11], [sflag:s21] =	dma.local [spmem:s19], $0x2800  }
0x69: {  	_ =	swait.ge [sflag:s16], $0x2800  }
0x6a: {  	[sflag:s16] =	ssyncset.done $0x0  }
0x6b: {  	[sflag:s16] =	ssyncadd.s32 $0xFFFFD800  }
0x6c: {  	_ =	sfence.sel $0x180000  }
0x6d: {  	[bflag:$0x0] =	sbarrier.arrive $0xFFFF  }
0x6e: {  	p0 =	sne.s32 s2, $0x0;
	_ =	strace $0x90000047  }
0x6f: {  	s0 =	sadd.s32 @!p0 $0x100000, s0;
	[bflag:$0x2] =	sbarrier.arrive $0xFFFF  }
0x70: {  	[sflag:s0] =	ssyncadd.tile.s32 @!p0 $0x1;
	_ =	shalt  }
.Lfunc_end2:
_tile_overlayer_lowered:
.L_overlay_start_2:
0x71: {  	(tag) =	ssettag $0x2  }
0x72: {  	s0 =	rddreg [dreg:$0x0];
	s2 =	stileid.u32  }
0x73: {  	s1 =	rddreg [dreg:$0x1];
	p0 =	sne.s32 s2, $0x0  }
0x74: {  	s3 =	rddreg [dreg:$0x2];
	[bflag:$0x3] =	sbarrier.arrive $0xFFFF;
	s2 =	simm.s32 @!p0 $0x1C02  }
0x75: {  	[timem:s3], [sflag:s2] =	dma.local @!p0 [hbm:s0], s1  }
0x76: {  	s0 =	simm.s32 @!p0 $0x2  }
0x77: {  	_ =	swait.ge @!p0 [sflag:s0], s1  }
0x78: {  	s1 =	ssub.s32 @!p0 $0x0, s1;
	[sflag:s0] =	ssyncset.done @!p0 $0x0  }
0x79: {  	[sflag:s0] =	ssyncadd.s32 @!p0 s1  }
0x7a: {  	[bflag:$0x3] =	sbarrier.arrive $0xFFFF  }
0x7b: {  	_ =	shalt  }

// kernel: kernel.18.cloned.1.call-start
scs
__scs_entry_jumppad:
0x0: {  	(pc) =	sbr.rel $0x88, $3  }
0x1: {  	(tag) =	ssettag $0x0;
	lr =	simm.s32 $0x1  }
0x2: {  	[smem:$0x3F91] =	sst lr;
	_ =	strace $0xD0000000  }
0x3: {  	_ = 	snop  }
0x4: {  	_ = 	snop  }
0x5: {  	_ = 	snop  }
0x6: {  	_ = 	snop  }
0x7: {  	_ = 	snop  }
__scs_overlays_trampoline_lowered:
0x8: {  	[smem:$0x3FA0] =	sst s0  }
0x9: {  	[smem:$0x3FA1] =	sst s1  }
0xa: {  	[smem:$0x3FA2] =	sst s2  }
0xb: {  	[smem:$0x3FA3] =	sst s3  }
0xc: {  	[smem:$0x3FA4] =	sst s4  }
0xd: {  	[smem:$0x3FA5] =	sst s5  }
0xe: {  	[smem:$0x3FA6] =	sst s6  }
0xf: {  	[smem:$0x3FA7] =	sst s7  }
0x10: {  	[smem:$0x3FA8] =	sst s8  }
0x11: {  	[smem:$0x3FA9] =	sst s9;
	s0 =	simm.s32 @!p0 $0x0  }
0x12: {  	s1 =	sld [smem:$0x3F8F];
	s0 =	simm.s32 @p0 $0x1  }
0x13: {  	[smem:$0x3FAA] =	sst s0;
	s0 =	simm.s32 @!p1 $0x0  }
0x14: {  	s2 =	sld [smem:$0x3F8E];
	s0 =	simm.s32 @p1 $0x1  }
0x15: {  	[smem:$0x3FAB] =	sst s0;
	s0 =	simm.s32 @!p2 $0x0  }
0x16: {  	s3 =	sld [smem:$0x3FDB];
	s0 =	simm.s32 @p2 $0x1  }
0x17: {  	s4 =	simm.s32 $0x1BF5;
	[smem:$0x3FAD] =	sst s0  }
0x18: {  	s0 =	sld [smem:$0x3F90];
	_ =	swait.ge [sflag:s4], $0x0  }
0x19: {  	s7 =	sld [smem:$0x3F91]  }
0x1a: {  	s8 =	sadd.s32 $0xFFFFE003, lr  }
0x1b: {  	s9 =	sadd.s32 $0xFFFFFEF7, lr;
	s5 =	simm.s32 $0xFFFFFFFF;
	p2 =	slt.u32 s8, $0xFFFFF086  }
0x1c: {  	p1 =	slt.u32 s9, $0xF7A;
	s5 =	simm.s32 @!p2 $0x0  }
0x1d: {  	s5 =	simm.s32 @p1 $0x1;
	p0 =	seq.s32 s7, s2  }
0x1e: {  	s7 =	smul.u32 @!p0 $0xF7A, s2;
	p2 =	seq.s32 @!p0 s5, $0x0  }
0x1f: {  	s9 =	smul.u32 $0xF7A, s1;
	s8 =	simm.s32 @!p0 $0x1BF5;
	p2 =	por !p2, p0  }
0x20: {  	[sflag:s8] =	ssyncset.s32 @!p0 $0xFFFFF086;
	s6 =	sadd.s32 @!p0 s3, s7;
	s7 =	simm.s32 @!p0 $0x108  }
0x21: {  	s3 =	sadd.s32 s3, s9;
	s6 =	sadd.s32 @!p0 $0x88, s6;
	s7 =	simm.s32 @p2 $0x1082  }
0x22: {  	[simem:s7], [sflag:s8] =	dma.local @!p0 [hbm:s6], $0xF7A  }
0x23: {  	s9 =	sor.u32 $0xD0000000, s2;
	s6 =	simm.s32 $0x108;
	_ =	swait.ge @!p0 [sflag:s8], $0x0  }
0x24: {  	s3 =	sadd.s32 $0x88, s3;
	s6 =	simm.s32 @!p1 $0x1082;
	[sflag:s4] =	ssyncset.s32 $0xFFFFF086  }
0x25: {  	[simem:s6], [sflag:s4] =	dma.local [hbm:s3], $0xF7A  }
0x26: {  	[smem:$0x3F91] =	sst s1;
	(tag) =	ssettag s2;
	_ =	strace s9  }
0x27: {  	s1 =	sld [smem:$0x3FA1]  }
0x28: {  	s2 =	sld [smem:$0x3FA2]  }
0x29: {  	s4 =	sld [smem:$0x3FA4]  }
0x2a: {  	p0 =	seq.s32 s5, $0x0;
	s5 =	sld [smem:$0x3FA5]  }
0x2b: {  	s6 =	sld [smem:$0x3FA6]  }
0x2c: {  	s7 =	sld [smem:$0x3FA7]  }
0x2d: {  	s3 =	simm.s32 $0x108;
	s8 =	sld [smem:$0x3FA8]  }
0x2e: {  	s3 =	simm.s32 @!p0 $0x1082;
	s9 =	sld [smem:$0x3FA9]  }
0x2f: {  	lr =	sadd.s32 s0, s3;
	s0 =	sld [smem:$0x3FA0]  }
0x30: {  	s3 =	sld [smem:$0x3FA3]  }
0x31: {  	[smem:$0x3FAC] =	sst s10  }
0x32: {  	s10 =	sld [smem:$0x3FAA];
	_ =	sdelay $0x3  }
0x33: {  	p0 =	seq.s32 s10, $0x1;
	s10 =	sld [smem:$0x3FAC];
	_ =	sdelay $0x3  }
0x34: {  	[smem:$0x3FAC] =	sst s10  }
0x35: {  	s10 =	sld [smem:$0x3FAB];
	_ =	sdelay $0x3  }
0x36: {  	p1 =	seq.s32 s10, $0x1;
	s10 =	sld [smem:$0x3FAC];
	_ =	sdelay $0x3  }
0x37: {  	[smem:$0x3FAC] =	sst s10  }
0x38: {  	s10 =	sld [smem:$0x3FAD]  }
0x39: {  	_ = 	snop;
	(pc) =	sbr.ind lr, $3  }
0x3a: {  	_ = 	snop  }
0x3b: {  	_ = 	snop  }
0x3c: {  	p2 =	seq.s32 s10, $0x1;
	s10 =	sld [smem:$0x3FAC]  }
0x3d: {  	_ =	shalt  }
0x3e: {  	_ =	shalt  }
0x3f: {  	_ =	shalt  }
0x40: {  	_ =	shalt  }
0x41: {  	_ =	shalt  }
0x42: {  	_ =	shalt  }
0x43: {  	_ =	shalt  }
0x44: {  	_ =	shalt  }
0x45: {  	_ =	shalt  }
0x46: {  	_ =	shalt  }
0x47: {  	_ =	shalt  }
0x48: {  	_ =	shalt  }
0x49: {  	_ =	shalt  }
0x4a: {  	_ =	shalt  }
0x4b: {  	_ =	shalt  }
0x4c: {  	_ =	shalt  }
0x4d: {  	_ =	shalt  }
0x4e: {  	_ =	shalt  }
0x4f: {  	_ =	shalt  }
0x50: {  	_ =	shalt  }
0x51: {  	_ =	shalt  }
0x52: {  	_ =	shalt  }
0x53: {  	_ =	shalt  }
0x54: {  	_ =	shalt  }
0x55: {  	_ =	shalt  }
0x56: {  	_ =	shalt  }
0x57: {  	_ =	shalt  }
0x58: {  	_ =	shalt  }
0x59: {  	_ =	shalt  }
0x5a: {  	_ =	shalt  }
0x5b: {  	_ =	shalt  }
0x5c: {  	_ =	shalt  }
0x5d: {  	_ =	shalt  }
0x5e: {  	_ =	shalt  }
0x5f: {  	_ =	shalt  }
0x60: {  	_ =	shalt  }
0x61: {  	_ =	shalt  }
0x62: {  	_ =	shalt  }
0x63: {  	_ =	shalt  }
0x64: {  	_ =	shalt  }
0x65: {  	_ =	shalt  }
0x66: {  	_ =	shalt  }
0x67: {  	_ =	shalt  }
0x68: {  	_ =	shalt  }
0x69: {  	_ =	shalt  }
0x6a: {  	_ =	shalt  }
0x6b: {  	_ =	shalt  }
0x6c: {  	_ =	shalt  }
0x6d: {  	_ =	shalt  }
0x6e: {  	_ =	shalt  }
0x6f: {  	_ =	shalt  }
0x70: {  	_ =	shalt  }
0x71: {  	_ =	shalt  }
0x72: {  	_ =	shalt  }
0x73: {  	_ =	shalt  }
0x74: {  	_ =	shalt  }
0x75: {  	_ =	shalt  }
0x76: {  	_ =	shalt  }
0x77: {  	_ =	shalt  }
0x78: {  	_ =	shalt  }
0x79: {  	_ =	shalt  }
0x7a: {  	_ =	shalt  }
0x7b: {  	_ =	shalt  }
0x7c: {  	_ =	shalt  }
0x7d: {  	_ =	shalt  }
0x7e: {  	_ =	shalt  }
0x7f: {  	_ =	shalt  }
0x80: {  	_ =	shalt  }
0x81: {  	_ =	shalt  }
0x82: {  	_ =	shalt  }
0x83: {  	_ =	shalt  }
0x84: {  	_ =	shalt  }
0x85: {  	_ =	shalt  }
0x86: {  	_ =	shalt  }
0x87: {  	_ =	shalt  }
.Lfunc_end0:
.L_simem_size_0:
called_computation.2_lowered:
.L_overlay_start_0:
0x88: {  	s2 =	sld [smem:$0x3FD9]  }
0x89: {  	s3 =	sld [smem:$0x3FFE];
	_ =	sdelay $0x1  }
0x8a: {  	s1 =	srdreg.scid  }
0x8b: {  	s0 =	sand.u32 $0x1, s1  }
0x8c: {  	s14 =	sshll.u32 s0, $0xA;
	s2 =	sadd.s32 s3, s2  }
0x8d: {  	s2 =	sadd.s32 s2, s14  }
0x8e: {  	[smem:$0x3FB8] =	sst s2  }
0x8f: {  	_ = 	snop  }
0x90: {  	s2 =	sld [smem:$0x3FD0];
	_ =	sdelay $0x2  }
0x91: {  	s15 =	simm.s32 $0xB;
	s4 =	simm.s32 $0x10  }
0x92: {  	[smem:s4], [sflag:s15] =	dma.local [hbm:s2], $0x1  }
0x93: {  	_ =	swait.eq [sflag:s15], $0x1  }
0x94: {  	[sflag:s15] =	ssyncset.done $0x0  }
0x95: {  	[sflag:s15] =	ssyncadd.s32 $0xFFFFFFFF  }
0x96: {  	s16 =	sld [smem:$0x11];
	(tm) =	ssettm $0x1  }
0x97: {  	s17 =	sld [smem:$0x3FFB];
	_ =	sdelay $0x3  }
0x98: {  	_ =	strace s17  }
0x99: {  	s3 =	sld [smem:$0x3FFC];
	_ =	sdelay $0x3  }
0x9a: {  	_ =	strace s3  }
0x9b: {  	s3 =	sld [smem:$0x3FFD];
	_ =	sdelay $0x3  }
0x9c: {  	_ =	strace s3  }
0x9d: {  	_ =	strace $0x8FFFFFFF  }
0x9e: {  	s18 =	sld [smem:$0x3FDB];
	_ =	sdelay $0x1  }
0x9f: {  	s19 =	simm.s32 $_scs_section_size  }
0xa0: {  	s5 =	simm.s32 $_size__tile_overlayer_lowered;
	s6 =	simm.s32 $_tile_overlayer_lowered  }
0xa1: {  	s22 =	simm.s32 $0x1BFF;
	s21 =	sshll.u32 s6, $0x1;
	s3 =	sadd.s32 s19, s18  }
0xa2: {  	s7 =	simm.s32 $0x0;
	s20 =	sshll.u32 s5, $0x1;
	s5 =	sadd.s32 s21, s3  }
0xa3: {  	[timem:s7], [sflag:s22] =	dma.local [hbm:s5], s20  }
0xa4: {  	_ =	swait.ge [sflag:s22], s20  }
0xa5: {  	s4 =	ssub.s32 $0x0, s20;
	[sflag:s22] =	ssyncset.done $0x0  }
0xa6: {  	[sflag:s22] =	ssyncadd.s32 s4;
	_ =	sdelay $0x1  }
0xa7: {  	s23 =	simm.s32 $0x1B8B  }
0xa8: {  	_ =	swait.ge [sflag:s23], $0x1  }
0xa9: {  	[sflag:s23] =	ssyncset.done $0x0  }
0xaa: {  	s25 =	simm.s32 $0x1B8E;
	s24 =	sld [smem:$0x3FFE];
	[sflag:s23] =	ssyncadd.s32 $0xFFFFFFFF  }
0xab: {  	s26 =	simm.s32 $execute0_lowered;
	[smem:$0x3FD2] =	sst s25  }
0xac: {  	s5 =	sshll.u32 s26, $0x1;
	_ =	strace $0x8000004C;
	[dreg:$0x1] =	wrdreg $0xFFFFFFFF  }
0xad: {  	s28 =	simm.s32 $_size_execute0_lowered;
	s3 =	sadd.s32 s3, s5;
	[dreg:$0x0] =	wrdreg $0x0  }
0xae: {  	s5 =	sshll.u32 s28, $0x1;
	[dreg:$0x2] =	wrdreg s3  }
0xaf: {  	[dreg:$0x3] =	wrdreg s5  }
0xb0: {  	[dreg:$0x4] =	wrdreg $0xC0  }
0xb1: {  	_ =	task [dreg:s7], $0x5FFFF  }
0xb2: {  	[dreg:$0x1] =	wrdreg $0xFFFFFFFF  }
0xb3: {  	[dreg:$0x0] =	wrdreg $0x60  }
0xb4: {  	[dreg:$0x2] =	wrdreg s24  }
0xb5: {  	[dreg:$0x3] =	wrdreg s16  }
0xb6: {  	[dreg:$0x4] =	wrdreg $0x41000  }
0xb7: {  	[dreg:$0x5] =	wrdreg $0x9  }
0xb8: {  	_ =	task.clear_ibuf [dreg:s7], $0x6FFFF;
	_ =	strace $0x9000004C  }
0xb9: {  	s29 =	simm.s32 $0x9;
	_ =	strace $0x8000004E  }
0xba: {  	_ =	swait.ge [sflag:s29], $0x1  }
0xbb: {  	[sflag:s29] =	ssyncadd.s32 $0xFFFFFFFF  }
0xbc: {  	_ =	strace $0x9000004E  }
0xbd: {  	_ =	sfence  }
0xbe: {  	s30 =	sld [smem:$0x0];
	_ =	sdelay $0x2  }
0xbf: {  	s31 =	sshll.u32 s1, $0xD;
	s1 =	sshrl.u32 s1, $0x2  }
0xc0: {  	s3 =	sand.u32 $0x4000, s31;
	s1 =	sadd.s32 s1, s30  }
0xc1: {  	s0 =	sor.u32 s3, s0;
	s1 =	sshll.u32 s1, $0x11  }
0xc2: {  	s0 =	sor.u32 s1, s0  }
0xc3: {  	s0 =	sadd.s32 $0x8F2B, s0  }
0xc4: {  	[sflag:s0] =	ssyncadd.remote.s32 $0x1  }
0xc5: {  	_ =	sfence.sel $0xFFFF  }
0xc6: {  	[dreg:$0x0] =	wrdreg $0xFFFFFFFF;
	(pc) =	sbr.abs _section_cstart, $3  }
0xc7: {  	[dreg:$0x1] =	wrdreg $0xFFFFFFFF  }
0xc8: {  	_ =	task.clear_ibuf [dreg:s7], $0x2FFFF;
	_ =	strace $0x9FFFFFFF  }
0xc9: {  	(tm) =	ssettm $0x7FFFFFFF  }
tec
execute0_lowered:
.L_overlay_start_1:
0x0: {  	(tag) =	ssettag $0x1  }
0x1: {  	s5 =	rddreg [dreg:$0x0]  }
0x2: {  	s12 =	rddreg [dreg:$0x1]  }
0x3: {  	s0 =	srdreg.scid;
	s2 =	stileid.u32  }
0x4: {  	s1 =	rddreg [dreg:$0x2];
	s8 =	smul.u32 $0x14000, s2  }
0x5: {  	s3 =	simm.s32 $0x0;
	s18 =	simm.s32 $0x1;
	s9 =	smul.u32 $0x52000, s2  }
0x6: {  	s6 =	sand.u32 $0x1, s0;
	s0 =	rddreg [dreg:$0x3];
	s16 =	smul.u32 $0x50000, s2  }
0x7: {  	s20 =	simm.s32 $0x0;
	[smem:$0x7FF] =	sst s3;
	s13 =	smul.u32 $0x4F00, s6  }
0x8: {  	s4 =	sadd.s32 $0xF800, s5;
	s7 =	smul.u32 $0x140000, s6;
	s6 =	ssub.s32 $0x2, s6  }
0x9: {  	s17 =	smul.u32 $0x4F0, s2;
	_ =	strace $0x8000004D;
	s30 =	sshrl.u32 s6, $0x1  }
0xa: {  	s9 =	sshrl.u32 s9, $0x2;
	s16 =	sshrl.u32 s16, $0x2;
	s14 =	sadd.s32 s13, s5  }
0xb: {  	s7 =	sadd.s32 s8, s7;
	s15 =	ssub.s32 s6, s30;
	s19 =	sadd.s32 s16, s1  }
0xc: {  	s31 =	sadd.s32 s13, s12;
	s16 =	simm.s32 $0x2;
	s7 =	sshrl.u32 s7, $0x3  }
0xd: {  	s14 =	sadd.s32 s17, s14;
	s12 =	smax.u32 s15, $0x1;
	s15 =	simm.s32 $0x100  }
0xe: {  	s19 =	sshrl.u32 s19, $0x3;
	s11 =	sadd.s32 s7, s5;
	s5 =	sadd.s32 s9, s1  }
0xf: {  	s13 =	sadd.s32 $0x5A00, s14;
	s14 =	sadd.s32 s17, s31;
	s17 =	simm.s32 $0x80  }
0x10: {  	s6 =	sadd.s32 $0x4000, s5;
	s7 =	sadd.s32 $0x8000, s5;
	s8 =	sadd.s32 $0xC000, s5  }
0x11: {  	v0 =	vimm.f32 $0.0e+00;
	s9 =	sadd.s32 $0x10000, s5;
	s10 =	sadd.s32 $0x14000, s5;
	s11 =	sadd.s32 $0x87800, s11  }
.LBB2_1:
0x12: {  	s21 =	sand.u32 $0xFE00, s3  }
0x13: {  	s22 =	sand.u32 $0x70, s3;
	s23 =	sshrl.u32 s21, $0x2  }
0x14: {  	s21 =	simm.s32 $0x40;
	s23 =	sor.u32 s22, s23;
	s22 =	simm.s32 $0x0  }
.LBB2_2:
0x15: {  	p0 =	sne.s32 s21, $0xFFC0  }
0x16: {  	[tilespmem:s23+$0x100] =	vst v0;
	s22 =	sadd.s32 $0x10, s22;
	s23 =	smov.u32 s21;
	s21 =	sadd.s32 $0x40, s21  }
.Ltmp0:
0x17: {  	(pc) =	sbr.rel @p0 .LBB2_2-.Ltmp0, $4  }
0x18: {  	_ = 	snop  }
0x19: {  	s23 =	sand.u32 $0xFE00, s23  }
0x1a: {  	s24 =	sand.u32 $0x70, s22;
	s23 =	sshrl.u32 s23, $0x2  }
0x1b: {  	s23 =	sor.u32 s24, s23  }
0x1c: {  	[tilespmem:s23+$0x100] =	vst v0  }
0x1d: {  	[spmem:s5] =	stream.linear.scatter [tilespmem:s15], [sflag:$0x2], $0x4000, $0x38;
	[tilespmem:$0x18900] =	vst v63  }
0x1e: {  	_ =	swait.ge [sflag:s16], $0x4000  }
0x1f: {  	[sflag:s16] =	ssyncset.done $0x0  }
0x20: {  	[sflag:s16] =	ssyncadd.s32 $0xFFFFC000  }
0x21: {  	[spmem:s6] =	stream.linear.scatter [tilespmem:s15], [sflag:$0x2], $0x4000, $0x38;
	[tilespmem:$0x18900] =	vst v63  }
0x22: {  	_ =	swait.ge [sflag:s16], $0x4000  }
0x23: {  	[sflag:s16] =	ssyncset.done $0x0  }
0x24: {  	[sflag:s16] =	ssyncadd.s32 $0xFFFFC000  }
0x25: {  	[spmem:s7] =	stream.linear.scatter [tilespmem:s15], [sflag:$0x2], $0x4000, $0x38;
	[tilespmem:$0x18900] =	vst v63  }
0x26: {  	_ =	swait.ge [sflag:s16], $0x4000  }
0x27: {  	[sflag:s16] =	ssyncset.done $0x0  }
0x28: {  	[sflag:s16] =	ssyncadd.s32 $0xFFFFC000  }
0x29: {  	[spmem:s8] =	stream.linear.scatter [tilespmem:s15], [sflag:$0x2], $0x4000, $0x38;
	[tilespmem:$0x18900] =	vst v63  }
0x2a: {  	_ =	swait.ge [sflag:s16], $0x4000  }
0x2b: {  	[sflag:s16] =	ssyncset.done $0x0  }
0x2c: {  	[sflag:s16] =	ssyncadd.s32 $0xFFFFC000  }
0x2d: {  	[spmem:s9] =	stream.linear.scatter [tilespmem:s15], [sflag:$0x2], $0x4000, $0x38;
	[tilespmem:$0x18900] =	vst v63  }
0x2e: {  	_ =	swait.ge [sflag:s16], $0x4000  }
0x2f: {  	[sflag:s16] =	ssyncset.done $0x0  }
0x30: {  	[sflag:s16] =	ssyncadd.s32 $0xFFFFC000  }
0x31: {  	[spmem:s10] =	stream.linear.scatter [tilespmem:s15], [sflag:$0x2], $0x800, $0x38;
	[tilespmem:$0x18900] =	vst v63  }
0x32: {  	_ =	swait.ge [sflag:s16], $0x800  }
0x33: {  	[sflag:s16] =	ssyncset.done $0x0  }
0x34: {  	[sflag:s16] =	ssyncadd.s32 $0xFFFFF800  }
0x35: {  	s21 =	sadd.s32 $0x0, s14;
	[bflag:$0x0] =	sbarrier.arrive $0xFFFF  }
0x36: {  	[tilespmem:s3], [sflag:$0x2] =	stream.linear.gather [hbm4b:s21+s3], $0x80, $0x38;
	[tilespmem:$0x18900] =	vst v63  }
0x37: {  	_ =	swait.ge [sflag:s16], $0x80  }
0x38: {  	[sflag:s16] =	ssyncset.done $0x0  }
0x39: {  	s31 =	sadd.s32 $0x0, s13;
	[sflag:s16] =	ssyncadd.s32 $0xFFFFFF80  }
0x3a: {  	[tilespmem:s17], [sflag:$0x2] =	stream.linear.gather [hbm4b:s31+s3], $0x80, $0x38;
	[tilespmem:$0x18900] =	vst v63  }
0x3b: {  	_ =	swait.ge [sflag:s16], $0x80  }
0x3c: {  	[sflag:s16] =	ssyncset.done $0x0  }
0x3d: {  	[sflag:s16] =	ssyncadd.s32 $0xFFFFFF80  }
0x3e: {  	[tilespmem:s15], [sflag:$0x1] =	stream.indirect.gather [hbm4b:s4+s17], $0x80, s3, s17, $0xb8;
	[tilespmem:$0x18900] =	vst v63  }
0x3f: {  	_ =	swait.ge [sflag:s18], $0x4000  }
0x40: {  	[sflag:s18] =	ssyncset.done $0x0  }
0x41: {  	[sflag:s18] =	ssyncadd.s32 $0xFFFFC000  }
0x42: {  	[spmem:s1] =	stream.indirect.scatter.add.f32 [tilespmem:s15], [sflag:$0x2], $0x80, s17, s17, $0xb8;
	[tilespmem:$0x18900] =	vst v63  }
0x43: {  	_ =	swait.ge [sflag:s16], $0x4000  }
0x44: {  	s22 =	simm.s32 $0x20;
	s21 =	simm.s32 $0x10;
	[sflag:s16] =	ssyncset.done $0x0  }
.LBB2_4:
0x45: {  	s23 =	sadd.s32 s21, s14  }
0x46: {  	[sflag:s16] =	ssyncadd.s32 $0xFFFFC000;
	s24 =	smov.u32 s22;
	s25 =	sadd.s32 $0x10, s22  }
0x47: {  	[tilespmem:s3], [sflag:$0x2] =	stream.linear.gather [hbm4b:s23+s3], $0x80, $0x38;
	[tilespmem:$0x18900] =	vst v63  }
0x48: {  	p0 =	sne.s32 s22, $0x4E0;
	_ =	swait.ge [sflag:s16], $0x80  }
0x49: {  	[sflag:s16] =	ssyncset.done $0x0  }
0x4a: {  	s22 =	sadd.s32 s21, s13;
	s21 =	smov.u32 s24;
	[sflag:s16] =	ssyncadd.s32 $0xFFFFFF80  }
0x4b: {  	[tilespmem:s17], [sflag:$0x2] =	stream.linear.gather [hbm4b:s22+s3], $0x80, $0x38;
	[tilespmem:$0x18900] =	vst v63  }
0x4c: {  	_ =	swait.ge [sflag:s16], $0x80  }
0x4d: {  	[sflag:s16] =	ssyncset.done $0x0  }
0x4e: {  	[sflag:s16] =	ssyncadd.s32 $0xFFFFFF80  }
0x4f: {  	[tilespmem:s15], [sflag:$0x1] =	stream.indirect.gather [hbm4b:s4+s17], $0x80, s3, s17, $0xb8;
	[tilespmem:$0x18900] =	vst v63  }
0x50: {  	_ =	swait.ge [sflag:s18], $0x4000  }
.Ltmp1:
0x51: {  	[sflag:s18] =	ssyncset.done $0x0;
	(pc) =	sbr.rel @p0 .LBB2_4-.Ltmp1, $4  }
0x52: {  	[sflag:s18] =	ssyncadd.s32 $0xFFFFC000  }
0x53: {  	[spmem:s1] =	stream.indirect.scatter.add.f32 [tilespmem:s15], [sflag:$0x2], $0x80, s17, s17, $0xb8;
	[tilespmem:$0x18900] =	vst v63  }
0x54: {  	_ =	swait.ge [sflag:s16], $0x4000  }
0x55: {  	s22 =	smov.u32 s25;
	[sflag:s16] =	ssyncset.done $0x0  }
0x56: {  	s22 =	sadd.s32 s21, s14;
	[sflag:s16] =	ssyncadd.s32 $0xFFFFC000  }
0x57: {  	[tilespmem:s3], [sflag:$0x2] =	stream.linear.gather [hbm4b:s22+s3], $0x80, $0x38;
	[tilespmem:$0x18900] =	vst v63  }
0x58: {  	_ =	swait.ge [sflag:s16], $0x80  }
0x59: {  	[sflag:s16] =	ssyncset.done $0x0  }
0x5a: {  	s30 =	sadd.s32 s21, s13;
	[sflag:s16] =	ssyncadd.s32 $0xFFFFFF80  }
0x5b: {  	[tilespmem:s17], [sflag:$0x2] =	stream.linear.gather [hbm4b:s30+s3], $0x80, $0x38;
	[tilespmem:$0x18900] =	vst v63  }
0x5c: {  	_ =	swait.ge [sflag:s16], $0x80  }
0x5d: {  	[sflag:s16] =	ssyncset.done $0x0  }
0x5e: {  	[sflag:s16] =	ssyncadd.s32 $0xFFFFFF80  }
0x5f: {  	[tilespmem:s15], [sflag:$0x1] =	stream.indirect.gather [hbm4b:s4+s17], $0x80, s3, s17, $0xb8;
	[tilespmem:$0x18900] =	vst v63  }
0x60: {  	_ =	swait.ge [sflag:s18], $0x4000  }
0x61: {  	[sflag:s18] =	ssyncset.done $0x0  }
0x62: {  	[sflag:s18] =	ssyncadd.s32 $0xFFFFC000  }
0x63: {  	[spmem:s1] =	stream.indirect.scatter.add.f32 [tilespmem:s15], [sflag:$0x2], $0x80, s17, s17, $0xb8;
	[tilespmem:$0x18900] =	vst v63  }
0x64: {  	_ =	swait.ge [sflag:s16], $0x4000  }
0x65: {  	s20 =	sadd.s32 $0x1, s20;
	[sflag:s16] =	ssyncset.done $0x0  }
0x66: {  	s31 =	sshll.u32 s2, $0x6;
	p0 =	sne.s32 s20, s12;
	[sflag:s16] =	ssyncadd.s32 $0xFFFFC000  }
.Ltmp2:
0x67: {  	s21 =	sor.u32 $0x1C02, s31;
	[bflag:$0x0] =	sbarrier.arrive $0xFFFF;
	(pc) =	sbr.rel @p0 .LBB2_1-.Ltmp2, $4  }
0x68: {  	[hbm:s11], [sflag:s21] =	dma.local [spmem:s19], $0x2800  }
0x69: {  	_ =	swait.ge [sflag:s16], $0x2800  }
0x6a: {  	[sflag:s16] =	ssyncset.done $0x0  }
0x6b: {  	[sflag:s16] =	ssyncadd.s32 $0xFFFFD800  }
0x6c: {  	_ =	sfence.sel $0x180000  }
0x6d: {  	[bflag:$0x0] =	sbarrier.arrive $0xFFFF  }
0x6e: {  	p0 =	sne.s32 s2, $0x0;
	_ =	strace $0x9000004D  }
0x6f: {  	s0 =	sadd.s32 @!p0 $0x100000, s0;
	[bflag:$0x2] =	sbarrier.arrive $0xFFFF  }
0x70: {  	[sflag:s0] =	ssyncadd.tile.s32 @!p0 $0x1;
	_ =	shalt  }
.Lfunc_end2:
_tile_overlayer_lowered:
.L_overlay_start_2:
0x71: {  	(tag) =	ssettag $0x2  }
0x72: {  	s0 =	rddreg [dreg:$0x0];
	s2 =	stileid.u32  }
0x73: {  	s1 =	rddreg [dreg:$0x1];
	p0 =	sne.s32 s2, $0x0  }
0x74: {  	s3 =	rddreg [dreg:$0x2];
	[bflag:$0x3] =	sbarrier.arrive $0xFFFF;
	s2 =	simm.s32 @!p0 $0x1C02  }
0x75: {  	[timem:s3], [sflag:s2] =	dma.local @!p0 [hbm:s0], s1  }
0x76: {  	s0 =	simm.s32 @!p0 $0x2  }
0x77: {  	_ =	swait.ge @!p0 [sflag:s0], s1  }
0x78: {  	s1 =	ssub.s32 @!p0 $0x0, s1;
	[sflag:s0] =	ssyncset.done @!p0 $0x0  }
0x79: {  	[sflag:s0] =	ssyncadd.s32 @!p0 s1  }
0x7a: {  	[bflag:$0x3] =	sbarrier.arrive $0xFFFF  }
0x7b: {  	_ =	shalt  }

// kernel: kernel.21.cloned.1.call-start
scs
__scs_entry_jumppad:
0x0: {  	(pc) =	sbr.rel $0x88, $3  }
0x1: {  	(tag) =	ssettag $0x0;
	lr =	simm.s32 $0x1  }
0x2: {  	[smem:$0x3F91] =	sst lr;
	_ =	strace $0xD0000000  }
0x3: {  	_ = 	snop  }
0x4: {  	_ = 	snop  }
0x5: {  	_ = 	snop  }
0x6: {  	_ = 	snop  }
0x7: {  	_ = 	snop  }
__scs_overlays_trampoline_lowered:
0x8: {  	[smem:$0x3FA0] =	sst s0  }
0x9: {  	[smem:$0x3FA1] =	sst s1  }
0xa: {  	[smem:$0x3FA2] =	sst s2  }
0xb: {  	[smem:$0x3FA3] =	sst s3  }
0xc: {  	[smem:$0x3FA4] =	sst s4  }
0xd: {  	[smem:$0x3FA5] =	sst s5  }
0xe: {  	[smem:$0x3FA6] =	sst s6  }
0xf: {  	[smem:$0x3FA7] =	sst s7  }
0x10: {  	[smem:$0x3FA8] =	sst s8  }
0x11: {  	[smem:$0x3FA9] =	sst s9;
	s0 =	simm.s32 @!p0 $0x0  }
0x12: {  	s1 =	sld [smem:$0x3F8F];
	s0 =	simm.s32 @p0 $0x1  }
0x13: {  	[smem:$0x3FAA] =	sst s0;
	s0 =	simm.s32 @!p1 $0x0  }
0x14: {  	s2 =	sld [smem:$0x3F8E];
	s0 =	simm.s32 @p1 $0x1  }
0x15: {  	[smem:$0x3FAB] =	sst s0;
	s0 =	simm.s32 @!p2 $0x0  }
0x16: {  	s3 =	sld [smem:$0x3FDB];
	s0 =	simm.s32 @p2 $0x1  }
0x17: {  	s4 =	simm.s32 $0x1BF5;
	[smem:$0x3FAD] =	sst s0  }
0x18: {  	s0 =	sld [smem:$0x3F90];
	_ =	swait.ge [sflag:s4], $0x0  }
0x19: {  	s7 =	sld [smem:$0x3F91]  }
0x1a: {  	s8 =	sadd.s32 $0xFFFFE003, lr  }
0x1b: {  	s9 =	sadd.s32 $0xFFFFFEF7, lr;
	s5 =	simm.s32 $0xFFFFFFFF;
	p2 =	slt.u32 s8, $0xFFFFF086  }
0x1c: {  	p1 =	slt.u32 s9, $0xF7A;
	s5 =	simm.s32 @!p2 $0x0  }
0x1d: {  	s5 =	simm.s32 @p1 $0x1;
	p0 =	seq.s32 s7, s2  }
0x1e: {  	s7 =	smul.u32 @!p0 $0xF7A, s2;
	p2 =	seq.s32 @!p0 s5, $0x0  }
0x1f: {  	s9 =	smul.u32 $0xF7A, s1;
	s8 =	simm.s32 @!p0 $0x1BF5;
	p2 =	por !p2, p0  }
0x20: {  	[sflag:s8] =	ssyncset.s32 @!p0 $0xFFFFF086;
	s6 =	sadd.s32 @!p0 s3, s7;
	s7 =	simm.s32 @!p0 $0x108  }
0x21: {  	s3 =	sadd.s32 s3, s9;
	s6 =	sadd.s32 @!p0 $0x88, s6;
	s7 =	simm.s32 @p2 $0x1082  }
0x22: {  	[simem:s7], [sflag:s8] =	dma.local @!p0 [hbm:s6], $0xF7A  }
0x23: {  	s9 =	sor.u32 $0xD0000000, s2;
	s6 =	simm.s32 $0x108;
	_ =	swait.ge @!p0 [sflag:s8], $0x0  }
0x24: {  	s3 =	sadd.s32 $0x88, s3;
	s6 =	simm.s32 @!p1 $0x1082;
	[sflag:s4] =	ssyncset.s32 $0xFFFFF086  }
0x25: {  	[simem:s6], [sflag:s4] =	dma.local [hbm:s3], $0xF7A  }
0x26: {  	[smem:$0x3F91] =	sst s1;
	(tag) =	ssettag s2;
	_ =	strace s9  }
0x27: {  	s1 =	sld [smem:$0x3FA1]  }
0x28: {  	s2 =	sld [smem:$0x3FA2]  }
0x29: {  	s4 =	sld [smem:$0x3FA4]  }
0x2a: {  	p0 =	seq.s32 s5, $0x0;
	s5 =	sld [smem:$0x3FA5]  }
0x2b: {  	s6 =	sld [smem:$0x3FA6]  }
0x2c: {  	s7 =	sld [smem:$0x3FA7]  }
0x2d: {  	s3 =	simm.s32 $0x108;
	s8 =	sld [smem:$0x3FA8]  }
0x2e: {  	s3 =	simm.s32 @!p0 $0x1082;
	s9 =	sld [smem:$0x3FA9]  }
0x2f: {  	lr =	sadd.s32 s0, s3;
	s0 =	sld [smem:$0x3FA0]  }
0x30: {  	s3 =	sld [smem:$0x3FA3]  }
0x31: {  	[smem:$0x3FAC] =	sst s10  }
0x32: {  	s10 =	sld [smem:$0x3FAA];
	_ =	sdelay $0x3  }
0x33: {  	p0 =	seq.s32 s10, $0x1;
	s10 =	sld [smem:$0x3FAC];
	_ =	sdelay $0x3  }
0x34: {  	[smem:$0x3FAC] =	sst s10  }
0x35: {  	s10 =	sld [smem:$0x3FAB];
	_ =	sdelay $0x3  }
0x36: {  	p1 =	seq.s32 s10, $0x1;
	s10 =	sld [smem:$0x3FAC];
	_ =	sdelay $0x3  }
0x37: {  	[smem:$0x3FAC] =	sst s10  }
0x38: {  	s10 =	sld [smem:$0x3FAD]  }
0x39: {  	_ = 	snop;
	(pc) =	sbr.ind lr, $3  }
0x3a: {  	_ = 	snop  }
0x3b: {  	_ = 	snop  }
0x3c: {  	p2 =	seq.s32 s10, $0x1;
	s10 =	sld [smem:$0x3FAC]  }
0x3d: {  	_ =	shalt  }
0x3e: {  	_ =	shalt  }
0x3f: {  	_ =	shalt  }
0x40: {  	_ =	shalt  }
0x41: {  	_ =	shalt  }
0x42: {  	_ =	shalt  }
0x43: {  	_ =	shalt  }
0x44: {  	_ =	shalt  }
0x45: {  	_ =	shalt  }
0x46: {  	_ =	shalt  }
0x47: {  	_ =	shalt  }
0x48: {  	_ =	shalt  }
0x49: {  	_ =	shalt  }
0x4a: {  	_ =	shalt  }
0x4b: {  	_ =	shalt  }
0x4c: {  	_ =	shalt  }
0x4d: {  	_ =	shalt  }
0x4e: {  	_ =	shalt  }
0x4f: {  	_ =	shalt  }
0x50: {  	_ =	shalt  }
0x51: {  	_ =	shalt  }
0x52: {  	_ =	shalt  }
0x53: {  	_ =	shalt  }
0x54: {  	_ =	shalt  }
0x55: {  	_ =	shalt  }
0x56: {  	_ =	shalt  }
0x57: {  	_ =	shalt  }
0x58: {  	_ =	shalt  }
0x59: {  	_ =	shalt  }
0x5a: {  	_ =	shalt  }
0x5b: {  	_ =	shalt  }
0x5c: {  	_ =	shalt  }
0x5d: {  	_ =	shalt  }
0x5e: {  	_ =	shalt  }
0x5f: {  	_ =	shalt  }
0x60: {  	_ =	shalt  }
0x61: {  	_ =	shalt  }
0x62: {  	_ =	shalt  }
0x63: {  	_ =	shalt  }
0x64: {  	_ =	shalt  }
0x65: {  	_ =	shalt  }
0x66: {  	_ =	shalt  }
0x67: {  	_ =	shalt  }
0x68: {  	_ =	shalt  }
0x69: {  	_ =	shalt  }
0x6a: {  	_ =	shalt  }
0x6b: {  	_ =	shalt  }
0x6c: {  	_ =	shalt  }
0x6d: {  	_ =	shalt  }
0x6e: {  	_ =	shalt  }
0x6f: {  	_ =	shalt  }
0x70: {  	_ =	shalt  }
0x71: {  	_ =	shalt  }
0x72: {  	_ =	shalt  }
0x73: {  	_ =	shalt  }
0x74: {  	_ =	shalt  }
0x75: {  	_ =	shalt  }
0x76: {  	_ =	shalt  }
0x77: {  	_ =	shalt  }
0x78: {  	_ =	shalt  }
0x79: {  	_ =	shalt  }
0x7a: {  	_ =	shalt  }
0x7b: {  	_ =	shalt  }
0x7c: {  	_ =	shalt  }
0x7d: {  	_ =	shalt  }
0x7e: {  	_ =	shalt  }
0x7f: {  	_ =	shalt  }
0x80: {  	_ =	shalt  }
0x81: {  	_ =	shalt  }
0x82: {  	_ =	shalt  }
0x83: {  	_ =	shalt  }
0x84: {  	_ =	shalt  }
0x85: {  	_ =	shalt  }
0x86: {  	_ =	shalt  }
0x87: {  	_ =	shalt  }
.Lfunc_end0:
.L_simem_size_0:
called_computation.3_lowered:
.L_overlay_start_0:
0x88: {  	s2 =	sld [smem:$0x3FD9]  }
0x89: {  	s3 =	sld [smem:$0x3FFE];
	_ =	sdelay $0x1  }
0x8a: {  	s1 =	srdreg.scid  }
0x8b: {  	s0 =	sand.u32 $0x1, s1  }
0x8c: {  	s14 =	sshll.u32 s0, $0xA;
	s2 =	sadd.s32 s3, s2  }
0x8d: {  	s2 =	sadd.s32 s2, s14  }
0x8e: {  	[smem:$0x3FB8] =	sst s2  }
0x8f: {  	_ = 	snop  }
0x90: {  	s2 =	sld [smem:$0x3FD0];
	_ =	sdelay $0x2  }
0x91: {  	s15 =	simm.s32 $0xB;
	s4 =	simm.s32 $0x10  }
0x92: {  	[smem:s4], [sflag:s15] =	dma.local [hbm:s2], $0x1  }
0x93: {  	_ =	swait.eq [sflag:s15], $0x1  }
0x94: {  	[sflag:s15] =	ssyncset.done $0x0  }
0x95: {  	[sflag:s15] =	ssyncadd.s32 $0xFFFFFFFF  }
0x96: {  	s16 =	sld [smem:$0x11];
	(tm) =	ssettm $0x1  }
0x97: {  	s17 =	sld [smem:$0x3FFB];
	_ =	sdelay $0x3  }
0x98: {  	_ =	strace s17  }
0x99: {  	s3 =	sld [smem:$0x3FFC];
	_ =	sdelay $0x3  }
0x9a: {  	_ =	strace s3  }
0x9b: {  	s3 =	sld [smem:$0x3FFD];
	_ =	sdelay $0x3  }
0x9c: {  	_ =	strace s3  }
0x9d: {  	_ =	strace $0x8FFFFFFF  }
0x9e: {  	s18 =	sld [smem:$0x3FDB];
	_ =	sdelay $0x1  }
0x9f: {  	s19 =	simm.s32 $_scs_section_size  }
0xa0: {  	s5 =	simm.s32 $_size__tile_overlayer_lowered;
	s6 =	simm.s32 $_tile_overlayer_lowered  }
0xa1: {  	s22 =	simm.s32 $0x1BFF;
	s21 =	sshll.u32 s6, $0x1;
	s3 =	sadd.s32 s19, s18  }
0xa2: {  	s7 =	simm.s32 $0x0;
	s20 =	sshll.u32 s5, $0x1;
	s5 =	sadd.s32 s21, s3  }
0xa3: {  	[timem:s7], [sflag:s22] =	dma.local [hbm:s5], s20  }
0xa4: {  	_ =	swait.ge [sflag:s22], s20  }
0xa5: {  	s4 =	ssub.s32 $0x0, s20;
	[sflag:s22] =	ssyncset.done $0x0  }
0xa6: {  	[sflag:s22] =	ssyncadd.s32 s4;
	_ =	sdelay $0x1  }
0xa7: {  	s23 =	simm.s32 $0x1B8B  }
0xa8: {  	_ =	swait.ge [sflag:s23], $0x1  }
0xa9: {  	[sflag:s23] =	ssyncset.done $0x0  }
0xaa: {  	s25 =	simm.s32 $0x1B8E;
	s24 =	sld [smem:$0x3FFE];
	[sflag:s23] =	ssyncadd.s32 $0xFFFFFFFF  }
0xab: {  	s26 =	simm.s32 $execute0_lowered;
	[smem:$0x3FD2] =	sst s25  }
0xac: {  	s5 =	sshll.u32 s26, $0x1;
	_ =	strace $0x8000004F;
	[dreg:$0x1] =	wrdreg $0xFFFFFFFF  }
0xad: {  	s28 =	simm.s32 $_size_execute0_lowered;
	s3 =	sadd.s32 s3, s5;
	[dreg:$0x0] =	wrdreg $0x0  }
0xae: {  	s5 =	sshll.u32 s28, $0x1;
	[dreg:$0x2] =	wrdreg s3  }
0xaf: {  	[dreg:$0x3] =	wrdreg s5  }
0xb0: {  	[dreg:$0x4] =	wrdreg $0xC0  }
0xb1: {  	_ =	task [dreg:s7], $0x5FFFF  }
0xb2: {  	[dreg:$0x1] =	wrdreg $0xFFFFFFFF  }
0xb3: {  	[dreg:$0x0] =	wrdreg $0x60  }
0xb4: {  	[dreg:$0x2] =	wrdreg s24  }
0xb5: {  	[dreg:$0x3] =	wrdreg s16  }
0xb6: {  	[dreg:$0x4] =	wrdreg $0x41000  }
0xb7: {  	[dreg:$0x5] =	wrdreg $0x9  }
0xb8: {  	_ =	task.clear_ibuf [dreg:s7], $0x6FFFF;
	_ =	strace $0x9000004F  }
0xb9: {  	s29 =	simm.s32 $0x9;
	_ =	strace $0x80000051  }
0xba: {  	_ =	swait.ge [sflag:s29], $0x1  }
0xbb: {  	[sflag:s29] =	ssyncadd.s32 $0xFFFFFFFF  }
0xbc: {  	_ =	strace $0x90000051  }
0xbd: {  	_ =	sfence  }
0xbe: {  	s30 =	sld [smem:$0x0];
	_ =	sdelay $0x2  }
0xbf: {  	s31 =	sshll.u32 s1, $0xD;
	s1 =	sshrl.u32 s1, $0x2  }
0xc0: {  	s3 =	sand.u32 $0x4000, s31;
	s1 =	sadd.s32 s1, s30  }
0xc1: {  	s0 =	sor.u32 s3, s0;
	s1 =	sshll.u32 s1, $0x11  }
0xc2: {  	s0 =	sor.u32 s1, s0  }
0xc3: {  	s0 =	sadd.s32 $0x8F2B, s0  }
0xc4: {  	[sflag:s0] =	ssyncadd.remote.s32 $0x1  }
0xc5: {  	_ =	sfence.sel $0xFFFF  }
0xc6: {  	[dreg:$0x0] =	wrdreg $0xFFFFFFFF;
	(pc) =	sbr.abs _section_cstart, $3  }
0xc7: {  	[dreg:$0x1] =	wrdreg $0xFFFFFFFF  }
0xc8: {  	_ =	task.clear_ibuf [dreg:s7], $0x2FFFF;
	_ =	strace $0x9FFFFFFF  }
0xc9: {  	(tm) =	ssettm $0x7FFFFFFF  }
tec
execute0_lowered:
.L_overlay_start_1:
0x0: {  	(tag) =	ssettag $0x1  }
0x1: {  	s5 =	rddreg [dreg:$0x0]  }
0x2: {  	s12 =	rddreg [dreg:$0x1]  }
0x3: {  	s0 =	srdreg.scid;
	s2 =	stileid.u32  }
0x4: {  	s1 =	rddreg [dreg:$0x2];
	s8 =	smul.u32 $0x14000, s2  }
0x5: {  	s3 =	simm.s32 $0x0;
	s18 =	simm.s32 $0x1;
	s9 =	smul.u32 $0x52000, s2  }
0x6: {  	s6 =	sand.u32 $0x1, s0;
	s0 =	rddreg [dreg:$0x3];
	s16 =	smul.u32 $0x50000, s2  }
0x7: {  	s20 =	simm.s32 $0x0;
	[smem:$0x7FF] =	sst s3;
	s13 =	smul.u32 $0x4F00, s6  }
0x8: {  	s4 =	sadd.s32 $0xF800, s5;
	s7 =	smul.u32 $0x140000, s6;
	s6 =	ssub.s32 $0x2, s6  }
0x9: {  	s17 =	smul.u32 $0x4F0, s2;
	_ =	strace $0x80000050;
	s30 =	sshrl.u32 s6, $0x1  }
0xa: {  	s9 =	sshrl.u32 s9, $0x2;
	s16 =	sshrl.u32 s16, $0x2;
	s14 =	sadd.s32 s13, s5  }
0xb: {  	s7 =	sadd.s32 s8, s7;
	s15 =	ssub.s32 s6, s30;
	s19 =	sadd.s32 s16, s1  }
0xc: {  	s31 =	sadd.s32 s13, s12;
	s16 =	simm.s32 $0x2;
	s7 =	sshrl.u32 s7, $0x3  }
0xd: {  	s14 =	sadd.s32 s17, s14;
	s12 =	smax.u32 s15, $0x1;
	s15 =	simm.s32 $0x100  }
0xe: {  	s19 =	sshrl.u32 s19, $0x3;
	s11 =	sadd.s32 s7, s5;
	s5 =	sadd.s32 s9, s1  }
0xf: {  	s13 =	sadd.s32 $0x5A00, s14;
	s14 =	sadd.s32 s17, s31;
	s17 =	simm.s32 $0x80  }
0x10: {  	s6 =	sadd.s32 $0x4000, s5;
	s7 =	sadd.s32 $0x8000, s5;
	s8 =	sadd.s32 $0xC000, s5  }
0x11: {  	v0 =	vimm.f32 $0.0e+00;
	s9 =	sadd.s32 $0x10000, s5;
	s10 =	sadd.s32 $0x14000, s5;
	s11 =	sadd.s32 $0x87800, s11  }
.LBB2_1:
0x12: {  	s21 =	sand.u32 $0xFE00, s3  }
0x13: {  	s22 =	sand.u32 $0x70, s3;
	s23 =	sshrl.u32 s21, $0x2  }
0x14: {  	s21 =	simm.s32 $0x40;
	s23 =	sor.u32 s22, s23;
	s22 =	simm.s32 $0x0  }
.LBB2_2:
0x15: {  	p0 =	sne.s32 s21, $0xFFC0  }
0x16: {  	[tilespmem:s23+$0x100] =	vst v0;
	s22 =	sadd.s32 $0x10, s22;
	s23 =	smov.u32 s21;
	s21 =	sadd.s32 $0x40, s21  }
.Ltmp0:
0x17: {  	(pc) =	sbr.rel @p0 .LBB2_2-.Ltmp0, $4  }
0x18: {  	_ = 	snop  }
0x19: {  	s23 =	sand.u32 $0xFE00, s23  }
0x1a: {  	s24 =	sand.u32 $0x70, s22;
	s23 =	sshrl.u32 s23, $0x2  }
0x1b: {  	s23 =	sor.u32 s24, s23  }
0x1c: {  	[tilespmem:s23+$0x100] =	vst v0  }
0x1d: {  	[spmem:s5] =	stream.linear.scatter [tilespmem:s15], [sflag:$0x2], $0x4000, $0x38;
	[tilespmem:$0x18900] =	vst v63  }
0x1e: {  	_ =	swait.ge [sflag:s16], $0x4000  }
0x1f: {  	[sflag:s16] =	ssyncset.done $0x0  }
0x20: {  	[sflag:s16] =	ssyncadd.s32 $0xFFFFC000  }
0x21: {  	[spmem:s6] =	stream.linear.scatter [tilespmem:s15], [sflag:$0x2], $0x4000, $0x38;
	[tilespmem:$0x18900] =	vst v63  }
0x22: {  	_ =	swait.ge [sflag:s16], $0x4000  }
0x23: {  	[sflag:s16] =	ssyncset.done $0x0  }
0x24: {  	[sflag:s16] =	ssyncadd.s32 $0xFFFFC000  }
0x25: {  	[spmem:s7] =	stream.linear.scatter [tilespmem:s15], [sflag:$0x2], $0x4000, $0x38;
	[tilespmem:$0x18900] =	vst v63  }
0x26: {  	_ =	swait.ge [sflag:s16], $0x4000  }
0x27: {  	[sflag:s16] =	ssyncset.done $0x0  }
0x28: {  	[sflag:s16] =	ssyncadd.s32 $0xFFFFC000  }
0x29: {  	[spmem:s8] =	stream.linear.scatter [tilespmem:s15], [sflag:$0x2], $0x4000, $0x38;
	[tilespmem:$0x18900] =	vst v63  }
0x2a: {  	_ =	swait.ge [sflag:s16], $0x4000  }
0x2b: {  	[sflag:s16] =	ssyncset.done $0x0  }
0x2c: {  	[sflag:s16] =	ssyncadd.s32 $0xFFFFC000  }
0x2d: {  	[spmem:s9] =	stream.linear.scatter [tilespmem:s15], [sflag:$0x2], $0x4000, $0x38;
	[tilespmem:$0x18900] =	vst v63  }
0x2e: {  	_ =	swait.ge [sflag:s16], $0x4000  }
0x2f: {  	[sflag:s16] =	ssyncset.done $0x0  }
0x30: {  	[sflag:s16] =	ssyncadd.s32 $0xFFFFC000  }
0x31: {  	[spmem:s10] =	stream.linear.scatter [tilespmem:s15], [sflag:$0x2], $0x800, $0x38;
	[tilespmem:$0x18900] =	vst v63  }
0x32: {  	_ =	swait.ge [sflag:s16], $0x800  }
0x33: {  	[sflag:s16] =	ssyncset.done $0x0  }
0x34: {  	[sflag:s16] =	ssyncadd.s32 $0xFFFFF800  }
0x35: {  	s21 =	sadd.s32 $0x0, s14;
	[bflag:$0x0] =	sbarrier.arrive $0xFFFF  }
0x36: {  	[tilespmem:s3], [sflag:$0x2] =	stream.linear.gather [hbm4b:s21+s3], $0x80, $0x38;
	[tilespmem:$0x18900] =	vst v63  }
0x37: {  	_ =	swait.ge [sflag:s16], $0x80  }
0x38: {  	[sflag:s16] =	ssyncset.done $0x0  }
0x39: {  	s31 =	sadd.s32 $0x0, s13;
	[sflag:s16] =	ssyncadd.s32 $0xFFFFFF80  }
0x3a: {  	[tilespmem:s17], [sflag:$0x2] =	stream.linear.gather [hbm4b:s31+s3], $0x80, $0x38;
	[tilespmem:$0x18900] =	vst v63  }
0x3b: {  	_ =	swait.ge [sflag:s16], $0x80  }
0x3c: {  	[sflag:s16] =	ssyncset.done $0x0  }
0x3d: {  	[sflag:s16] =	ssyncadd.s32 $0xFFFFFF80  }
0x3e: {  	[tilespmem:s15], [sflag:$0x1] =	stream.indirect.gather [hbm4b:s4+s17], $0x80, s3, s17, $0xb8;
	[tilespmem:$0x18900] =	vst v63  }
0x3f: {  	_ =	swait.ge [sflag:s18], $0x4000  }
0x40: {  	[sflag:s18] =	ssyncset.done $0x0  }
0x41: {  	[sflag:s18] =	ssyncadd.s32 $0xFFFFC000  }
0x42: {  	[spmem:s1] =	stream.indirect.scatter.add.f32 [tilespmem:s15], [sflag:$0x2], $0x80, s17, s17, $0xb8;
	[tilespmem:$0x18900] =	vst v63  }
0x43: {  	_ =	swait.ge [sflag:s16], $0x4000  }
0x44: {  	s22 =	simm.s32 $0x20;
	s21 =	simm.s32 $0x10;
	[sflag:s16] =	ssyncset.done $0x0  }
.LBB2_4:
0x45: {  	s23 =	sadd.s32 s21, s14  }
0x46: {  	[sflag:s16] =	ssyncadd.s32 $0xFFFFC000;
	s24 =	smov.u32 s22;
	s25 =	sadd.s32 $0x10, s22  }
0x47: {  	[tilespmem:s3], [sflag:$0x2] =	stream.linear.gather [hbm4b:s23+s3], $0x80, $0x38;
	[tilespmem:$0x18900] =	vst v63  }
0x48: {  	p0 =	sne.s32 s22, $0x4E0;
	_ =	swait.ge [sflag:s16], $0x80  }
0x49: {  	[sflag:s16] =	ssyncset.done $0x0  }
0x4a: {  	s22 =	sadd.s32 s21, s13;
	s21 =	smov.u32 s24;
	[sflag:s16] =	ssyncadd.s32 $0xFFFFFF80  }
0x4b: {  	[tilespmem:s17], [sflag:$0x2] =	stream.linear.gather [hbm4b:s22+s3], $0x80, $0x38;
	[tilespmem:$0x18900] =	vst v63  }
0x4c: {  	_ =	swait.ge [sflag:s16], $0x80  }
0x4d: {  	[sflag:s16] =	ssyncset.done $0x0  }
0x4e: {  	[sflag:s16] =	ssyncadd.s32 $0xFFFFFF80  }
0x4f: {  	[tilespmem:s15], [sflag:$0x1] =	stream.indirect.gather [hbm4b:s4+s17], $0x80, s3, s17, $0xb8;
	[tilespmem:$0x18900] =	vst v63  }
0x50: {  	_ =	swait.ge [sflag:s18], $0x4000  }
.Ltmp1:
0x51: {  	[sflag:s18] =	ssyncset.done $0x0;
	(pc) =	sbr.rel @p0 .LBB2_4-.Ltmp1, $4  }
0x52: {  	[sflag:s18] =	ssyncadd.s32 $0xFFFFC000  }
0x53: {  	[spmem:s1] =	stream.indirect.scatter.add.f32 [tilespmem:s15], [sflag:$0x2], $0x80, s17, s17, $0xb8;
	[tilespmem:$0x18900] =	vst v63  }
0x54: {  	_ =	swait.ge [sflag:s16], $0x4000  }
0x55: {  	s22 =	smov.u32 s25;
	[sflag:s16] =	ssyncset.done $0x0  }
0x56: {  	s22 =	sadd.s32 s21, s14;
	[sflag:s16] =	ssyncadd.s32 $0xFFFFC000  }
0x57: {  	[tilespmem:s3], [sflag:$0x2] =	stream.linear.gather [hbm4b:s22+s3], $0x80, $0x38;
	[tilespmem:$0x18900] =	vst v63  }
0x58: {  	_ =	swait.ge [sflag:s16], $0x80  }
0x59: {  	[sflag:s16] =	ssyncset.done $0x0  }
0x5a: {  	s30 =	sadd.s32 s21, s13;
	[sflag:s16] =	ssyncadd.s32 $0xFFFFFF80  }
0x5b: {  	[tilespmem:s17], [sflag:$0x2] =	stream.linear.gather [hbm4b:s30+s3], $0x80, $0x38;
	[tilespmem:$0x18900] =	vst v63  }
0x5c: {  	_ =	swait.ge [sflag:s16], $0x80  }
0x5d: {  	[sflag:s16] =	ssyncset.done $0x0  }
0x5e: {  	[sflag:s16] =	ssyncadd.s32 $0xFFFFFF80  }
0x5f: {  	[tilespmem:s15], [sflag:$0x1] =	stream.indirect.gather [hbm4b:s4+s17], $0x80, s3, s17, $0xb8;
	[tilespmem:$0x18900] =	vst v63  }
0x60: {  	_ =	swait.ge [sflag:s18], $0x4000  }
0x61: {  	[sflag:s18] =	ssyncset.done $0x0  }
0x62: {  	[sflag:s18] =	ssyncadd.s32 $0xFFFFC000  }
0x63: {  	[spmem:s1] =	stream.indirect.scatter.add.f32 [tilespmem:s15], [sflag:$0x2], $0x80, s17, s17, $0xb8;
	[tilespmem:$0x18900] =	vst v63  }
0x64: {  	_ =	swait.ge [sflag:s16], $0x4000  }
0x65: {  	s20 =	sadd.s32 $0x1, s20;
	[sflag:s16] =	ssyncset.done $0x0  }
0x66: {  	s31 =	sshll.u32 s2, $0x6;
	p0 =	sne.s32 s20, s12;
	[sflag:s16] =	ssyncadd.s32 $0xFFFFC000  }
.Ltmp2:
0x67: {  	s21 =	sor.u32 $0x1C02, s31;
	[bflag:$0x0] =	sbarrier.arrive $0xFFFF;
	(pc) =	sbr.rel @p0 .LBB2_1-.Ltmp2, $4  }
0x68: {  	[hbm:s11], [sflag:s21] =	dma.local [spmem:s19], $0x2800  }
0x69: {  	_ =	swait.ge [sflag:s16], $0x2800  }
0x6a: {  	[sflag:s16] =	ssyncset.done $0x0  }
0x6b: {  	[sflag:s16] =	ssyncadd.s32 $0xFFFFD800  }
0x6c: {  	_ =	sfence.sel $0x180000  }
0x6d: {  	[bflag:$0x0] =	sbarrier.arrive $0xFFFF  }
0x6e: {  	p0 =	sne.s32 s2, $0x0;
	_ =	strace $0x90000050  }
0x6f: {  	s0 =	sadd.s32 @!p0 $0x100000, s0;
	[bflag:$0x2] =	sbarrier.arrive $0xFFFF  }
0x70: {  	[sflag:s0] =	ssyncadd.tile.s32 @!p0 $0x1;
	_ =	shalt  }
.Lfunc_end2:
_tile_overlayer_lowered:
.L_overlay_start_2:
0x71: {  	(tag) =	ssettag $0x2  }
0x72: {  	s0 =	rddreg [dreg:$0x0];
	s2 =	stileid.u32  }
0x73: {  	s1 =	rddreg [dreg:$0x1];
	p0 =	sne.s32 s2, $0x0  }
0x74: {  	s3 =	rddreg [dreg:$0x2];
	[bflag:$0x3] =	sbarrier.arrive $0xFFFF;
	s2 =	simm.s32 @!p0 $0x1C02  }
0x75: {  	[timem:s3], [sflag:s2] =	dma.local @!p0 [hbm:s0], s1  }
0x76: {  	s0 =	simm.s32 @!p0 $0x2  }
0x77: {  	_ =	swait.ge @!p0 [sflag:s0], s1  }
0x78: {  	s1 =	ssub.s32 @!p0 $0x0, s1;
	[sflag:s0] =	ssyncset.done @!p0 $0x0  }
0x79: {  	[sflag:s0] =	ssyncadd.s32 @!p0 s1  }
0x7a: {  	[bflag:$0x3] =	sbarrier.arrive $0xFFFF  }
0x7b: {  	_ =	shalt  }

// kernel: kernel.24.cloned.1.call-start
scs
__scs_entry_jumppad:
0x0: {  	(pc) =	sbr.rel $0x88, $3  }
0x1: {  	(tag) =	ssettag $0x0;
	lr =	simm.s32 $0x1  }
0x2: {  	[smem:$0x3F91] =	sst lr;
	_ =	strace $0xD0000000  }
0x3: {  	_ = 	snop  }
0x4: {  	_ = 	snop  }
0x5: {  	_ = 	snop  }
0x6: {  	_ = 	snop  }
0x7: {  	_ = 	snop  }
__scs_overlays_trampoline_lowered:
0x8: {  	[smem:$0x3FA0] =	sst s0  }
0x9: {  	[smem:$0x3FA1] =	sst s1  }
0xa: {  	[smem:$0x3FA2] =	sst s2  }
0xb: {  	[smem:$0x3FA3] =	sst s3  }
0xc: {  	[smem:$0x3FA4] =	sst s4  }
0xd: {  	[smem:$0x3FA5] =	sst s5  }
0xe: {  	[smem:$0x3FA6] =	sst s6  }
0xf: {  	[smem:$0x3FA7] =	sst s7  }
0x10: {  	[smem:$0x3FA8] =	sst s8  }
0x11: {  	[smem:$0x3FA9] =	sst s9;
	s0 =	simm.s32 @!p0 $0x0  }
0x12: {  	s1 =	sld [smem:$0x3F8F];
	s0 =	simm.s32 @p0 $0x1  }
0x13: {  	[smem:$0x3FAA] =	sst s0;
	s0 =	simm.s32 @!p1 $0x0  }
0x14: {  	s2 =	sld [smem:$0x3F8E];
	s0 =	simm.s32 @p1 $0x1  }
0x15: {  	[smem:$0x3FAB] =	sst s0;
	s0 =	simm.s32 @!p2 $0x0  }
0x16: {  	s3 =	sld [smem:$0x3FDB];
	s0 =	simm.s32 @p2 $0x1  }
0x17: {  	s4 =	simm.s32 $0x1BF5;
	[smem:$0x3FAD] =	sst s0  }
0x18: {  	s0 =	sld [smem:$0x3F90];
	_ =	swait.ge [sflag:s4], $0x0  }
0x19: {  	s7 =	sld [smem:$0x3F91]  }
0x1a: {  	s8 =	sadd.s32 $0xFFFFE003, lr  }
0x1b: {  	s9 =	sadd.s32 $0xFFFFFEF7, lr;
	s5 =	simm.s32 $0xFFFFFFFF;
	p2 =	slt.u32 s8, $0xFFFFF086  }
0x1c: {  	p1 =	slt.u32 s9, $0xF7A;
	s5 =	simm.s32 @!p2 $0x0  }
0x1d: {  	s5 =	simm.s32 @p1 $0x1;
	p0 =	seq.s32 s7, s2  }
0x1e: {  	s7 =	smul.u32 @!p0 $0xF7A, s2;
	p2 =	seq.s32 @!p0 s5, $0x0  }
0x1f: {  	s9 =	smul.u32 $0xF7A, s1;
	s8 =	simm.s32 @!p0 $0x1BF5;
	p2 =	por !p2, p0  }
0x20: {  	[sflag:s8] =	ssyncset.s32 @!p0 $0xFFFFF086;
	s6 =	sadd.s32 @!p0 s3, s7;
	s7 =	simm.s32 @!p0 $0x108  }
0x21: {  	s3 =	sadd.s32 s3, s9;
	s6 =	sadd.s32 @!p0 $0x88, s6;
	s7 =	simm.s32 @p2 $0x1082  }
0x22: {  	[simem:s7], [sflag:s8] =	dma.local @!p0 [hbm:s6], $0xF7A  }
0x23: {  	s9 =	sor.u32 $0xD0000000, s2;
	s6 =	simm.s32 $0x108;
	_ =	swait.ge @!p0 [sflag:s8], $0x0  }
0x24: {  	s3 =	sadd.s32 $0x88, s3;
	s6 =	simm.s32 @!p1 $0x1082;
	[sflag:s4] =	ssyncset.s32 $0xFFFFF086  }
0x25: {  	[simem:s6], [sflag:s4] =	dma.local [hbm:s3], $0xF7A  }
0x26: {  	[smem:$0x3F91] =	sst s1;
	(tag) =	ssettag s2;
	_ =	strace s9  }
0x27: {  	s1 =	sld [smem:$0x3FA1]  }
0x28: {  	s2 =	sld [smem:$0x3FA2]  }
0x29: {  	s4 =	sld [smem:$0x3FA4]  }
0x2a: {  	p0 =	seq.s32 s5, $0x0;
	s5 =	sld [smem:$0x3FA5]  }
0x2b: {  	s6 =	sld [smem:$0x3FA6]  }
0x2c: {  	s7 =	sld [smem:$0x3FA7]  }
0x2d: {  	s3 =	simm.s32 $0x108;
	s8 =	sld [smem:$0x3FA8]  }
0x2e: {  	s3 =	simm.s32 @!p0 $0x1082;
	s9 =	sld [smem:$0x3FA9]  }
0x2f: {  	lr =	sadd.s32 s0, s3;
	s0 =	sld [smem:$0x3FA0]  }
0x30: {  	s3 =	sld [smem:$0x3FA3]  }
0x31: {  	[smem:$0x3FAC] =	sst s10  }
0x32: {  	s10 =	sld [smem:$0x3FAA];
	_ =	sdelay $0x3  }
0x33: {  	p0 =	seq.s32 s10, $0x1;
	s10 =	sld [smem:$0x3FAC];
	_ =	sdelay $0x3  }
0x34: {  	[smem:$0x3FAC] =	sst s10  }
0x35: {  	s10 =	sld [smem:$0x3FAB];
	_ =	sdelay $0x3  }
0x36: {  	p1 =	seq.s32 s10, $0x1;
	s10 =	sld [smem:$0x3FAC];
	_ =	sdelay $0x3  }
0x37: {  	[smem:$0x3FAC] =	sst s10  }
0x38: {  	s10 =	sld [smem:$0x3FAD]  }
0x39: {  	_ = 	snop;
	(pc) =	sbr.ind lr, $3  }
0x3a: {  	_ = 	snop  }
0x3b: {  	_ = 	snop  }
0x3c: {  	p2 =	seq.s32 s10, $0x1;
	s10 =	sld [smem:$0x3FAC]  }
0x3d: {  	_ =	shalt  }
0x3e: {  	_ =	shalt  }
0x3f: {  	_ =	shalt  }
0x40: {  	_ =	shalt  }
0x41: {  	_ =	shalt  }
0x42: {  	_ =	shalt  }
0x43: {  	_ =	shalt  }
0x44: {  	_ =	shalt  }
0x45: {  	_ =	shalt  }
0x46: {  	_ =	shalt  }
0x47: {  	_ =	shalt  }
0x48: {  	_ =	shalt  }
0x49: {  	_ =	shalt  }
0x4a: {  	_ =	shalt  }
0x4b: {  	_ =	shalt  }
0x4c: {  	_ =	shalt  }
0x4d: {  	_ =	shalt  }
0x4e: {  	_ =	shalt  }
0x4f: {  	_ =	shalt  }
0x50: {  	_ =	shalt  }
0x51: {  	_ =	shalt  }
0x52: {  	_ =	shalt  }
0x53: {  	_ =	shalt  }
0x54: {  	_ =	shalt  }
0x55: {  	_ =	shalt  }
0x56: {  	_ =	shalt  }
0x57: {  	_ =	shalt  }
0x58: {  	_ =	shalt  }
0x59: {  	_ =	shalt  }
0x5a: {  	_ =	shalt  }
0x5b: {  	_ =	shalt  }
0x5c: {  	_ =	shalt  }
0x5d: {  	_ =	shalt  }
0x5e: {  	_ =	shalt  }
0x5f: {  	_ =	shalt  }
0x60: {  	_ =	shalt  }
0x61: {  	_ =	shalt  }
0x62: {  	_ =	shalt  }
0x63: {  	_ =	shalt  }
0x64: {  	_ =	shalt  }
0x65: {  	_ =	shalt  }
0x66: {  	_ =	shalt  }
0x67: {  	_ =	shalt  }
0x68: {  	_ =	shalt  }
0x69: {  	_ =	shalt  }
0x6a: {  	_ =	shalt  }
0x6b: {  	_ =	shalt  }
0x6c: {  	_ =	shalt  }
0x6d: {  	_ =	shalt  }
0x6e: {  	_ =	shalt  }
0x6f: {  	_ =	shalt  }
0x70: {  	_ =	shalt  }
0x71: {  	_ =	shalt  }
0x72: {  	_ =	shalt  }
0x73: {  	_ =	shalt  }
0x74: {  	_ =	shalt  }
0x75: {  	_ =	shalt  }
0x76: {  	_ =	shalt  }
0x77: {  	_ =	shalt  }
0x78: {  	_ =	shalt  }
0x79: {  	_ =	shalt  }
0x7a: {  	_ =	shalt  }
0x7b: {  	_ =	shalt  }
0x7c: {  	_ =	shalt  }
0x7d: {  	_ =	shalt  }
0x7e: {  	_ =	shalt  }
0x7f: {  	_ =	shalt  }
0x80: {  	_ =	shalt  }
0x81: {  	_ =	shalt  }
0x82: {  	_ =	shalt  }
0x83: {  	_ =	shalt  }
0x84: {  	_ =	shalt  }
0x85: {  	_ =	shalt  }
0x86: {  	_ =	shalt  }
0x87: {  	_ =	shalt  }
.Lfunc_end0:
.L_simem_size_0:
called_computation.4_lowered:
.L_overlay_start_0:
0x88: {  	s2 =	sld [smem:$0x3FD9]  }
0x89: {  	s3 =	sld [smem:$0x3FFE];
	_ =	sdelay $0x1  }
0x8a: {  	s1 =	srdreg.scid  }
0x8b: {  	s0 =	sand.u32 $0x1, s1  }
0x8c: {  	s14 =	sshll.u32 s0, $0xA;
	s2 =	sadd.s32 s3, s2  }
0x8d: {  	s2 =	sadd.s32 s2, s14  }
0x8e: {  	[smem:$0x3FB8] =	sst s2  }
0x8f: {  	_ = 	snop  }
0x90: {  	s2 =	sld [smem:$0x3FD0];
	_ =	sdelay $0x2  }
0x91: {  	s15 =	simm.s32 $0xB;
	s4 =	simm.s32 $0x10  }
0x92: {  	[smem:s4], [sflag:s15] =	dma.local [hbm:s2], $0x1  }
0x93: {  	_ =	swait.eq [sflag:s15], $0x1  }
0x94: {  	[sflag:s15] =	ssyncset.done $0x0  }
0x95: {  	[sflag:s15] =	ssyncadd.s32 $0xFFFFFFFF  }
0x96: {  	s16 =	sld [smem:$0x11];
	(tm) =	ssettm $0x1  }
0x97: {  	s17 =	sld [smem:$0x3FFB];
	_ =	sdelay $0x3  }
0x98: {  	_ =	strace s17  }
0x99: {  	s3 =	sld [smem:$0x3FFC];
	_ =	sdelay $0x3  }
0x9a: {  	_ =	strace s3  }
0x9b: {  	s3 =	sld [smem:$0x3FFD];
	_ =	sdelay $0x3  }
0x9c: {  	_ =	strace s3  }
0x9d: {  	_ =	strace $0x8FFFFFFF  }
0x9e: {  	s18 =	sld [smem:$0x3FDB];
	_ =	sdelay $0x1  }
0x9f: {  	s19 =	simm.s32 $_scs_section_size  }
0xa0: {  	s5 =	simm.s32 $_size__tile_overlayer_lowered;
	s6 =	simm.s32 $_tile_overlayer_lowered  }
0xa1: {  	s22 =	simm.s32 $0x1BFF;
	s21 =	sshll.u32 s6, $0x1;
	s3 =	sadd.s32 s19, s18  }
0xa2: {  	s7 =	simm.s32 $0x0;
	s20 =	sshll.u32 s5, $0x1;
	s5 =	sadd.s32 s21, s3  }
0xa3: {  	[timem:s7], [sflag:s22] =	dma.local [hbm:s5], s20  }
0xa4: {  	_ =	swait.ge [sflag:s22], s20  }
0xa5: {  	s4 =	ssub.s32 $0x0, s20;
	[sflag:s22] =	ssyncset.done $0x0  }
0xa6: {  	[sflag:s22] =	ssyncadd.s32 s4;
	_ =	sdelay $0x1  }
0xa7: {  	s23 =	simm.s32 $0x1B8B  }
0xa8: {  	_ =	swait.ge [sflag:s23], $0x1  }
0xa9: {  	[sflag:s23] =	ssyncset.done $0x0  }
0xaa: {  	s25 =	simm.s32 $0x1B8E;
	s24 =	sld [smem:$0x3FFE];
	[sflag:s23] =	ssyncadd.s32 $0xFFFFFFFF  }
0xab: {  	s26 =	simm.s32 $execute0_lowered;
	[smem:$0x3FD2] =	sst s25  }
0xac: {  	s5 =	sshll.u32 s26, $0x1;
	_ =	strace $0x80000052;
	[dreg:$0x1] =	wrdreg $0xFFFFFFFF  }
0xad: {  	s28 =	simm.s32 $_size_execute0_lowered;
	s3 =	sadd.s32 s3, s5;
	[dreg:$0x0] =	wrdreg $0x0  }
0xae: {  	s5 =	sshll.u32 s28, $0x1;
	[dreg:$0x2] =	wrdreg s3  }
0xaf: {  	[dreg:$0x3] =	wrdreg s5  }
0xb0: {  	[dreg:$0x4] =	wrdreg $0xC0  }
0xb1: {  	_ =	task [dreg:s7], $0x5FFFF  }
0xb2: {  	[dreg:$0x1] =	wrdreg $0xFFFFFFFF  }
0xb3: {  	[dreg:$0x0] =	wrdreg $0x60  }
0xb4: {  	[dreg:$0x2] =	wrdreg s24  }
0xb5: {  	[dreg:$0x3] =	wrdreg s16  }
0xb6: {  	[dreg:$0x4] =	wrdreg $0x9  }
0xb7: {  	_ =	task.clear_ibuf [dreg:s7], $0x5FFFF;
	_ =	strace $0x90000052  }
0xb8: {  	s29 =	simm.s32 $0x9;
	_ =	strace $0x80000054  }
0xb9: {  	_ =	swait.ge [sflag:s29], $0x1  }
0xba: {  	[sflag:s29] =	ssyncadd.s32 $0xFFFFFFFF  }
0xbb: {  	_ =	strace $0x90000054  }
0xbc: {  	_ =	sfence  }
0xbd: {  	s30 =	sld [smem:$0x0];
	_ =	sdelay $0x2  }
0xbe: {  	s31 =	sshll.u32 s1, $0xD;
	s1 =	sshrl.u32 s1, $0x2  }
0xbf: {  	s3 =	sand.u32 $0x4000, s31;
	s1 =	sadd.s32 s1, s30  }
0xc0: {  	s0 =	sor.u32 s3, s0;
	s1 =	sshll.u32 s1, $0x11  }
0xc1: {  	s0 =	sor.u32 s1, s0  }
0xc2: {  	s0 =	sadd.s32 $0x8F2B, s0  }
0xc3: {  	[sflag:s0] =	ssyncadd.remote.s32 $0x1  }
0xc4: {  	_ =	sfence.sel $0xFFFF  }
0xc5: {  	[dreg:$0x0] =	wrdreg $0xFFFFFFFF;
	(pc) =	sbr.abs _section_cstart, $3  }
0xc6: {  	[dreg:$0x1] =	wrdreg $0xFFFFFFFF  }
0xc7: {  	_ =	task.clear_ibuf [dreg:s7], $0x2FFFF;
	_ =	strace $0x9FFFFFFF  }
0xc8: {  	(tm) =	ssettm $0x7FFFFFFF  }
0xc9: {  	_ =	shalt  }
tec
execute0_lowered:
.L_overlay_start_1:
0x0: {  	(tag) =	ssettag $0x1  }
0x1: {  	s5 =	rddreg [dreg:$0x0]  }
0x2: {  	s9 =	rddreg [dreg:$0x1]  }
0x3: {  	s0 =	rddreg [dreg:$0x2];
	s2 =	simm.s32 $0x0;
	s1 =	srdreg.scid  }
0x4: {  	s13 =	simm.s32 $0x4100;
	s14 =	simm.s32 $0x1;
	s6 =	sand.u32 $0x1, s1  }
0x5: {  	s15 =	simm.s32 $0x2;
	s1 =	stileid.u32;
	s7 =	smul.u32 $0x27800, s6  }
0x6: {  	s16 =	simm.s32 $0x0;
	[smem:$0x7FF] =	sst s2;
	s8 =	smul.u32 $0x2780, s1  }
0x7: {  	s3 =	sadd.s32 $0xF800, s5;
	s4 =	sadd.s32 $0x37800, s5;
	s10 =	smul.u32 $0x278000, s6  }
0x8: {  	_ =	strace $0x80000053;
	s6 =	ssub.s32 $0x2, s6;
	s28 =	smul.u32 $0x27800, s1  }
0x9: {  	s30 =	sshrl.u32 s6, $0x1;
	s7 =	sadd.s32 s8, s7;
	s29 =	sadd.s32 s10, s5  }
0xa: {  	s31 =	ssub.s32 s6, s30;
	s10 =	simm.s32 $0x3;
	s11 =	sshrl.u32 s7, $0x3  }
0xb: {  	s7 =	sadd.s32 s28, s29;
	s12 =	sadd.s32 s11, s5;
	s5 =	smax.u32 s31, $0x1  }
0xc: {  	s6 =	sadd.s32 $0x5F800, s7;
	s7 =	sadd.s32 $0x54F800, s7;
	s9 =	sadd.s32 s11, s9  }
0xd: {  	s11 =	simm.s32 $0x80;
	s8 =	sadd.s32 $0x5A00, s12;
	s12 =	simm.s32 $0x100  }
.LBB2_1:
0xe: {  	s17 =	sadd.s32 $0x0, s9  }
0xf: {  	[tilespmem:s2], [sflag:$0x3] =	stream.linear.gather [hbm4b:s17+s2], $0x80, $0x38;
	[tilespmem:$0x8100] =	vst v63  }
0x10: {  	_ =	swait.ge [sflag:s10], $0x80  }
0x11: {  	[sflag:s10] =	ssyncset.done $0x0  }
0x12: {  	s31 =	sadd.s32 $0x0, s8;
	[sflag:s10] =	ssyncadd.s32 $0xFFFFFF80  }
0x13: {  	[tilespmem:s11], [sflag:$0x3] =	stream.linear.gather [hbm4b:s31+s2], $0x80, $0x38;
	[tilespmem:$0x8100] =	vst v63  }
0x14: {  	_ =	swait.ge [sflag:s10], $0x80  }
0x15: {  	[sflag:s10] =	ssyncset.done $0x0  }
0x16: {  	[sflag:s10] =	ssyncadd.s32 $0xFFFFFF80  }
0x17: {  	[tilespmem:s12], [sflag:$0x1] =	stream.indirect.gather [hbm4b:s3+s11], $0x80, s2, s11, $0xb8;
	[tilespmem:$0x8100] =	vst v63  }
0x18: {  	_ = 	snop  }
0x19: {  	[tilespmem:s13], [sflag:$0x2] =	stream.indirect.gather [hbm4b:s4+s11], $0x80, s11, s11, $0xb8;
	[tilespmem:$0x8100] =	vst v63  }
0x1a: {  	_ =	swait.ge [sflag:s14], $0x4000  }
0x1b: {  	[sflag:s14] =	ssyncset.done $0x0  }
0x1c: {  	[sflag:s14] =	ssyncadd.s32 $0xFFFFC000  }
0x1d: {  	[hbm4b:s6+s2] =	stream.linear.scatter [tilespmem:s12], [sflag:$0x3], $0x4000, $0x38;
	[tilespmem:$0x8100] =	vst v63  }
0x1e: {  	_ =	swait.ge [sflag:s10], $0x4000  }
0x1f: {  	[sflag:s10] =	ssyncset.done $0x0  }
0x20: {  	[sflag:s10] =	ssyncadd.s32 $0xFFFFC000  }
0x21: {  	_ =	swait.ge [sflag:s15], $0x4000  }
0x22: {  	[sflag:s15] =	ssyncset.done $0x0  }
0x23: {  	[sflag:s15] =	ssyncadd.s32 $0xFFFFC000  }
0x24: {  	[hbm4b:s7+s2] =	stream.linear.scatter [tilespmem:s13], [sflag:$0x3], $0x4000, $0x38;
	[tilespmem:$0x8100] =	vst v63  }
0x25: {  	s19 =	simm.s32 $0x10;
	s20 =	simm.s32 $0x20;
	_ =	swait.ge [sflag:s10], $0x4000  }
0x26: {  	s18 =	sadd.s32 $0x800, s6;
	s17 =	sadd.s32 $0x800, s7;
	[sflag:s10] =	ssyncset.done $0x0  }
.LBB2_2:
0x27: {  	s21 =	sadd.s32 s19, s9  }
0x28: {  	[sflag:s10] =	ssyncadd.s32 $0xFFFFC000;
	s22 =	smov.u32 s20;
	s23 =	sadd.s32 $0x10, s20  }
0x29: {  	[tilespmem:s2], [sflag:$0x3] =	stream.linear.gather [hbm4b:s21+s2], $0x80, $0x38;
	[tilespmem:$0x8100] =	vst v63  }
0x2a: {  	p0 =	sne.s32 s20, $0x4E0;
	_ =	swait.ge [sflag:s10], $0x80  }
0x2b: {  	[sflag:s10] =	ssyncset.done $0x0  }
0x2c: {  	s20 =	sadd.s32 s19, s8;
	s19 =	smov.u32 s22;
	[sflag:s10] =	ssyncadd.s32 $0xFFFFFF80  }
0x2d: {  	[tilespmem:s11], [sflag:$0x3] =	stream.linear.gather [hbm4b:s20+s2], $0x80, $0x38;
	[tilespmem:$0x8100] =	vst v63  }
0x2e: {  	_ =	swait.ge [sflag:s10], $0x80  }
0x2f: {  	[sflag:s10] =	ssyncset.done $0x0  }
0x30: {  	[sflag:s10] =	ssyncadd.s32 $0xFFFFFF80  }
0x31: {  	[tilespmem:s12], [sflag:$0x1] =	stream.indirect.gather [hbm4b:s3+s11], $0x80, s2, s11, $0xb8;
	[tilespmem:$0x8100] =	vst v63  }
0x32: {  	_ = 	snop  }
0x33: {  	[tilespmem:s13], [sflag:$0x2] =	stream.indirect.gather [hbm4b:s4+s11], $0x80, s11, s11, $0xb8;
	[tilespmem:$0x8100] =	vst v63  }
0x34: {  	_ =	swait.ge [sflag:s14], $0x4000  }
0x35: {  	[sflag:s14] =	ssyncset.done $0x0  }
0x36: {  	[sflag:s14] =	ssyncadd.s32 $0xFFFFC000  }
0x37: {  	[hbm4b:s18+s2] =	stream.linear.scatter [tilespmem:s12], [sflag:$0x3], $0x4000, $0x38;
	[tilespmem:$0x8100] =	vst v63  }
0x38: {  	_ =	swait.ge [sflag:s10], $0x4000  }
0x39: {  	[sflag:s10] =	ssyncset.done $0x0  }
0x3a: {  	[sflag:s10] =	ssyncadd.s32 $0xFFFFC000  }
0x3b: {  	_ =	swait.ge [sflag:s15], $0x4000  }
.Ltmp0:
0x3c: {  	[sflag:s15] =	ssyncset.done $0x0;
	(pc) =	sbr.rel @p0 .LBB2_2-.Ltmp0, $4  }
0x3d: {  	[sflag:s15] =	ssyncadd.s32 $0xFFFFC000  }
0x3e: {  	[hbm4b:s17+s2] =	stream.linear.scatter [tilespmem:s13], [sflag:$0x3], $0x4000, $0x38;
	[tilespmem:$0x8100] =	vst v63  }
0x3f: {  	s20 =	smov.u32 s23;
	_ =	swait.ge [sflag:s10], $0x4000  }
0x40: {  	s18 =	sadd.s32 $0x800, s18;
	s17 =	sadd.s32 $0x800, s17;
	[sflag:s10] =	ssyncset.done $0x0  }
0x41: {  	s20 =	sadd.s32 s19, s9;
	[sflag:s10] =	ssyncadd.s32 $0xFFFFC000  }
0x42: {  	[tilespmem:s2], [sflag:$0x3] =	stream.linear.gather [hbm4b:s20+s2], $0x80, $0x38;
	[tilespmem:$0x8100] =	vst v63  }
0x43: {  	_ =	swait.ge [sflag:s10], $0x80  }
0x44: {  	[sflag:s10] =	ssyncset.done $0x0  }
0x45: {  	s31 =	sadd.s32 s19, s8;
	[sflag:s10] =	ssyncadd.s32 $0xFFFFFF80  }
0x46: {  	[tilespmem:s11], [sflag:$0x3] =	stream.linear.gather [hbm4b:s31+s2], $0x80, $0x38;
	[tilespmem:$0x8100] =	vst v63  }
0x47: {  	_ =	swait.ge [sflag:s10], $0x80  }
0x48: {  	[sflag:s10] =	ssyncset.done $0x0  }
0x49: {  	[sflag:s10] =	ssyncadd.s32 $0xFFFFFF80  }
0x4a: {  	[tilespmem:s12], [sflag:$0x1] =	stream.indirect.gather [hbm4b:s3+s11], $0x80, s2, s11, $0xb8;
	[tilespmem:$0x8100] =	vst v63  }
0x4b: {  	_ = 	snop  }
0x4c: {  	[tilespmem:s13], [sflag:$0x2] =	stream.indirect.gather [hbm4b:s4+s11], $0x80, s11, s11, $0xb8;
	[tilespmem:$0x8100] =	vst v63  }
0x4d: {  	_ =	swait.ge [sflag:s14], $0x4000  }
0x4e: {  	[sflag:s14] =	ssyncset.done $0x0  }
0x4f: {  	[sflag:s14] =	ssyncadd.s32 $0xFFFFC000  }
0x50: {  	[hbm4b:s18+s2] =	stream.linear.scatter [tilespmem:s12], [sflag:$0x3], $0x4000, $0x38;
	[tilespmem:$0x8100] =	vst v63  }
0x51: {  	_ =	swait.ge [sflag:s10], $0x4000  }
0x52: {  	[sflag:s10] =	ssyncset.done $0x0  }
0x53: {  	[sflag:s10] =	ssyncadd.s32 $0xFFFFC000  }
0x54: {  	s16 =	sadd.s32 $0x1, s16;
	_ =	swait.ge [sflag:s15], $0x4000  }
0x55: {  	p0 =	sne.s32 s16, s5;
	[sflag:s15] =	ssyncset.done $0x0  }
.Ltmp1:
0x56: {  	[sflag:s15] =	ssyncadd.s32 $0xFFFFC000;
	(pc) =	sbr.rel @p0 .LBB2_1-.Ltmp1, $4  }
0x57: {  	[hbm4b:s17+s2] =	stream.linear.scatter [tilespmem:s13], [sflag:$0x3], $0x4000, $0x38;
	[tilespmem:$0x8100] =	vst v63  }
0x58: {  	_ =	swait.ge [sflag:s10], $0x4000  }
0x59: {  	[sflag:s10] =	ssyncset.done $0x0  }
0x5a: {  	[sflag:s10] =	ssyncadd.s32 $0xFFFFC000  }
0x5b: {  	_ =	sfence.sel $0x180000  }
0x5c: {  	[bflag:$0x0] =	sbarrier.arrive $0xFFFF  }
0x5d: {  	p0 =	sne.s32 s1, $0x0;
	_ =	strace $0x90000053  }
0x5e: {  	s0 =	sadd.s32 @!p0 $0x100000, s0;
	[bflag:$0x2] =	sbarrier.arrive $0xFFFF  }
0x5f: {  	[sflag:s0] =	ssyncadd.tile.s32 @!p0 $0x1;
	_ =	shalt  }
.Lfunc_end2:
_tile_overlayer_lowered:
.L_overlay_start_2:
0x60: {  	(tag) =	ssettag $0x2  }
0x61: {  	s0 =	rddreg [dreg:$0x0];
	s2 =	stileid.u32  }
0x62: {  	s1 =	rddreg [dreg:$0x1];
	p0 =	sne.s32 s2, $0x0  }
0x63: {  	s3 =	rddreg [dreg:$0x2];
	[bflag:$0x3] =	sbarrier.arrive $0xFFFF;
	s2 =	simm.s32 @!p0 $0x1C03  }
0x64: {  	[timem:s3], [sflag:s2] =	dma.local @!p0 [hbm:s0], s1  }
0x65: {  	s0 =	simm.s32 @!p0 $0x3  }
0x66: {  	_ =	swait.ge @!p0 [sflag:s0], s1  }
0x67: {  	s1 =	ssub.s32 @!p0 $0x0, s1;
	[sflag:s0] =	ssyncset.done @!p0 $0x0  }
0x68: {  	[sflag:s0] =	ssyncadd.s32 @!p0 s1  }
0x69: {  	[bflag:$0x3] =	sbarrier.arrive $0xFFFF  }
0x6a: {  	_ =	shalt  }

</sc_bundles>
